<compile_context>
chip_gen: v7x
topology: tpu7x:2x2x1
jax: 0.10.2.dev20260603
libtpu: 0.0.44.dev20260713+nightly
codegen_flags: <defaults>
</compile_context>

<pallas_src>
import jax
import jax.numpy as jnp
import numpy as np
from jax import lax
from jax.experimental import pallas as pl
from jax.experimental.pallas import tpu as pltpu
from jax.experimental.pallas import tpu_sc as plsc

N = 10000
H = 8
C = 16
D = 128
NB = 10
BLK = N // NB
NC = 2
NS = 16
CH = 80
NCHUNK = 126
NPAIRS = NCHUNK // 2
TOTCH = NC * NS * NCHUNK
EPAD = TOTCH * CH
NSC = 10016
RPTS = NSC // NS

_SD_PAD = np.stack([np.zeros(EPAD, np.int32), np.full(EPAD, N + 8, np.int32)])


def _prep_body(x_ref, w_ref, as_ref, ad_ref, pm_ref, h_ref, hb_ref, at_ref,
               dt_ref, m_ref):
    i = pl.program_id(0)
    h = jnp.dot(x_ref[...], w_ref[...], preferred_element_type=jnp.float32)
    h_ref[...] = h
    hb_ref[...] = jnp.dot(h, pm_ref[...],
                          preferred_element_type=jnp.float32).astype(
                              jnp.bfloat16)
    a_s = jnp.dot(h, as_ref[...], preferred_element_type=jnp.float32)
    a_d = jnp.dot(h, ad_ref[...], preferred_element_type=jnp.float32)
    at_ref[...] = a_s
    dt_ref[...] = a_d
    ms = jnp.max(a_s, axis=0, keepdims=True)
    md = jnp.max(a_d, axis=0, keepdims=True)

    @pl.when(i == 0)
    def _():
        m_ref[...] = jnp.zeros((8, 16), jnp.float32)
        m_ref[0:1, :] = ms
        m_ref[1:2, :] = md

    @pl.when(i > 0)
    def _():
        m_ref[0:1, :] = jnp.maximum(m_ref[0:1, :], ms)
        m_ref[1:2, :] = jnp.maximum(m_ref[1:2, :], md)

    @pl.when(i == NB - 1)
    def _():
        m_ref[2:3, :] = jnp.maximum(m_ref[0:1, :] + m_ref[1:2, :], 0.0)


_prep = pl.pallas_call(
    _prep_body,
    grid=(NB,),
    in_specs=[
        pl.BlockSpec((BLK, D), lambda i: (i, 0)),
        pl.BlockSpec((D, D), lambda i: (0, 0)),
        pl.BlockSpec((D, 16), lambda i: (0, 0)),
        pl.BlockSpec((D, 16), lambda i: (0, 0)),
        pl.BlockSpec((D, D), lambda i: (0, 0)),
    ],
    out_specs=[
        pl.BlockSpec((BLK, D), lambda i: (i, 0)),
        pl.BlockSpec((BLK, D), lambda i: (i, 0)),
        pl.BlockSpec((BLK, 16), lambda i: (i, 0)),
        pl.BlockSpec((BLK, 16), lambda i: (i, 0)),
        pl.BlockSpec((8, 16), lambda i: (0, 0)),
    ],
    out_shape=[
        jax.ShapeDtypeStruct((N, D), jnp.float32),
        jax.ShapeDtypeStruct((N, D), jnp.bfloat16),
        jax.ShapeDtypeStruct((N, 16), jnp.float32),
        jax.ShapeDtypeStruct((NSC, 16), jnp.float32),
        jax.ShapeDtypeStruct((8, 16), jnp.float32),
    ],
)


def _edge_body(h_hbm, as_hbm, ad_hbm, m_hbm, sd_hbm, zacc_hbm, zden_hbm,
               acc_out, den_out,
               sdx0, sdx1, sdsc0, sdsc1, hbuf0, hbuf1, msg0, msg1,
               asb0, asb1, adb0, adb1,
               pbuf0, pbuf1, mbuf, acc_sh, den_sh,
               semg0, semg1, sema0, sema1, semd0, semd1, semi0, semi1,
               semp0, semp1, semm0, semm1):
    c = lax.axis_index("c")
    s = lax.axis_index("s")
    chunk_base = (c * NS + s) * NCHUNK
    sdx = (sdx0, sdx1)
    sdsc = (sdsc0, sdsc1)
    hbuf = (hbuf0, hbuf1)
    msgb = (msg0, msg1)
    asb = (asb0, asb1)
    adb = (adb0, adb1)
    pbuf = (pbuf0, pbuf1)
    semg = (semg0, semg1)
    sema = (sema0, sema1)
    semd = (semd0, semd1)
    semi = (semi0, semi1)
    semp = (semp0, semp1)
    semm = (semm0, semm1)

    pltpu.sync_copy(zacc_hbm.at[pl.ds(s * RPTS, RPTS)],
                    acc_sh.at[pl.ds(s * RPTS, RPTS)])
    pltpu.sync_copy(zden_hbm.at[pl.ds(s * RPTS, RPTS)],
                    den_sh.at[pl.ds(s * RPTS, RPTS)])
    pltpu.sync_copy(m_hbm, mbuf)
    plsc.subcore_barrier()

    def fire(b):
        pltpu.async_copy(h_hbm.at[sdx[b].at[0]], hbuf[b], semg[b])
        pltpu.async_copy(as_hbm.at[sdx[b].at[0]], asb[b], sema[b])
        pltpu.async_copy(ad_hbm.at[sdx[b].at[1]], adb[b], semd[b])

    def wait_gathers(b):
        pltpu.make_async_copy(h_hbm.at[sdx[b].at[0]], hbuf[b], semg[b]).wait()
        pltpu.make_async_copy(as_hbm.at[sdx[b].at[0]], asb[b], sema[b]).wait()
        pltpu.make_async_copy(ad_hbm.at[sdx[b].at[1]], adb[b], semd[b]).wait()

    def scatter(b):
        pltpu.async_copy(pbuf[b], den_sh.at[sdsc[b].at[0]], semp[b], add=True)
        pltpu.async_copy(msgb[b], acc_sh.at[sdsc[b].at[0]], semm[b], add=True)

    def wait_scatter(b):
        pltpu.make_async_copy(pbuf[b], den_sh.at[sdsc[b].at[0]],
                              semp[b]).wait()
        pltpu.make_async_copy(msgb[b], acc_sh.at[sdsc[b].at[0]],
                              semm[b]).wait()

    def stage_idx(ch, b):
        off = (chunk_base + ch) * CH
        pltpu.async_copy(sd_hbm.at[0, pl.ds(off, CH)], sdx[b].at[0], semi[b])
        pltpu.async_copy(sd_hbm.at[1, pl.ds(off, CH)], sdx[b].at[1], semi[b])

    def wait_idx(ch, b):
        off = (chunk_base + ch) * CH
        pltpu.make_async_copy(sd_hbm.at[0, pl.ds(off, CH)], sdx[b].at[0],
                              semi[b]).wait()
        pltpu.make_async_copy(sd_hbm.at[1, pl.ds(off, CH)], sdx[b].at[1],
                              semi[b]).wait()

    def keep_dst(b):
        for k in range(CH // 16):
            sdsc[b][0, pl.ds(16 * k, 16)] = sdx[b][1, pl.ds(16 * k, 16)]

    def compute(b):
        mreg = mbuf[...]
        hb = hbuf[b]
        mb = msgb[b]
        ab = asb[b]
        db = adb[b]
        pb = pbuf[b]

        @plsc.parallel_loop(0, CH, unroll=4)
        def _(e):
            a = ab[e] + db[e]
            a = jnp.where(a > 0.0, a, 0.2 * a)
            p = jnp.exp(a - mreg)
            pb[e] = p
            for k in range(4):
                v = hb[e, pl.ds(32 * k, 32)]
                lo, hi = plsc.unpack(v, format=plsc.PackFormat.INTERLEAVED)
                mb[e, pl.ds(32 * k, 16)] = lo * p[2 * k]
                mb[e, pl.ds(32 * k + 16, 16)] = hi * p[2 * k + 1]

    stage_idx(0, 0)
    wait_idx(0, 0)
    stage_idx(1, 1)
    fire(0)

    def pair_body(pp, carry):
        ch0 = 2 * pp

        wait_gathers(0)
        keep_dst(0)

        @pl.when(pp < NPAIRS - 1)
        def _():
            stage_idx(ch0 + 2, 0)

        wait_idx(ch0 + 1, 1)

        @pl.when(pp > 0)
        def _():
            wait_scatter(1)

        fire(1)
        compute(0)
        scatter(0)

        wait_gathers(1)
        keep_dst(1)

        @pl.when(pp < NPAIRS - 1)
        def _():
            stage_idx(ch0 + 3, 1)
            wait_idx(ch0 + 2, 0)
            wait_scatter(0)
            fire(0)

        compute(1)
        scatter(1)
        return carry

    lax.fori_loop(0, NPAIRS, pair_body, 0)
    wait_scatter(0)
    wait_scatter(1)
    plsc.subcore_barrier()
    rows = pl.ds(s * RPTS, RPTS)
    pltpu.sync_copy(acc_sh.at[rows], acc_out.at[c].at[rows])
    pltpu.sync_copy(den_sh.at[rows], den_out.at[c].at[rows])


_edge = pl.kernel(
    _edge_body,
    out_type=[
        jax.ShapeDtypeStruct((NC, NSC, D), jnp.float32),
        jax.ShapeDtypeStruct((NC, NSC, 16), jnp.float32),
    ],
    mesh=plsc.VectorSubcoreMesh(core_axis_name="c", subcore_axis_name="s"),
    scratch_types=[
        pltpu.VMEM((2, CH), jnp.int32),
        pltpu.VMEM((2, CH), jnp.int32),
        pltpu.VMEM((1, CH), jnp.int32),
        pltpu.VMEM((1, CH), jnp.int32),
        pltpu.VMEM((CH, D), jnp.bfloat16),
        pltpu.VMEM((CH, D), jnp.bfloat16),
        pltpu.VMEM((CH, D), jnp.float32),
        pltpu.VMEM((CH, D), jnp.float32),
        pltpu.VMEM((CH, 16), jnp.float32),
        pltpu.VMEM((CH, 16), jnp.float32),
        pltpu.VMEM((CH, 16), jnp.float32),
        pltpu.VMEM((CH, 16), jnp.float32),
        pltpu.VMEM((CH, 16), jnp.float32),
        pltpu.VMEM((CH, 16), jnp.float32),
        pltpu.VMEM((16,), jnp.float32),
        pltpu.VMEM_SHARED((NSC, D), jnp.float32),
        pltpu.VMEM_SHARED((NSC, 16), jnp.float32),
    ] + [pltpu.SemaphoreType.DMA] * 12,
    compiler_params=pltpu.CompilerParams(use_tc_tiling_on_sc=False,
                                         needs_layout_passes=False),
)


def _final_body(acc_ref, den_ref, h_ref, as_ref,
                ad_ref, m_ref, ex_ref, bg_ref, w2_ref, b2_ref, out_ref):
    a = as_ref[...] + ad_ref[...]
    a = jnp.where(a > 0.0, a, 0.2 * a)
    ps = jnp.exp(a - m_ref[2:3, :])
    accs = acc_ref[...]
    dens = den_ref[...]
    den = dens[0] + dens[1] + ps
    pex = jnp.dot(ps, ex_ref[...], preferred_element_type=jnp.float32)
    denx = jnp.dot(den, ex_ref[...], preferred_element_type=jnp.float32)
    acc = accs[0] + accs[1] + pex * h_ref[...]
    gat = jnp.maximum(acc / (denx + 1e-16) + bg_ref[0:1, :], 0.0)
    out_ref[...] = (jnp.dot(gat, w2_ref[...], preferred_element_type=jnp.float32)
                    + b2_ref[0:1, :])


_final = pl.pallas_call(
    _final_body,
    grid=(NB,),
    in_specs=[
        pl.BlockSpec((NC, BLK, D), lambda i: (0, i, 0)),
        pl.BlockSpec((NC, BLK, 16), lambda i: (0, i, 0)),
        pl.BlockSpec((BLK, D), lambda i: (i, 0)),
        pl.BlockSpec((BLK, 16), lambda i: (i, 0)),
        pl.BlockSpec((BLK, 16), lambda i: (i, 0)),
        pl.BlockSpec((8, 16), lambda i: (0, 0)),
        pl.BlockSpec((16, D), lambda i: (0, 0)),
        pl.BlockSpec((8, D), lambda i: (0, 0)),
        pl.BlockSpec((D, D), lambda i: (0, 0)),
        pl.BlockSpec((8, D), lambda i: (0, 0)),
    ],
    out_specs=pl.BlockSpec((BLK, D), lambda i: (i, 0)),
    out_shape=jax.ShapeDtypeStruct((N, D), jnp.float32),
)


def kernel(x, edge_index, W, att_src, att_dst, bias_gat, W2, b2):
    f32 = jnp.float32

    head = jnp.arange(D) // C
    onehot = (head[:, None] == jnp.arange(16)[None, :]).astype(f32)
    ASmat = onehot * att_src.reshape(D)[:, None]
    ADmat = onehot * att_dst.reshape(D)[:, None]
    EXPAND = (jnp.arange(16)[:, None] == head[None, :]).astype(f32)
    src_ch = jnp.arange(D)
    g = src_ch % 32
    k32 = src_ch - g
    dstmap = jnp.where(g < 16, k32 + 2 * g, k32 + 2 * (g - 16) + 1)
    PERM = (dstmap[:, None] == jnp.arange(D)[None, :]).astype(f32)

    E = edge_index.shape[1]
    sd = jnp.concatenate([edge_index.astype(jnp.int32), _SD_PAD[:, E:]],
                         axis=1)

    h, hb16, asrc_tab, adst_tab, m8 = _prep(x.astype(f32), W.astype(f32),
                                            ASmat, ADmat, PERM)

    zacc = jnp.zeros((NSC, D), f32)
    zden = jnp.zeros((NSC, 16), f32)
    mvec = m8[2]
    acc_p, den_p = _edge(hb16, asrc_tab, adst_tab, mvec, sd, zacc, zden)

    bg2 = jnp.broadcast_to(bias_gat.astype(f32).reshape(1, D), (8, D))
    b22 = jnp.broadcast_to(b2.astype(f32).reshape(1, D), (8, D))
    out = _final(acc_p, den_p, h, asrc_tab, adst_tab, m8, EXPAND, bg2,
                 W2.astype(f32), b22)
    return out

# --- scband reference (transcript-rebuilt; emitter-appended) ---
"""Pipeline reference for scband-gatmodel-1288490189679 (READ-ONLY COPY).

The authoritative reference and input builder live on the scoring server;
editing this copy changes nothing except your own understanding.
"""

import jax, jax.numpy as jnp
import numpy as np

H = 8
C = 16
N_NODES = 10000
IN_DIM = 128
OUT_DIM = 128

def setup_inputs(seed: int = 0) -> dict:
    key = jax.random.key(seed)
    ks = jax.random.split(key, 8)
    x = jax.random.normal(ks[0], (N_NODES, IN_DIM), dtype=jnp.float32)
    edge_index = jax.random.randint(ks[1], (2, 320000), 0, N_NODES)
    W = jax.random.normal(ks[2], (IN_DIM, H * C), dtype=jnp.float32) * (1.0 / np.sqrt(IN_DIM))
    att_src = jax.random.normal(ks[3], (1, H, C), dtype=jnp.float32) * 0.1
    att_dst = jax.random.normal(ks[4], (1, H, C), dtype=jnp.float32) * 0.1
    bias_gat = jnp.zeros((H * C,), dtype=jnp.float32)
    W2 = jax.random.normal(ks[5], (H * C, OUT_DIM), dtype=jnp.float32) * (1.0 / np.sqrt(H * C))
    b2 = jnp.zeros((OUT_DIM,), dtype=jnp.float32)
    return {"x": x, "edge_index": edge_index, "W": W, "att_src": att_src,
            "att_dst": att_dst, "bias_gat": bias_gat, "W2": W2, "b2": b2}

def reference(x, edge_index, W, att_src, att_dst, bias_gat, W2, b2):
    N = x.shape[0]
    # PyG GATConv default: add self loops
    loop = jnp.arange(N, dtype=edge_index.dtype)
    ei = jnp.concatenate([edge_index, jnp.stack([loop, loop], axis=0)], axis=1)
    src, dst = ei[0], ei[1]
    h = (x.astype(jnp.float32) @ W).reshape(N, H, C)
    a_src = (h * att_src).sum(-1)  # [N, H]
    a_dst = (h * att_dst).sum(-1)  # [N, H]
    alpha = a_src[src] + a_dst[dst]  # [E, H] via gather
    alpha = jax.nn.leaky_relu(alpha, 0.2)
    # softmax over incoming edges per destination node
    amax = jax.ops.segment_max(alpha, dst, num_segments=N)
    alpha = jnp.exp(alpha - amax[dst])
    denom = jax.ops.segment_sum(alpha, dst, num_segments=N)
    alpha = alpha / (denom[dst] + 1e-16)
    msg = h[src] * alpha[:, :, None]  # [E, H, C]
    out = jax.ops.segment_sum(msg, dst, num_segments=N).reshape(N, H * C) + bias_gat
    out = jax.nn.relu(out)
    return out @ W2 + b2

if __name__ == "__main__":
    import jax
    _d = setup_inputs()
    print(jax.jit(kernel)(*tuple(_d.values())))

</pallas_src>

<mosaic_0001>
#map = affine_map<(d0, d1) -> (0, 0)>
#map1 = affine_map<(d0, d1) -> (0)>
#map2 = affine_map<(d0, d1) -> (0, 0, 0)>
module attributes {stable_mosaic.version = 14 : i64} {
  func.func @_edge_body(%arg0: i32, %arg1: i32, %arg2: memref<10000x128xbf16, #tpu.memory_space<hbm>>, %arg3: memref<10000x16xf32, #tpu.memory_space<hbm>>, %arg4: memref<10016x16xf32, #tpu.memory_space<hbm>>, %arg5: memref<16xf32, #tpu.memory_space<hbm>>, %arg6: memref<2x322560xi32, #tpu.memory_space<hbm>>, %arg7: memref<10016x128xf32, #tpu.memory_space<hbm>>, %arg8: memref<10016x16xf32, #tpu.memory_space<hbm>>, %arg9: memref<2x10016x128xf32, #tpu.memory_space<hbm>>, %arg10: memref<2x10016x16xf32, #tpu.memory_space<hbm>>, %arg11: memref<2x80xi32, #tpu.memory_space<vmem>>, %arg12: memref<2x80xi32, #tpu.memory_space<vmem>>, %arg13: memref<1x80xi32, #tpu.memory_space<vmem>>, %arg14: memref<1x80xi32, #tpu.memory_space<vmem>>, %arg15: memref<80x128xbf16, #tpu.memory_space<vmem>>, %arg16: memref<80x128xbf16, #tpu.memory_space<vmem>>, %arg17: memref<80x128xf32, #tpu.memory_space<vmem>>, %arg18: memref<80x128xf32, #tpu.memory_space<vmem>>, %arg19: memref<80x16xf32, #tpu.memory_space<vmem>>, %arg20: memref<80x16xf32, #tpu.memory_space<vmem>>, %arg21: memref<80x16xf32, #tpu.memory_space<vmem>>, %arg22: memref<80x16xf32, #tpu.memory_space<vmem>>, %arg23: memref<80x16xf32, #tpu.memory_space<vmem>>, %arg24: memref<80x16xf32, #tpu.memory_space<vmem>>, %arg25: memref<16xf32, #tpu.memory_space<vmem>>, %arg26: memref<10016x128xf32, #tpu.memory_space<vmem_shared>>, %arg27: memref<10016x16xf32, #tpu.memory_space<vmem_shared>>, %arg28: memref<!tpu.dma_semaphore, #tpu.memory_space<semaphore_mem>>, %arg29: memref<!tpu.dma_semaphore, #tpu.memory_space<semaphore_mem>>, %arg30: memref<!tpu.dma_semaphore, #tpu.memory_space<semaphore_mem>>, %arg31: memref<!tpu.dma_semaphore, #tpu.memory_space<semaphore_mem>>, %arg32: memref<!tpu.dma_semaphore, #tpu.memory_space<semaphore_mem>>, %arg33: memref<!tpu.dma_semaphore, #tpu.memory_space<semaphore_mem>>, %arg34: memref<!tpu.dma_semaphore, #tpu.memory_space<semaphore_mem>>, %arg35: memref<!tpu.dma_semaphore, #tpu.memory_space<semaphore_mem>>, %arg36: memref<!tpu.dma_semaphore, #tpu.memory_space<semaphore_mem>>, %arg37: memref<!tpu.dma_semaphore, #tpu.memory_space<semaphore_mem>>, %arg38: memref<!tpu.dma_semaphore, #tpu.memory_space<semaphore_mem>>, %arg39: memref<!tpu.dma_semaphore, #tpu.memory_space<semaphore_mem>>) attributes {dimension_semantics = [#tpu.dimension_semantics<core_parallel>, #tpu.dimension_semantics<subcore_parallel>], iteration_bounds = array<i64: 2, 16>, scalar_prefetch = 0 : i64, scratch_operands = 29 : i64, tpu.core_type = #tpu.core_type<sc_vector_subcore>, window_params = [{transform_indices = #map}, {transform_indices = #map}, {transform_indices = #map}, {transform_indices = #map1}, {transform_indices = #map}, {transform_indices = #map}, {transform_indices = #map}, {transform_indices = #map2}, {transform_indices = #map2}]} {
    %mul3A = arith.constant 16 : i32
    %mul3A_0 = arith.muli %arg0, %mul3A : i32
    %add3A = arith.addi %mul3A_0, %arg1 : i32
    %mul3A_1 = arith.constant 126 : i32
    %mul3A_2 = arith.muli %add3A, %mul3A_1 : i32
    %mul3A_3 = arith.constant 626 : i32
    %mul3A_4 = arith.muli %arg1, %mul3A_3 : i32
    %mul3A_5 = arith.constant 626 : i32
    %mul3A_6 = arith.muli %arg1, %mul3A_5 : i32
    "tpu.region"() ({
      %run_scoped3A = tpu.sem_alloc : memref<!tpu.dma_semaphore, #tpu.memory_space<semaphore_mem>>
      %dma_start3A_150 = arith.constant 0 : i32
      %dma_start3A_151 = tpu.memref_slice %arg26[%mul3A_6, %dma_start3A_150] : memref<10016x128xf32, #tpu.memory_space<vmem_shared>> -> memref<626x128xf32, #tpu.memory_space<vmem_shared>>
      %dma_start3A_152 = arith.constant 0 : i32
      %dma_start3A_153 = tpu.memref_slice %arg7[%mul3A_4, %dma_start3A_152] : memref<10016x128xf32, #tpu.memory_space<hbm>> -> memref<626x128xf32, #tpu.memory_space<hbm>>
      tpu.enqueue_dma source(%dma_start3A_153 : memref<626x128xf32, #tpu.memory_space<hbm>>) target(%dma_start3A_151 : memref<626x128xf32, #tpu.memory_space<vmem_shared>>) target_semaphore(%run_scoped3A : memref<!tpu.dma_semaphore, #tpu.memory_space<semaphore_mem>>)
      %dma_wait3A_154 = arith.constant 0 : i32
      %dma_wait3A_155 = tpu.memref_slice %arg26[%mul3A_6, %dma_wait3A_154] : memref<10016x128xf32, #tpu.memory_space<vmem_shared>> -> memref<626x128xf32, #tpu.memory_space<vmem_shared>>
      %dma_wait3A_156 = arith.constant 0 : i32
      %dma_wait3A_157 = tpu.memref_slice %arg7[%mul3A_4, %dma_wait3A_156] : memref<10016x128xf32, #tpu.memory_space<hbm>> -> memref<626x128xf32, #tpu.memory_space<hbm>>
      tpu.wait_dma2 semaphore(%run_scoped3A : memref<!tpu.dma_semaphore, #tpu.memory_space<semaphore_mem>>) src(%dma_wait3A_157 : memref<626x128xf32, #tpu.memory_space<hbm>>) dst(%dma_wait3A_155 : memref<626x128xf32, #tpu.memory_space<vmem_shared>>)
      tpu.yield
    }) : () -> ()
    %mul3A_7 = arith.constant 626 : i32
    %mul3A_8 = arith.muli %arg1, %mul3A_7 : i32
    %mul3A_9 = arith.constant 626 : i32
    %mul3A_10 = arith.muli %arg1, %mul3A_9 : i32
    "tpu.region"() ({
      %run_scoped3A = tpu.sem_alloc : memref<!tpu.dma_semaphore, #tpu.memory_space<semaphore_mem>>
      %dma_start3A_150 = arith.constant 0 : i32
      %dma_start3A_151 = tpu.memref_slice %arg27[%mul3A_10, %dma_start3A_150] : memref<10016x16xf32, #tpu.memory_space<vmem_shared>> -> memref<626x16xf32, #tpu.memory_space<vmem_shared>>
      %dma_start3A_152 = arith.constant 0 : i32
      %dma_start3A_153 = tpu.memref_slice %arg8[%mul3A_8, %dma_start3A_152] : memref<10016x16xf32, #tpu.memory_space<hbm>> -> memref<626x16xf32, #tpu.memory_space<hbm>>
      tpu.enqueue_dma source(%dma_start3A_153 : memref<626x16xf32, #tpu.memory_space<hbm>>) target(%dma_start3A_151 : memref<626x16xf32, #tpu.memory_space<vmem_shared>>) target_semaphore(%run_scoped3A : memref<!tpu.dma_semaphore, #tpu.memory_space<semaphore_mem>>)
      %dma_wait3A_154 = arith.constant 0 : i32
      %dma_wait3A_155 = tpu.memref_slice %arg27[%mul3A_10, %dma_wait3A_154] : memref<10016x16xf32, #tpu.memory_space<vmem_shared>> -> memref<626x16xf32, #tpu.memory_space<vmem_shared>>
      %dma_wait3A_156 = arith.constant 0 : i32
      %dma_wait3A_157 = tpu.memref_slice %arg8[%mul3A_8, %dma_wait3A_156] : memref<10016x16xf32, #tpu.memory_space<hbm>> -> memref<626x16xf32, #tpu.memory_space<hbm>>
      tpu.wait_dma2 semaphore(%run_scoped3A : memref<!tpu.dma_semaphore, #tpu.memory_space<semaphore_mem>>) src(%dma_wait3A_157 : memref<626x16xf32, #tpu.memory_space<hbm>>) dst(%dma_wait3A_155 : memref<626x16xf32, #tpu.memory_space<vmem_shared>>)
      tpu.yield
    }) : () -> ()
    "tpu.region"() ({
      %run_scoped3A = tpu.sem_alloc : memref<!tpu.dma_semaphore, #tpu.memory_space<semaphore_mem>>
      tpu.enqueue_dma source(%arg5 : memref<16xf32, #tpu.memory_space<hbm>>) target(%arg25 : memref<16xf32, #tpu.memory_space<vmem>>) target_semaphore(%run_scoped3A : memref<!tpu.dma_semaphore, #tpu.memory_space<semaphore_mem>>)
      tpu.wait_dma2 semaphore(%run_scoped3A : memref<!tpu.dma_semaphore, #tpu.memory_space<semaphore_mem>>) src(%arg5 : memref<16xf32, #tpu.memory_space<hbm>>) dst(%arg25 : memref<16xf32, #tpu.memory_space<vmem>>)
      tpu.yield
    }) : () -> ()
    %barrier3A = arith.constant 0 : index
    tpu.barrier barrier_id(%barrier3A)
    %add3A_11 = arith.constant 0 : i32
    %add3A_12 = arith.addi %mul3A_2, %add3A_11 : i32
    %mul3A_13 = arith.constant 80 : i32
    %mul3A_14 = arith.muli %add3A_12, %mul3A_13 : i32
    %dma_start3A = arith.constant 0 : i32
    %dma_start3A_15 = arith.constant 0 : i32
    %dma_start3A_16 = arith.constant 0 : i32
    %dma_start3A_17 = tpu.memref_slice %arg11[%dma_start3A_15, %dma_start3A_16] : memref<2x80xi32, #tpu.memory_space<vmem>> -> memref<1x80xi32, #tpu.memory_space<vmem>>
    %dma_start3A_18 = tpu.memref_squeeze %dma_start3A_17 : memref<1x80xi32, #tpu.memory_space<vmem>> -> memref<80xi32, #tpu.memory_space<vmem>>
    %dma_start3A_19 = tpu.memref_slice %arg6[%dma_start3A, %mul3A_14] : memref<2x322560xi32, #tpu.memory_space<hbm>> -> memref<1x80xi32, #tpu.memory_space<hbm>>
    %dma_start3A_20 = tpu.memref_squeeze %dma_start3A_19 : memref<1x80xi32, #tpu.memory_space<hbm>> -> memref<80xi32, #tpu.memory_space<hbm>>
    %dma_start3A_21 = arith.constant 0 : i32
    %dma_start3A_22 = tpu.memref_slice %arg11[%dma_start3A_15, %dma_start3A_21] : memref<2x80xi32, #tpu.memory_space<vmem>> -> memref<1x80xi32, #tpu.memory_space<vmem>>
    %dma_start3A_23 = tpu.memref_squeeze %dma_start3A_22 : memref<1x80xi32, #tpu.memory_space<vmem>> -> memref<80xi32, #tpu.memory_space<vmem>>
    %dma_start3A_24 = tpu.memref_slice %arg6[%dma_start3A, %mul3A_14] : memref<2x322560xi32, #tpu.memory_space<hbm>> -> memref<1x80xi32, #tpu.memory_space<hbm>>
    %dma_start3A_25 = tpu.memref_squeeze %dma_start3A_24 : memref<1x80xi32, #tpu.memory_space<hbm>> -> memref<80xi32, #tpu.memory_space<hbm>>
    tpu.enqueue_dma source(%dma_start3A_25 : memref<80xi32, #tpu.memory_space<hbm>>) target(%dma_start3A_23 : memref<80xi32, #tpu.memory_space<vmem>>) target_semaphore(%arg34 : memref<!tpu.dma_semaphore, #tpu.memory_space<semaphore_mem>>)
    %dma_start3A_26 = arith.constant 1 : i32
    %dma_start3A_27 = arith.constant 1 : i32
    %dma_start3A_28 = arith.constant 0 : i32
    %dma_start3A_29 = tpu.memref_slice %arg11[%dma_start3A_27, %dma_start3A_28] : memref<2x80xi32, #tpu.memory_space<vmem>> -> memref<1x80xi32, #tpu.memory_space<vmem>>
    %dma_start3A_30 = tpu.memref_squeeze %dma_start3A_29 : memref<1x80xi32, #tpu.memory_space<vmem>> -> memref<80xi32, #tpu.memory_space<vmem>>
    %dma_start3A_31 = tpu.memref_slice %arg6[%dma_start3A_26, %mul3A_14] : memref<2x322560xi32, #tpu.memory_space<hbm>> -> memref<1x80xi32, #tpu.memory_space<hbm>>
    %dma_start3A_32 = tpu.memref_squeeze %dma_start3A_31 : memref<1x80xi32, #tpu.memory_space<hbm>> -> memref<80xi32, #tpu.memory_space<hbm>>
    %dma_start3A_33 = arith.constant 0 : i32
    %dma_start3A_34 = tpu.memref_slice %arg11[%dma_start3A_27, %dma_start3A_33] : memref<2x80xi32, #tpu.memory_space<vmem>> -> memref<1x80xi32, #tpu.memory_space<vmem>>
    %dma_start3A_35 = tpu.memref_squeeze %dma_start3A_34 : memref<1x80xi32, #tpu.memory_space<vmem>> -> memref<80xi32, #tpu.memory_space<vmem>>
    %dma_start3A_36 = tpu.memref_slice %arg6[%dma_start3A_26, %mul3A_14] : memref<2x322560xi32, #tpu.memory_space<hbm>> -> memref<1x80xi32, #tpu.memory_space<hbm>>
    %dma_start3A_37 = tpu.memref_squeeze %dma_start3A_36 : memref<1x80xi32, #tpu.memory_space<hbm>> -> memref<80xi32, #tpu.memory_space<hbm>>
    tpu.enqueue_dma source(%dma_start3A_37 : memref<80xi32, #tpu.memory_space<hbm>>) target(%dma_start3A_35 : memref<80xi32, #tpu.memory_space<vmem>>) target_semaphore(%arg34 : memref<!tpu.dma_semaphore, #tpu.memory_space<semaphore_mem>>)
    %add3A_38 = arith.constant 0 : i32
    %add3A_39 = arith.addi %mul3A_2, %add3A_38 : i32
    %mul3A_40 = arith.constant 80 : i32
    %mul3A_41 = arith.muli %add3A_39, %mul3A_40 : i32
    %dma_wait3A = arith.constant 0 : i32
    %dma_wait3A_42 = arith.constant 0 : i32
    %dma_wait3A_43 = arith.constant 0 : i32
    %dma_wait3A_44 = tpu.memref_slice %arg11[%dma_wait3A_42, %dma_wait3A_43] : memref<2x80xi32, #tpu.memory_space<vmem>> -> memref<1x80xi32, #tpu.memory_space<vmem>>
    %dma_wait3A_45 = tpu.memref_squeeze %dma_wait3A_44 : memref<1x80xi32, #tpu.memory_space<vmem>> -> memref<80xi32, #tpu.memory_space<vmem>>
    %dma_wait3A_46 = tpu.memref_slice %arg6[%dma_wait3A, %mul3A_41] : memref<2x322560xi32, #tpu.memory_space<hbm>> -> memref<1x80xi32, #tpu.memory_space<hbm>>
    %dma_wait3A_47 = tpu.memref_squeeze %dma_wait3A_46 : memref<1x80xi32, #tpu.memory_space<hbm>> -> memref<80xi32, #tpu.memory_space<hbm>>
    %dma_wait3A_48 = arith.constant 0 : i32
    %dma_wait3A_49 = tpu.memref_slice %arg11[%dma_wait3A_42, %dma_wait3A_48] : memref<2x80xi32, #tpu.memory_space<vmem>> -> memref<1x80xi32, #tpu.memory_space<vmem>>
    %dma_wait3A_50 = tpu.memref_squeeze %dma_wait3A_49 : memref<1x80xi32, #tpu.memory_space<vmem>> -> memref<80xi32, #tpu.memory_space<vmem>>
    %dma_wait3A_51 = tpu.memref_slice %arg6[%dma_wait3A, %mul3A_41] : memref<2x322560xi32, #tpu.memory_space<hbm>> -> memref<1x80xi32, #tpu.memory_space<hbm>>
    %dma_wait3A_52 = tpu.memref_squeeze %dma_wait3A_51 : memref<1x80xi32, #tpu.memory_space<hbm>> -> memref<80xi32, #tpu.memory_space<hbm>>
    tpu.wait_dma2 semaphore(%arg34 : memref<!tpu.dma_semaphore, #tpu.memory_space<semaphore_mem>>) src(%dma_wait3A_52 : memref<80xi32, #tpu.memory_space<hbm>>) dst(%dma_wait3A_50 : memref<80xi32, #tpu.memory_space<vmem>>)
    %dma_wait3A_53 = arith.constant 1 : i32
    %dma_wait3A_54 = arith.constant 1 : i32
    %dma_wait3A_55 = arith.constant 0 : i32
    %dma_wait3A_56 = tpu.memref_slice %arg11[%dma_wait3A_54, %dma_wait3A_55] : memref<2x80xi32, #tpu.memory_space<vmem>> -> memref<1x80xi32, #tpu.memory_space<vmem>>
    %dma_wait3A_57 = tpu.memref_squeeze %dma_wait3A_56 : memref<1x80xi32, #tpu.memory_space<vmem>> -> memref<80xi32, #tpu.memory_space<vmem>>
    %dma_wait3A_58 = tpu.memref_slice %arg6[%dma_wait3A_53, %mul3A_41] : memref<2x322560xi32, #tpu.memory_space<hbm>> -> memref<1x80xi32, #tpu.memory_space<hbm>>
    %dma_wait3A_59 = tpu.memref_squeeze %dma_wait3A_58 : memref<1x80xi32, #tpu.memory_space<hbm>> -> memref<80xi32, #tpu.memory_space<hbm>>
    %dma_wait3A_60 = arith.constant 0 : i32
    %dma_wait3A_61 = tpu.memref_slice %arg11[%dma_wait3A_54, %dma_wait3A_60] : memref<2x80xi32, #tpu.memory_space<vmem>> -> memref<1x80xi32, #tpu.memory_space<vmem>>
    %dma_wait3A_62 = tpu.memref_squeeze %dma_wait3A_61 : memref<1x80xi32, #tpu.memory_space<vmem>> -> memref<80xi32, #tpu.memory_space<vmem>>
    %dma_wait3A_63 = tpu.memref_slice %arg6[%dma_wait3A_53, %mul3A_41] : memref<2x322560xi32, #tpu.memory_space<hbm>> -> memref<1x80xi32, #tpu.memory_space<hbm>>
    %dma_wait3A_64 = tpu.memref_squeeze %dma_wait3A_63 : memref<1x80xi32, #tpu.memory_space<hbm>> -> memref<80xi32, #tpu.memory_space<hbm>>
    tpu.wait_dma2 semaphore(%arg34 : memref<!tpu.dma_semaphore, #tpu.memory_space<semaphore_mem>>) src(%dma_wait3A_64 : memref<80xi32, #tpu.memory_space<hbm>>) dst(%dma_wait3A_62 : memref<80xi32, #tpu.memory_space<vmem>>)
    %add3A_65 = arith.constant 1 : i32
    %add3A_66 = arith.addi %mul3A_2, %add3A_65 : i32
    %mul3A_67 = arith.constant 80 : i32
    %mul3A_68 = arith.muli %add3A_66, %mul3A_67 : i32
    %dma_start3A_69 = arith.constant 0 : i32
    %dma_start3A_70 = arith.constant 0 : i32
    %dma_start3A_71 = arith.constant 0 : i32
    %dma_start3A_72 = tpu.memref_slice %arg12[%dma_start3A_70, %dma_start3A_71] : memref<2x80xi32, #tpu.memory_space<vmem>> -> memref<1x80xi32, #tpu.memory_space<vmem>>
    %dma_start3A_73 = tpu.memref_squeeze %dma_start3A_72 : memref<1x80xi32, #tpu.memory_space<vmem>> -> memref<80xi32, #tpu.memory_space<vmem>>
    %dma_start3A_74 = tpu.memref_slice %arg6[%dma_start3A_69, %mul3A_68] : memref<2x322560xi32, #tpu.memory_space<hbm>> -> memref<1x80xi32, #tpu.memory_space<hbm>>
    %dma_start3A_75 = tpu.memref_squeeze %dma_start3A_74 : memref<1x80xi32, #tpu.memory_space<hbm>> -> memref<80xi32, #tpu.memory_space<hbm>>
    %dma_start3A_76 = arith.constant 0 : i32
    %dma_start3A_77 = tpu.memref_slice %arg12[%dma_start3A_70, %dma_start3A_76] : memref<2x80xi32, #tpu.memory_space<vmem>> -> memref<1x80xi32, #tpu.memory_space<vmem>>
    %dma_start3A_78 = tpu.memref_squeeze %dma_start3A_77 : memref<1x80xi32, #tpu.memory_space<vmem>> -> memref<80xi32, #tpu.memory_space<vmem>>
    %dma_start3A_79 = tpu.memref_slice %arg6[%dma_start3A_69, %mul3A_68] : memref<2x322560xi32, #tpu.memory_space<hbm>> -> memref<1x80xi32, #tpu.memory_space<hbm>>
    %dma_start3A_80 = tpu.memref_squeeze %dma_start3A_79 : memref<1x80xi32, #tpu.memory_space<hbm>> -> memref<80xi32, #tpu.memory_space<hbm>>
    tpu.enqueue_dma source(%dma_start3A_80 : memref<80xi32, #tpu.memory_space<hbm>>) target(%dma_start3A_78 : memref<80xi32, #tpu.memory_space<vmem>>) target_semaphore(%arg35 : memref<!tpu.dma_semaphore, #tpu.memory_space<semaphore_mem>>)
    %dma_start3A_81 = arith.constant 1 : i32
    %dma_start3A_82 = arith.constant 1 : i32
    %dma_start3A_83 = arith.constant 0 : i32
    %dma_start3A_84 = tpu.memref_slice %arg12[%dma_start3A_82, %dma_start3A_83] : memref<2x80xi32, #tpu.memory_space<vmem>> -> memref<1x80xi32, #tpu.memory_space<vmem>>
    %dma_start3A_85 = tpu.memref_squeeze %dma_start3A_84 : memref<1x80xi32, #tpu.memory_space<vmem>> -> memref<80xi32, #tpu.memory_space<vmem>>
    %dma_start3A_86 = tpu.memref_slice %arg6[%dma_start3A_81, %mul3A_68] : memref<2x322560xi32, #tpu.memory_space<hbm>> -> memref<1x80xi32, #tpu.memory_space<hbm>>
    %dma_start3A_87 = tpu.memref_squeeze %dma_start3A_86 : memref<1x80xi32, #tpu.memory_space<hbm>> -> memref<80xi32, #tpu.memory_space<hbm>>
    %dma_start3A_88 = arith.constant 0 : i32
    %dma_start3A_89 = tpu.memref_slice %arg12[%dma_start3A_82, %dma_start3A_88] : memref<2x80xi32, #tpu.memory_space<vmem>> -> memref<1x80xi32, #tpu.memory_space<vmem>>
    %dma_start3A_90 = tpu.memref_squeeze %dma_start3A_89 : memref<1x80xi32, #tpu.memory_space<vmem>> -> memref<80xi32, #tpu.memory_space<vmem>>
    %dma_start3A_91 = tpu.memref_slice %arg6[%dma_start3A_81, %mul3A_68] : memref<2x322560xi32, #tpu.memory_space<hbm>> -> memref<1x80xi32, #tpu.memory_space<hbm>>
    %dma_start3A_92 = tpu.memref_squeeze %dma_start3A_91 : memref<1x80xi32, #tpu.memory_space<hbm>> -> memref<80xi32, #tpu.memory_space<hbm>>
    tpu.enqueue_dma source(%dma_start3A_92 : memref<80xi32, #tpu.memory_space<hbm>>) target(%dma_start3A_90 : memref<80xi32, #tpu.memory_space<vmem>>) target_semaphore(%arg35 : memref<!tpu.dma_semaphore, #tpu.memory_space<semaphore_mem>>)
    %dma_start3A_93 = arith.constant 0 : i32
    %dma_start3A_94 = arith.constant 0 : i32
    %dma_start3A_95 = tpu.memref_slice %arg11[%dma_start3A_93, %dma_start3A_94] : memref<2x80xi32, #tpu.memory_space<vmem>> -> memref<1x80xi32, #tpu.memory_space<vmem>>
    %dma_start3A_96 = tpu.memref_squeeze %dma_start3A_95 : memref<1x80xi32, #tpu.memory_space<vmem>> -> memref<80xi32, #tpu.memory_space<vmem>>
    %dma_start3A_97 = arith.constant 0 : i32
    %dma_start3A_98 = arith.constant 0 : i32
    %dma_start3A_99 = tpu.memref_slice %arg2[%dma_start3A_97, %dma_start3A_98] : memref<10000x128xbf16, #tpu.memory_space<hbm>> -> memref<10000x128xbf16, #tpu.memory_space<hbm>>
    tpu.enqueue_indirect_dma source(%dma_start3A_99 : memref<10000x128xbf16, #tpu.memory_space<hbm>>) target(%arg15 : memref<80x128xbf16, #tpu.memory_space<vmem>>) offsets(%dma_start3A_96 : memref<80xi32, #tpu.memory_space<vmem>>) semaphore(%arg28 : memref<!tpu.dma_semaphore, #tpu.memory_space<semaphore_mem>>)
    %dma_start3A_100 = arith.constant 0 : i32
    %dma_start3A_101 = arith.constant 0 : i32
    %dma_start3A_102 = tpu.memref_slice %arg11[%dma_start3A_100, %dma_start3A_101] : memref<2x80xi32, #tpu.memory_space<vmem>> -> memref<1x80xi32, #tpu.memory_space<vmem>>
    %dma_start3A_103 = tpu.memref_squeeze %dma_start3A_102 : memref<1x80xi32, #tpu.memory_space<vmem>> -> memref<80xi32, #tpu.memory_space<vmem>>
    %dma_start3A_104 = arith.constant 0 : i32
    %dma_start3A_105 = arith.constant 0 : i32
    %dma_start3A_106 = tpu.memref_slice %arg3[%dma_start3A_104, %dma_start3A_105] : memref<10000x16xf32, #tpu.memory_space<hbm>> -> memref<10000x16xf32, #tpu.memory_space<hbm>>
    tpu.enqueue_indirect_dma source(%dma_start3A_106 : memref<10000x16xf32, #tpu.memory_space<hbm>>) target(%arg19 : memref<80x16xf32, #tpu.memory_space<vmem>>) offsets(%dma_start3A_103 : memref<80xi32, #tpu.memory_space<vmem>>) semaphore(%arg30 : memref<!tpu.dma_semaphore, #tpu.memory_space<semaphore_mem>>)
    %dma_start3A_107 = arith.constant 1 : i32
    %dma_start3A_108 = arith.constant 0 : i32
    %dma_start3A_109 = tpu.memref_slice %arg11[%dma_start3A_107, %dma_start3A_108] : memref<2x80xi32, #tpu.memory_space<vmem>> -> memref<1x80xi32, #tpu.memory_space<vmem>>
    %dma_start3A_110 = tpu.memref_squeeze %dma_start3A_109 : memref<1x80xi32, #tpu.memory_space<vmem>> -> memref<80xi32, #tpu.memory_space<vmem>>
    %dma_start3A_111 = arith.constant 0 : i32
    %dma_start3A_112 = arith.constant 0 : i32
    %dma_start3A_113 = tpu.memref_slice %arg4[%dma_start3A_111, %dma_start3A_112] : memref<10016x16xf32, #tpu.memory_space<hbm>> -> memref<10016x16xf32, #tpu.memory_space<hbm>>
    tpu.enqueue_indirect_dma source(%dma_start3A_113 : memref<10016x16xf32, #tpu.memory_space<hbm>>) target(%arg21 : memref<80x16xf32, #tpu.memory_space<vmem>>) offsets(%dma_start3A_110 : memref<80xi32, #tpu.memory_space<vmem>>) semaphore(%arg32 : memref<!tpu.dma_semaphore, #tpu.memory_space<semaphore_mem>>)
    %scan3A = arith.constant 0 : i32
    %scan3A_114 = arith.constant 0 : i32
    %scan3A_115 = arith.constant 63 : i32
    %scan3A_116 = arith.addi %scan3A_114, %scan3A_115 : i32
    %scan3A_117 = arith.constant 1 : i32
    scf.for %scan3A_150 = %scan3A_114 to %scan3A_116 step %scan3A_117  : i32 {
      %mul3A_151 = arith.constant 2 : i32
      %mul3A_152 = arith.muli %mul3A_151, %scan3A_150 : i32
      %dma_wait3A_153 = arith.constant 0 : i32
      %dma_wait3A_154 = arith.constant 0 : i32
      %dma_wait3A_155 = tpu.memref_slice %arg11[%dma_wait3A_153, %dma_wait3A_154] : memref<2x80xi32, #tpu.memory_space<vmem>> -> memref<1x80xi32, #tpu.memory_space<vmem>>
      %dma_wait3A_156 = tpu.memref_squeeze %dma_wait3A_155 : memref<1x80xi32, #tpu.memory_space<vmem>> -> memref<80xi32, #tpu.memory_space<vmem>>
      %dma_wait3A_157 = arith.constant 0 : i32
      %dma_wait3A_158 = arith.constant 0 : i32
      %dma_wait3A_159 = tpu.memref_slice %arg2[%dma_wait3A_157, %dma_wait3A_158] : memref<10000x128xbf16, #tpu.memory_space<hbm>> -> memref<10000x128xbf16, #tpu.memory_space<hbm>>
      tpu.wait_indirect_dma semaphore(%arg28 : memref<!tpu.dma_semaphore, #tpu.memory_space<semaphore_mem>>) src(%dma_wait3A_159 : memref<10000x128xbf16, #tpu.memory_space<hbm>>) dst(%arg15 : memref<80x128xbf16, #tpu.memory_space<vmem>>)
      %dma_wait3A_160 = arith.constant 0 : i32
      %dma_wait3A_161 = arith.constant 0 : i32
      %dma_wait3A_162 = tpu.memref_slice %arg11[%dma_wait3A_160, %dma_wait3A_161] : memref<2x80xi32, #tpu.memory_space<vmem>> -> memref<1x80xi32, #tpu.memory_space<vmem>>
      %dma_wait3A_163 = tpu.memref_squeeze %dma_wait3A_162 : memref<1x80xi32, #tpu.memory_space<vmem>> -> memref<80xi32, #tpu.memory_space<vmem>>
      %dma_wait3A_164 = arith.constant 0 : i32
      %dma_wait3A_165 = arith.constant 0 : i32
      %dma_wait3A_166 = tpu.memref_slice %arg3[%dma_wait3A_164, %dma_wait3A_165] : memref<10000x16xf32, #tpu.memory_space<hbm>> -> memref<10000x16xf32, #tpu.memory_space<hbm>>
      tpu.wait_indirect_dma semaphore(%arg30 : memref<!tpu.dma_semaphore, #tpu.memory_space<semaphore_mem>>) src(%dma_wait3A_166 : memref<10000x16xf32, #tpu.memory_space<hbm>>) dst(%arg19 : memref<80x16xf32, #tpu.memory_space<vmem>>)
      %dma_wait3A_167 = arith.constant 1 : i32
      %dma_wait3A_168 = arith.constant 0 : i32
      %dma_wait3A_169 = tpu.memref_slice %arg11[%dma_wait3A_167, %dma_wait3A_168] : memref<2x80xi32, #tpu.memory_space<vmem>> -> memref<1x80xi32, #tpu.memory_space<vmem>>
      %dma_wait3A_170 = tpu.memref_squeeze %dma_wait3A_169 : memref<1x80xi32, #tpu.memory_space<vmem>> -> memref<80xi32, #tpu.memory_space<vmem>>
      %dma_wait3A_171 = arith.constant 0 : i32
      %dma_wait3A_172 = arith.constant 0 : i32
      %dma_wait3A_173 = tpu.memref_slice %arg4[%dma_wait3A_171, %dma_wait3A_172] : memref<10016x16xf32, #tpu.memory_space<hbm>> -> memref<10016x16xf32, #tpu.memory_space<hbm>>
      tpu.wait_indirect_dma semaphore(%arg32 : memref<!tpu.dma_semaphore, #tpu.memory_space<semaphore_mem>>) src(%dma_wait3A_173 : memref<10016x16xf32, #tpu.memory_space<hbm>>) dst(%arg21 : memref<80x16xf32, #tpu.memory_space<vmem>>)
      %get3A = arith.constant 1 : i32
      %get3A_174 = arith.index_cast %get3A : i32 to index
      %get3A_175 = arith.constant 0 : index
      %get3A_176 = tpu.vector_load %arg11[%get3A_174, %get3A_175] {strides = array<i32>} : memref<2x80xi32, #tpu.memory_space<vmem>>, vector<16xi32>,
      %swap3A = arith.constant 0 : i32
      %swap3A_177 = arith.index_cast %swap3A : i32 to index
      %swap3A_178 = arith.constant 0 : index
      %swap3A_179 = tpu.vector_load %arg13[%swap3A_177, %swap3A_178] {strides = array<i32>} : memref<1x80xi32, #tpu.memory_space<vmem>>, vector<16xi32>,
      tpu.vector_store %arg13[%swap3A_177, %swap3A_178], %get3A_176 {strides = array<i32>} : memref<1x80xi32, #tpu.memory_space<vmem>>, vector<16xi32>,
      %get3A_180 = arith.constant 1 : i32
      %get3A_181 = arith.index_cast %get3A_180 : i32 to index
      %get3A_182 = arith.constant 16 : index
      %get3A_183 = tpu.vector_load %arg11[%get3A_181, %get3A_182] {strides = array<i32>} : memref<2x80xi32, #tpu.memory_space<vmem>>, vector<16xi32>,
      %swap3A_184 = arith.constant 0 : i32
      %swap3A_185 = arith.index_cast %swap3A_184 : i32 to index
      %swap3A_186 = arith.constant 16 : index
      %swap3A_187 = tpu.vector_load %arg13[%swap3A_185, %swap3A_186] {strides = array<i32>} : memref<1x80xi32, #tpu.memory_space<vmem>>, vector<16xi32>,
      tpu.vector_store %arg13[%swap3A_185, %swap3A_186], %get3A_183 {strides = array<i32>} : memref<1x80xi32, #tpu.memory_space<vmem>>, vector<16xi32>,
      %get3A_188 = arith.constant 1 : i32
      %get3A_189 = arith.index_cast %get3A_188 : i32 to index
      %get3A_190 = arith.constant 32 : index
      %get3A_191 = tpu.vector_load %arg11[%get3A_189, %get3A_190] {strides = array<i32>} : memref<2x80xi32, #tpu.memory_space<vmem>>, vector<16xi32>,
      %swap3A_192 = arith.constant 0 : i32
      %swap3A_193 = arith.index_cast %swap3A_192 : i32 to index
      %swap3A_194 = arith.constant 32 : index
      %swap3A_195 = tpu.vector_load %arg13[%swap3A_193, %swap3A_194] {strides = array<i32>} : memref<1x80xi32, #tpu.memory_space<vmem>>, vector<16xi32>,
      tpu.vector_store %arg13[%swap3A_193, %swap3A_194], %get3A_191 {strides = array<i32>} : memref<1x80xi32, #tpu.memory_space<vmem>>, vector<16xi32>,
      %get3A_196 = arith.constant 1 : i32
      %get3A_197 = arith.index_cast %get3A_196 : i32 to index
      %get3A_198 = arith.constant 48 : index
      %get3A_199 = tpu.vector_load %arg11[%get3A_197, %get3A_198] {strides = array<i32>} : memref<2x80xi32, #tpu.memory_space<vmem>>, vector<16xi32>,
      %swap3A_200 = arith.constant 0 : i32
      %swap3A_201 = arith.index_cast %swap3A_200 : i32 to index
      %swap3A_202 = arith.constant 48 : index
      %swap3A_203 = tpu.vector_load %arg13[%swap3A_201, %swap3A_202] {strides = array<i32>} : memref<1x80xi32, #tpu.memory_space<vmem>>, vector<16xi32>,
      tpu.vector_store %arg13[%swap3A_201, %swap3A_202], %get3A_199 {strides = array<i32>} : memref<1x80xi32, #tpu.memory_space<vmem>>, vector<16xi32>,
      %get3A_204 = arith.constant 1 : i32
      %get3A_205 = arith.index_cast %get3A_204 : i32 to index
      %get3A_206 = arith.constant 64 : index
      %get3A_207 = tpu.vector_load %arg11[%get3A_205, %get3A_206] {strides = array<i32>} : memref<2x80xi32, #tpu.memory_space<vmem>>, vector<16xi32>,
      %swap3A_208 = arith.constant 0 : i32
      %swap3A_209 = arith.index_cast %swap3A_208 : i32 to index
      %swap3A_210 = arith.constant 64 : index
      %swap3A_211 = tpu.vector_load %arg13[%swap3A_209, %swap3A_210] {strides = array<i32>} : memref<1x80xi32, #tpu.memory_space<vmem>>, vector<16xi32>,
      tpu.vector_store %arg13[%swap3A_209, %swap3A_210], %get3A_207 {strides = array<i32>} : memref<1x80xi32, #tpu.memory_space<vmem>>, vector<16xi32>,
      %lt3A = arith.constant 62 : i32
      %lt3A_212 = arith.cmpi slt, %scan3A_150, %lt3A : i32
      %convert_element_type3A = arith.extui %lt3A_212 : i1 to i32
      %cond3A = arith.constant 0 : i32
      %cond3A_213 = arith.cmpi ne, %convert_element_type3A, %cond3A : i32
      scf.if %cond3A_213 {
        %add3A_371 = arith.constant 2 : i32
        %add3A_372 = arith.addi %mul3A_152, %add3A_371 : i32
        %add3A_373 = arith.addi %mul3A_2, %add3A_372 : i32
        %mul3A_374 = arith.constant 80 : i32
        %mul3A_375 = arith.muli %add3A_373, %mul3A_374 : i32
        %dma_start3A_376 = arith.constant 0 : i32
        %dma_start3A_377 = arith.constant 0 : i32
        %dma_start3A_378 = arith.constant 0 : i32
        %dma_start3A_379 = tpu.memref_slice %arg11[%dma_start3A_377, %dma_start3A_378] : memref<2x80xi32, #tpu.memory_space<vmem>> -> memref<1x80xi32, #tpu.memory_space<vmem>>
        %dma_start3A_380 = tpu.memref_squeeze %dma_start3A_379 : memref<1x80xi32, #tpu.memory_space<vmem>> -> memref<80xi32, #tpu.memory_space<vmem>>
        %dma_start3A_381 = tpu.memref_slice %arg6[%dma_start3A_376, %mul3A_375] : memref<2x322560xi32, #tpu.memory_space<hbm>> -> memref<1x80xi32, #tpu.memory_space<hbm>>
        %dma_start3A_382 = tpu.memref_squeeze %dma_start3A_381 : memref<1x80xi32, #tpu.memory_space<hbm>> -> memref<80xi32, #tpu.memory_space<hbm>>
        %dma_start3A_383 = arith.constant 0 : i32
        %dma_start3A_384 = tpu.memref_slice %arg11[%dma_start3A_377, %dma_start3A_383] : memref<2x80xi32, #tpu.memory_space<vmem>> -> memref<1x80xi32, #tpu.memory_space<vmem>>
        %dma_start3A_385 = tpu.memref_squeeze %dma_start3A_384 : memref<1x80xi32, #tpu.memory_space<vmem>> -> memref<80xi32, #tpu.memory_space<vmem>>
        %dma_start3A_386 = tpu.memref_slice %arg6[%dma_start3A_376, %mul3A_375] : memref<2x322560xi32, #tpu.memory_space<hbm>> -> memref<1x80xi32, #tpu.memory_space<hbm>>
        %dma_start3A_387 = tpu.memref_squeeze %dma_start3A_386 : memref<1x80xi32, #tpu.memory_space<hbm>> -> memref<80xi32, #tpu.memory_space<hbm>>
        tpu.enqueue_dma source(%dma_start3A_387 : memref<80xi32, #tpu.memory_space<hbm>>) target(%dma_start3A_385 : memref<80xi32, #tpu.memory_space<vmem>>) target_semaphore(%arg34 : memref<!tpu.dma_semaphore, #tpu.memory_space<semaphore_mem>>)
        %dma_start3A_388 = arith.constant 1 : i32
        %dma_start3A_389 = arith.constant 1 : i32
        %dma_start3A_390 = arith.constant 0 : i32
        %dma_start3A_391 = tpu.memref_slice %arg11[%dma_start3A_389, %dma_start3A_390] : memref<2x80xi32, #tpu.memory_space<vmem>> -> memref<1x80xi32, #tpu.memory_space<vmem>>
        %dma_start3A_392 = tpu.memref_squeeze %dma_start3A_391 : memref<1x80xi32, #tpu.memory_space<vmem>> -> memref<80xi32, #tpu.memory_space<vmem>>
        %dma_start3A_393 = tpu.memref_slice %arg6[%dma_start3A_388, %mul3A_375] : memref<2x322560xi32, #tpu.memory_space<hbm>> -> memref<1x80xi32, #tpu.memory_space<hbm>>
        %dma_start3A_394 = tpu.memref_squeeze %dma_start3A_393 : memref<1x80xi32, #tpu.memory_space<hbm>> -> memref<80xi32, #tpu.memory_space<hbm>>
        %dma_start3A_395 = arith.constant 0 : i32
        %dma_start3A_396 = tpu.memref_slice %arg11[%dma_start3A_389, %dma_start3A_395] : memref<2x80xi32, #tpu.memory_space<vmem>> -> memref<1x80xi32, #tpu.memory_space<vmem>>
        %dma_start3A_397 = tpu.memref_squeeze %dma_start3A_396 : memref<1x80xi32, #tpu.memory_space<vmem>> -> memref<80xi32, #tpu.memory_space<vmem>>
        %dma_start3A_398 = tpu.memref_slice %arg6[%dma_start3A_388, %mul3A_375] : memref<2x322560xi32, #tpu.memory_space<hbm>> -> memref<1x80xi32, #tpu.memory_space<hbm>>
        %dma_start3A_399 = tpu.memref_squeeze %dma_start3A_398 : memref<1x80xi32, #tpu.memory_space<hbm>> -> memref<80xi32, #tpu.memory_space<hbm>>
        tpu.enqueue_dma source(%dma_start3A_399 : memref<80xi32, #tpu.memory_space<hbm>>) target(%dma_start3A_397 : memref<80xi32, #tpu.memory_space<vmem>>) target_semaphore(%arg34 : memref<!tpu.dma_semaphore, #tpu.memory_space<semaphore_mem>>)
      } else {
      }
      %add3A_214 = arith.constant 1 : i32
      %add3A_215 = arith.addi %mul3A_152, %add3A_214 : i32
      %add3A_216 = arith.addi %mul3A_2, %add3A_215 : i32
      %mul3A_217 = arith.constant 80 : i32
      %mul3A_218 = arith.muli %add3A_216, %mul3A_217 : i32
      %dma_wait3A_219 = arith.constant 0 : i32
      %dma_wait3A_220 = arith.constant 0 : i32
      %dma_wait3A_221 = arith.constant 0 : i32
      %dma_wait3A_222 = tpu.memref_slice %arg12[%dma_wait3A_220, %dma_wait3A_221] : memref<2x80xi32, #tpu.memory_space<vmem>> -> memref<1x80xi32, #tpu.memory_space<vmem>>
      %dma_wait3A_223 = tpu.memref_squeeze %dma_wait3A_222 : memref<1x80xi32, #tpu.memory_space<vmem>> -> memref<80xi32, #tpu.memory_space<vmem>>
      %dma_wait3A_224 = tpu.memref_slice %arg6[%dma_wait3A_219, %mul3A_218] : memref<2x322560xi32, #tpu.memory_space<hbm>> -> memref<1x80xi32, #tpu.memory_space<hbm>>
      %dma_wait3A_225 = tpu.memref_squeeze %dma_wait3A_224 : memref<1x80xi32, #tpu.memory_space<hbm>> -> memref<80xi32, #tpu.memory_space<hbm>>
      %dma_wait3A_226 = arith.constant 0 : i32
      %dma_wait3A_227 = tpu.memref_slice %arg12[%dma_wait3A_220, %dma_wait3A_226] : memref<2x80xi32, #tpu.memory_space<vmem>> -> memref<1x80xi32, #tpu.memory_space<vmem>>
      %dma_wait3A_228 = tpu.memref_squeeze %dma_wait3A_227 : memref<1x80xi32, #tpu.memory_space<vmem>> -> memref<80xi32, #tpu.memory_space<vmem>>
      %dma_wait3A_229 = tpu.memref_slice %arg6[%dma_wait3A_219, %mul3A_218] : memref<2x322560xi32, #tpu.memory_space<hbm>> -> memref<1x80xi32, #tpu.memory_space<hbm>>
      %dma_wait3A_230 = tpu.memref_squeeze %dma_wait3A_229 : memref<1x80xi32, #tpu.memory_space<hbm>> -> memref<80xi32, #tpu.memory_space<hbm>>
      tpu.wait_dma2 semaphore(%arg35 : memref<!tpu.dma_semaphore, #tpu.memory_space<semaphore_mem>>) src(%dma_wait3A_230 : memref<80xi32, #tpu.memory_space<hbm>>) dst(%dma_wait3A_228 : memref<80xi32, #tpu.memory_space<vmem>>)
      %dma_wait3A_231 = arith.constant 1 : i32
      %dma_wait3A_232 = arith.constant 1 : i32
      %dma_wait3A_233 = arith.constant 0 : i32
      %dma_wait3A_234 = tpu.memref_slice %arg12[%dma_wait3A_232, %dma_wait3A_233] : memref<2x80xi32, #tpu.memory_space<vmem>> -> memref<1x80xi32, #tpu.memory_space<vmem>>
      %dma_wait3A_235 = tpu.memref_squeeze %dma_wait3A_234 : memref<1x80xi32, #tpu.memory_space<vmem>> -> memref<80xi32, #tpu.memory_space<vmem>>
      %dma_wait3A_236 = tpu.memref_slice %arg6[%dma_wait3A_231, %mul3A_218] : memref<2x322560xi32, #tpu.memory_space<hbm>> -> memref<1x80xi32, #tpu.memory_space<hbm>>
      %dma_wait3A_237 = tpu.memref_squeeze %dma_wait3A_236 : memref<1x80xi32, #tpu.memory_space<hbm>> -> memref<80xi32, #tpu.memory_space<hbm>>
      %dma_wait3A_238 = arith.constant 0 : i32
      %dma_wait3A_239 = tpu.memref_slice %arg12[%dma_wait3A_232, %dma_wait3A_238] : memref<2x80xi32, #tpu.memory_space<vmem>> -> memref<1x80xi32, #tpu.memory_space<vmem>>
      %dma_wait3A_240 = tpu.memref_squeeze %dma_wait3A_239 : memref<1x80xi32, #tpu.memory_space<vmem>> -> memref<80xi32, #tpu.memory_space<vmem>>
      %dma_wait3A_241 = tpu.memref_slice %arg6[%dma_wait3A_231, %mul3A_218] : memref<2x322560xi32, #tpu.memory_space<hbm>> -> memref<1x80xi32, #tpu.memory_space<hbm>>
      %dma_wait3A_242 = tpu.memref_squeeze %dma_wait3A_241 : memref<1x80xi32, #tpu.memory_space<hbm>> -> memref<80xi32, #tpu.memory_space<hbm>>
      tpu.wait_dma2 semaphore(%arg35 : memref<!tpu.dma_semaphore, #tpu.memory_space<semaphore_mem>>) src(%dma_wait3A_242 : memref<80xi32, #tpu.memory_space<hbm>>) dst(%dma_wait3A_240 : memref<80xi32, #tpu.memory_space<vmem>>)
      %gt3A = arith.constant 0 : i32
      %gt3A_243 = arith.cmpi sgt, %scan3A_150, %gt3A : i32
      %convert_element_type3A_244 = arith.extui %gt3A_243 : i1 to i32
      %cond3A_245 = arith.constant 0 : i32
      %cond3A_246 = arith.cmpi ne, %convert_element_type3A_244, %cond3A_245 : i32
      scf.if %cond3A_246 {
        %dma_wait3A_371 = arith.constant 0 : i32
        %dma_wait3A_372 = arith.constant 0 : i32
        %dma_wait3A_373 = tpu.memref_slice %arg14[%dma_wait3A_371, %dma_wait3A_372] : memref<1x80xi32, #tpu.memory_space<vmem>> -> memref<1x80xi32, #tpu.memory_space<vmem>>
        %dma_wait3A_374 = tpu.memref_squeeze %dma_wait3A_373 : memref<1x80xi32, #tpu.memory_space<vmem>> -> memref<80xi32, #tpu.memory_space<vmem>>
        %dma_wait3A_375 = arith.constant 0 : i32
        %dma_wait3A_376 = arith.constant 0 : i32
        %dma_wait3A_377 = tpu.memref_slice %arg27[%dma_wait3A_375, %dma_wait3A_376] : memref<10016x16xf32, #tpu.memory_space<vmem_shared>> -> memref<10016x16xf32, #tpu.memory_space<vmem_shared>>
        tpu.wait_indirect_dma semaphore(%arg37 : memref<!tpu.dma_semaphore, #tpu.memory_space<semaphore_mem>>) src(%arg24 : memref<80x16xf32, #tpu.memory_space<vmem>>) dst(%dma_wait3A_377 : memref<10016x16xf32, #tpu.memory_space<vmem_shared>>)
        %dma_wait3A_378 = arith.constant 0 : i32
        %dma_wait3A_379 = arith.constant 0 : i32
        %dma_wait3A_380 = tpu.memref_slice %arg14[%dma_wait3A_378, %dma_wait3A_379] : memref<1x80xi32, #tpu.memory_space<vmem>> -> memref<1x80xi32, #tpu.memory_space<vmem>>
        %dma_wait3A_381 = tpu.memref_squeeze %dma_wait3A_380 : memref<1x80xi32, #tpu.memory_space<vmem>> -> memref<80xi32, #tpu.memory_space<vmem>>
        %dma_wait3A_382 = arith.constant 0 : i32
        %dma_wait3A_383 = arith.constant 0 : i32
        %dma_wait3A_384 = tpu.memref_slice %arg26[%dma_wait3A_382, %dma_wait3A_383] : memref<10016x128xf32, #tpu.memory_space<vmem_shared>> -> memref<10016x128xf32, #tpu.memory_space<vmem_shared>>
        tpu.wait_indirect_dma semaphore(%arg39 : memref<!tpu.dma_semaphore, #tpu.memory_space<semaphore_mem>>) src(%arg18 : memref<80x128xf32, #tpu.memory_space<vmem>>) dst(%dma_wait3A_384 : memref<10016x128xf32, #tpu.memory_space<vmem_shared>>)
      } else {
      }
      %dma_start3A_247 = arith.constant 0 : i32
      %dma_start3A_248 = arith.constant 0 : i32
      %dma_start3A_249 = tpu.memref_slice %arg12[%dma_start3A_247, %dma_start3A_248] : memref<2x80xi32, #tpu.memory_space<vmem>> -> memref<1x80xi32, #tpu.memory_space<vmem>>
      %dma_start3A_250 = tpu.memref_squeeze %dma_start3A_249 : memref<1x80xi32, #tpu.memory_space<vmem>> -> memref<80xi32, #tpu.memory_space<vmem>>
      %dma_start3A_251 = arith.constant 0 : i32
      %dma_start3A_252 = arith.constant 0 : i32
      %dma_start3A_253 = tpu.memref_slice %arg2[%dma_start3A_251, %dma_start3A_252] : memref<10000x128xbf16, #tpu.memory_space<hbm>> -> memref<10000x128xbf16, #tpu.memory_space<hbm>>
      tpu.enqueue_indirect_dma source(%dma_start3A_253 : memref<10000x128xbf16, #tpu.memory_space<hbm>>) target(%arg16 : memref<80x128xbf16, #tpu.memory_space<vmem>>) offsets(%dma_start3A_250 : memref<80xi32, #tpu.memory_space<vmem>>) semaphore(%arg29 : memref<!tpu.dma_semaphore, #tpu.memory_space<semaphore_mem>>)
      %dma_start3A_254 = arith.constant 0 : i32
      %dma_start3A_255 = arith.constant 0 : i32
      %dma_start3A_256 = tpu.memref_slice %arg12[%dma_start3A_254, %dma_start3A_255] : memref<2x80xi32, #tpu.memory_space<vmem>> -> memref<1x80xi32, #tpu.memory_space<vmem>>
      %dma_start3A_257 = tpu.memref_squeeze %dma_start3A_256 : memref<1x80xi32, #tpu.memory_space<vmem>> -> memref<80xi32, #tpu.memory_space<vmem>>
      %dma_start3A_258 = arith.constant 0 : i32
      %dma_start3A_259 = arith.constant 0 : i32
      %dma_start3A_260 = tpu.memref_slice %arg3[%dma_start3A_258, %dma_start3A_259] : memref<10000x16xf32, #tpu.memory_space<hbm>> -> memref<10000x16xf32, #tpu.memory_space<hbm>>
      tpu.enqueue_indirect_dma source(%dma_start3A_260 : memref<10000x16xf32, #tpu.memory_space<hbm>>) target(%arg20 : memref<80x16xf32, #tpu.memory_space<vmem>>) offsets(%dma_start3A_257 : memref<80xi32, #tpu.memory_space<vmem>>) semaphore(%arg31 : memref<!tpu.dma_semaphore, #tpu.memory_space<semaphore_mem>>)
      %dma_start3A_261 = arith.constant 1 : i32
      %dma_start3A_262 = arith.constant 0 : i32
      %dma_start3A_263 = tpu.memref_slice %arg12[%dma_start3A_261, %dma_start3A_262] : memref<2x80xi32, #tpu.memory_space<vmem>> -> memref<1x80xi32, #tpu.memory_space<vmem>>
      %dma_start3A_264 = tpu.memref_squeeze %dma_start3A_263 : memref<1x80xi32, #tpu.memory_space<vmem>> -> memref<80xi32, #tpu.memory_space<vmem>>
      %dma_start3A_265 = arith.constant 0 : i32
      %dma_start3A_266 = arith.constant 0 : i32
      %dma_start3A_267 = tpu.memref_slice %arg4[%dma_start3A_265, %dma_start3A_266] : memref<10016x16xf32, #tpu.memory_space<hbm>> -> memref<10016x16xf32, #tpu.memory_space<hbm>>
      tpu.enqueue_indirect_dma source(%dma_start3A_267 : memref<10016x16xf32, #tpu.memory_space<hbm>>) target(%arg22 : memref<80x16xf32, #tpu.memory_space<vmem>>) offsets(%dma_start3A_264 : memref<80xi32, #tpu.memory_space<vmem>>) semaphore(%arg33 : memref<!tpu.dma_semaphore, #tpu.memory_space<semaphore_mem>>)
      %get3A_268 = arith.constant 0 : index
      %get3A_269 = tpu.vector_load %arg25[%get3A_268] {strides = array<i32>} : memref<16xf32, #tpu.memory_space<vmem>>, vector<16xf32>,
      %parallel_loop3A = arith.constant 0 : i32
      %parallel_loop3A_270 = arith.constant 80 : i32
      %parallel_loop3A_271 = arith.constant 1 : i32
      scf.for %parallel_loop3A_371 = %parallel_loop3A to %parallel_loop3A_270 step %parallel_loop3A_271  : i32 {
        %parallel_loop3A_372 = arith.index_cast %parallel_loop3A_371 : i32 to index
        %parallel_loop3A_373 = arith.constant 0 : index
        %parallel_loop3A_374 = tpu.vector_load %arg19[%parallel_loop3A_372, %parallel_loop3A_373] {strides = array<i32>} : memref<80x16xf32, #tpu.memory_space<vmem>>, vector<16xf32>,
        %parallel_loop3A_375 = arith.index_cast %parallel_loop3A_371 : i32 to index
        %parallel_loop3A_376 = arith.constant 0 : index
        %parallel_loop3A_377 = tpu.vector_load %arg21[%parallel_loop3A_375, %parallel_loop3A_376] {strides = array<i32>} : memref<80x16xf32, #tpu.memory_space<vmem>>, vector<16xf32>,
        %parallel_loop3A_378 = arith.addf %parallel_loop3A_374, %parallel_loop3A_377 : vector<16xf32>
        %parallel_loop3A_379 = arith.constant 0.000000e+00 : f32
        %parallel_loop3A_380 = vector.broadcast %parallel_loop3A_379 : f32 to vector<16xf32>
        %parallel_loop3A_381 = arith.cmpf ogt, %parallel_loop3A_378, %parallel_loop3A_380 : vector<16xf32>
        %parallel_loop3A_382 = arith.constant 2.000000e-01 : f32
        %parallel_loop3A_383 = vector.broadcast %parallel_loop3A_382 : f32 to vector<16xf32>
        %parallel_loop3A_384 = arith.mulf %parallel_loop3A_383, %parallel_loop3A_378 : vector<16xf32>
        %parallel_loop3A_385 = arith.select %parallel_loop3A_381, %parallel_loop3A_378, %parallel_loop3A_384 : vector<16xi1>, vector<16xf32>
        %parallel_loop3A_386 = arith.subf %parallel_loop3A_385, %get3A_269 : vector<16xf32>
        %parallel_loop3A_387 = math.exp %parallel_loop3A_386 : vector<16xf32>
        %parallel_loop3A_388 = arith.index_cast %parallel_loop3A_371 : i32 to index
        %parallel_loop3A_389 = arith.constant 0 : index
        %parallel_loop3A_390 = tpu.vector_load %arg23[%parallel_loop3A_388, %parallel_loop3A_389] {strides = array<i32>} : memref<80x16xf32, #tpu.memory_space<vmem>>, vector<16xf32>,
        tpu.vector_store %arg23[%parallel_loop3A_388, %parallel_loop3A_389], %parallel_loop3A_387 {strides = array<i32>} : memref<80x16xf32, #tpu.memory_space<vmem>>, vector<16xf32>,
        %parallel_loop3A_391 = arith.index_cast %parallel_loop3A_371 : i32 to index
        %parallel_loop3A_392 = arith.constant 0 : index
        %parallel_loop3A_393 = tpu.vector_load %arg15[%parallel_loop3A_391, %parallel_loop3A_392] {strides = array<i32>} : memref<80x128xbf16, #tpu.memory_space<vmem>>, vector<32xbf16>,
        %parallel_loop3A_394 = tpu.unpack_subelements %parallel_loop3A_393, 0 {pack_format = #tpu.pack_format<interleaved>} : vector<32xbf16> -> vector<16xf32>
        %parallel_loop3A_395 = tpu.unpack_subelements %parallel_loop3A_393, 1 {pack_format = #tpu.pack_format<interleaved>} : vector<32xbf16> -> vector<16xf32>
        %parallel_loop3A_396 = vector.extract_strided_slice %parallel_loop3A_387 {offsets = [0], sizes = [1], strides = [1]} : vector<16xf32> to vector<1xf32>
        %parallel_loop3A_397 = vector.extract %parallel_loop3A_396[0] : f32 from vector<1xf32>
        %parallel_loop3A_398 = vector.broadcast %parallel_loop3A_397 : f32 to vector<16xf32>
        %parallel_loop3A_399 = arith.mulf %parallel_loop3A_394, %parallel_loop3A_398 : vector<16xf32>
        %parallel_loop3A_400 = arith.index_cast %parallel_loop3A_371 : i32 to index
        %parallel_loop3A_401 = arith.constant 0 : index
        %parallel_loop3A_402 = tpu.vector_load %arg17[%parallel_loop3A_400, %parallel_loop3A_401] {strides = array<i32>} : memref<80x128xf32, #tpu.memory_space<vmem>>, vector<16xf32>,
        tpu.vector_store %arg17[%parallel_loop3A_400, %parallel_loop3A_401], %parallel_loop3A_399 {strides = array<i32>} : memref<80x128xf32, #tpu.memory_space<vmem>>, vector<16xf32>,
        %parallel_loop3A_403 = vector.extract_strided_slice %parallel_loop3A_387 {offsets = [1], sizes = [1], strides = [1]} : vector<16xf32> to vector<1xf32>
        %parallel_loop3A_404 = vector.extract %parallel_loop3A_403[0] : f32 from vector<1xf32>
        %parallel_loop3A_405 = vector.broadcast %parallel_loop3A_404 : f32 to vector<16xf32>
        %parallel_loop3A_406 = arith.mulf %parallel_loop3A_395, %parallel_loop3A_405 : vector<16xf32>
        %parallel_loop3A_407 = arith.index_cast %parallel_loop3A_371 : i32 to index
        %parallel_loop3A_408 = arith.constant 16 : index
        %parallel_loop3A_409 = tpu.vector_load %arg17[%parallel_loop3A_407, %parallel_loop3A_408] {strides = array<i32>} : memref<80x128xf32, #tpu.memory_space<vmem>>, vector<16xf32>,
        tpu.vector_store %arg17[%parallel_loop3A_407, %parallel_loop3A_408], %parallel_loop3A_406 {strides = array<i32>} : memref<80x128xf32, #tpu.memory_space<vmem>>, vector<16xf32>,
        %parallel_loop3A_410 = arith.index_cast %parallel_loop3A_371 : i32 to index
        %parallel_loop3A_411 = arith.constant 32 : index
        %parallel_loop3A_412 = tpu.vector_load %arg15[%parallel_loop3A_410, %parallel_loop3A_411] {strides = array<i32>} : memref<80x128xbf16, #tpu.memory_space<vmem>>, vector<32xbf16>,
        %parallel_loop3A_413 = tpu.unpack_subelements %parallel_loop3A_412, 0 {pack_format = #tpu.pack_format<interleaved>} : vector<32xbf16> -> vector<16xf32>
        %parallel_loop3A_414 = tpu.unpack_subelements %parallel_loop3A_412, 1 {pack_format = #tpu.pack_format<interleaved>} : vector<32xbf16> -> vector<16xf32>
        %parallel_loop3A_415 = vector.extract_strided_slice %parallel_loop3A_387 {offsets = [2], sizes = [1], strides = [1]} : vector<16xf32> to vector<1xf32>
        %parallel_loop3A_416 = vector.extract %parallel_loop3A_415[0] : f32 from vector<1xf32>
        %parallel_loop3A_417 = vector.broadcast %parallel_loop3A_416 : f32 to vector<16xf32>
        %parallel_loop3A_418 = arith.mulf %parallel_loop3A_413, %parallel_loop3A_417 : vector<16xf32>
        %parallel_loop3A_419 = arith.index_cast %parallel_loop3A_371 : i32 to index
        %parallel_loop3A_420 = arith.constant 32 : index
        %parallel_loop3A_421 = tpu.vector_load %arg17[%parallel_loop3A_419, %parallel_loop3A_420] {strides = array<i32>} : memref<80x128xf32, #tpu.memory_space<vmem>>, vector<16xf32>,
        tpu.vector_store %arg17[%parallel_loop3A_419, %parallel_loop3A_420], %parallel_loop3A_418 {strides = array<i32>} : memref<80x128xf32, #tpu.memory_space<vmem>>, vector<16xf32>,
        %parallel_loop3A_422 = vector.extract_strided_slice %parallel_loop3A_387 {offsets = [3], sizes = [1], strides = [1]} : vector<16xf32> to vector<1xf32>
        %parallel_loop3A_423 = vector.extract %parallel_loop3A_422[0] : f32 from vector<1xf32>
        %parallel_loop3A_424 = vector.broadcast %parallel_loop3A_423 : f32 to vector<16xf32>
        %parallel_loop3A_425 = arith.mulf %parallel_loop3A_414, %parallel_loop3A_424 : vector<16xf32>
        %parallel_loop3A_426 = arith.index_cast %parallel_loop3A_371 : i32 to index
        %parallel_loop3A_427 = arith.constant 48 : index
        %parallel_loop3A_428 = tpu.vector_load %arg17[%parallel_loop3A_426, %parallel_loop3A_427] {strides = array<i32>} : memref<80x128xf32, #tpu.memory_space<vmem>>, vector<16xf32>,
        tpu.vector_store %arg17[%parallel_loop3A_426, %parallel_loop3A_427], %parallel_loop3A_425 {strides = array<i32>} : memref<80x128xf32, #tpu.memory_space<vmem>>, vector<16xf32>,
        %parallel_loop3A_429 = arith.index_cast %parallel_loop3A_371 : i32 to index
        %parallel_loop3A_430 = arith.constant 64 : index
        %parallel_loop3A_431 = tpu.vector_load %arg15[%parallel_loop3A_429, %parallel_loop3A_430] {strides = array<i32>} : memref<80x128xbf16, #tpu.memory_space<vmem>>, vector<32xbf16>,
        %parallel_loop3A_432 = tpu.unpack_subelements %parallel_loop3A_431, 0 {pack_format = #tpu.pack_format<interleaved>} : vector<32xbf16> -> vector<16xf32>
        %parallel_loop3A_433 = tpu.unpack_subelements %parallel_loop3A_431, 1 {pack_format = #tpu.pack_format<interleaved>} : vector<32xbf16> -> vector<16xf32>
        %parallel_loop3A_434 = vector.extract_strided_slice %parallel_loop3A_387 {offsets = [4], sizes = [1], strides = [1]} : vector<16xf32> to vector<1xf32>
        %parallel_loop3A_435 = vector.extract %parallel_loop3A_434[0] : f32 from vector<1xf32>
        %parallel_loop3A_436 = vector.broadcast %parallel_loop3A_435 : f32 to vector<16xf32>
        %parallel_loop3A_437 = arith.mulf %parallel_loop3A_432, %parallel_loop3A_436 : vector<16xf32>
        %parallel_loop3A_438 = arith.index_cast %parallel_loop3A_371 : i32 to index
        %parallel_loop3A_439 = arith.constant 64 : index
        %parallel_loop3A_440 = tpu.vector_load %arg17[%parallel_loop3A_438, %parallel_loop3A_439] {strides = array<i32>} : memref<80x128xf32, #tpu.memory_space<vmem>>, vector<16xf32>,
        tpu.vector_store %arg17[%parallel_loop3A_438, %parallel_loop3A_439], %parallel_loop3A_437 {strides = array<i32>} : memref<80x128xf32, #tpu.memory_space<vmem>>, vector<16xf32>,
        %parallel_loop3A_441 = vector.extract_strided_slice %parallel_loop3A_387 {offsets = [5], sizes = [1], strides = [1]} : vector<16xf32> to vector<1xf32>
        %parallel_loop3A_442 = vector.extract %parallel_loop3A_441[0] : f32 from vector<1xf32>
        %parallel_loop3A_443 = vector.broadcast %parallel_loop3A_442 : f32 to vector<16xf32>
        %parallel_loop3A_444 = arith.mulf %parallel_loop3A_433, %parallel_loop3A_443 : vector<16xf32>
        %parallel_loop3A_445 = arith.index_cast %parallel_loop3A_371 : i32 to index
        %parallel_loop3A_446 = arith.constant 80 : index
        %parallel_loop3A_447 = tpu.vector_load %arg17[%parallel_loop3A_445, %parallel_loop3A_446] {strides = array<i32>} : memref<80x128xf32, #tpu.memory_space<vmem>>, vector<16xf32>,
        tpu.vector_store %arg17[%parallel_loop3A_445, %parallel_loop3A_446], %parallel_loop3A_444 {strides = array<i32>} : memref<80x128xf32, #tpu.memory_space<vmem>>, vector<16xf32>,
        %parallel_loop3A_448 = arith.index_cast %parallel_loop3A_371 : i32 to index
        %parallel_loop3A_449 = arith.constant 96 : index
        %parallel_loop3A_450 = tpu.vector_load %arg15[%parallel_loop3A_448, %parallel_loop3A_449] {strides = array<i32>} : memref<80x128xbf16, #tpu.memory_space<vmem>>, vector<32xbf16>,
        %parallel_loop3A_451 = tpu.unpack_subelements %parallel_loop3A_450, 0 {pack_format = #tpu.pack_format<interleaved>} : vector<32xbf16> -> vector<16xf32>
        %parallel_loop3A_452 = tpu.unpack_subelements %parallel_loop3A_450, 1 {pack_format = #tpu.pack_format<interleaved>} : vector<32xbf16> -> vector<16xf32>
        %parallel_loop3A_453 = vector.extract_strided_slice %parallel_loop3A_387 {offsets = [6], sizes = [1], strides = [1]} : vector<16xf32> to vector<1xf32>
        %parallel_loop3A_454 = vector.extract %parallel_loop3A_453[0] : f32 from vector<1xf32>
        %parallel_loop3A_455 = vector.broadcast %parallel_loop3A_454 : f32 to vector<16xf32>
        %parallel_loop3A_456 = arith.mulf %parallel_loop3A_451, %parallel_loop3A_455 : vector<16xf32>
        %parallel_loop3A_457 = arith.index_cast %parallel_loop3A_371 : i32 to index
        %parallel_loop3A_458 = arith.constant 96 : index
        %parallel_loop3A_459 = tpu.vector_load %arg17[%parallel_loop3A_457, %parallel_loop3A_458] {strides = array<i32>} : memref<80x128xf32, #tpu.memory_space<vmem>>, vector<16xf32>,
        tpu.vector_store %arg17[%parallel_loop3A_457, %parallel_loop3A_458], %parallel_loop3A_456 {strides = array<i32>} : memref<80x128xf32, #tpu.memory_space<vmem>>, vector<16xf32>,
        %parallel_loop3A_460 = vector.extract_strided_slice %parallel_loop3A_387 {offsets = [7], sizes = [1], strides = [1]} : vector<16xf32> to vector<1xf32>
        %parallel_loop3A_461 = vector.extract %parallel_loop3A_460[0] : f32 from vector<1xf32>
        %parallel_loop3A_462 = vector.broadcast %parallel_loop3A_461 : f32 to vector<16xf32>
        %parallel_loop3A_463 = arith.mulf %parallel_loop3A_452, %parallel_loop3A_462 : vector<16xf32>
        %parallel_loop3A_464 = arith.index_cast %parallel_loop3A_371 : i32 to index
        %parallel_loop3A_465 = arith.constant 112 : index
        %parallel_loop3A_466 = tpu.vector_load %arg17[%parallel_loop3A_464, %parallel_loop3A_465] {strides = array<i32>} : memref<80x128xf32, #tpu.memory_space<vmem>>, vector<16xf32>,
        tpu.vector_store %arg17[%parallel_loop3A_464, %parallel_loop3A_465], %parallel_loop3A_463 {strides = array<i32>} : memref<80x128xf32, #tpu.memory_space<vmem>>, vector<16xf32>,
      } {sc.loop_unroll_factor = 4 : i64, sc.parallel_access}
      %dma_start3A_272 = arith.constant 0 : i32
      %dma_start3A_273 = arith.constant 0 : i32
      %dma_start3A_274 = tpu.memref_slice %arg13[%dma_start3A_272, %dma_start3A_273] : memref<1x80xi32, #tpu.memory_space<vmem>> -> memref<1x80xi32, #tpu.memory_space<vmem>>
      %dma_start3A_275 = tpu.memref_squeeze %dma_start3A_274 : memref<1x80xi32, #tpu.memory_space<vmem>> -> memref<80xi32, #tpu.memory_space<vmem>>
      %dma_start3A_276 = arith.constant 0 : i32
      %dma_start3A_277 = arith.constant 0 : i32
      %dma_start3A_278 = tpu.memref_slice %arg27[%dma_start3A_276, %dma_start3A_277] : memref<10016x16xf32, #tpu.memory_space<vmem_shared>> -> memref<10016x16xf32, #tpu.memory_space<vmem_shared>>
      tpu.enqueue_indirect_dma source(%arg23 : memref<80x16xf32, #tpu.memory_space<vmem>>) target(%dma_start3A_278 : memref<10016x16xf32, #tpu.memory_space<vmem_shared>>) offsets(%dma_start3A_275 : memref<80xi32, #tpu.memory_space<vmem>>) semaphore(%arg36 : memref<!tpu.dma_semaphore, #tpu.memory_space<semaphore_mem>>) {add = true}
      %dma_start3A_279 = arith.constant 0 : i32
      %dma_start3A_280 = arith.constant 0 : i32
      %dma_start3A_281 = tpu.memref_slice %arg13[%dma_start3A_279, %dma_start3A_280] : memref<1x80xi32, #tpu.memory_space<vmem>> -> memref<1x80xi32, #tpu.memory_space<vmem>>
      %dma_start3A_282 = tpu.memref_squeeze %dma_start3A_281 : memref<1x80xi32, #tpu.memory_space<vmem>> -> memref<80xi32, #tpu.memory_space<vmem>>
      %dma_start3A_283 = arith.constant 0 : i32
      %dma_start3A_284 = arith.constant 0 : i32
      %dma_start3A_285 = tpu.memref_slice %arg26[%dma_start3A_283, %dma_start3A_284] : memref<10016x128xf32, #tpu.memory_space<vmem_shared>> -> memref<10016x128xf32, #tpu.memory_space<vmem_shared>>
      tpu.enqueue_indirect_dma source(%arg17 : memref<80x128xf32, #tpu.memory_space<vmem>>) target(%dma_start3A_285 : memref<10016x128xf32, #tpu.memory_space<vmem_shared>>) offsets(%dma_start3A_282 : memref<80xi32, #tpu.memory_space<vmem>>) semaphore(%arg38 : memref<!tpu.dma_semaphore, #tpu.memory_space<semaphore_mem>>) {add = true}
      %dma_wait3A_286 = arith.constant 0 : i32
      %dma_wait3A_287 = arith.constant 0 : i32
      %dma_wait3A_288 = tpu.memref_slice %arg12[%dma_wait3A_286, %dma_wait3A_287] : memref<2x80xi32, #tpu.memory_space<vmem>> -> memref<1x80xi32, #tpu.memory_space<vmem>>
      %dma_wait3A_289 = tpu.memref_squeeze %dma_wait3A_288 : memref<1x80xi32, #tpu.memory_space<vmem>> -> memref<80xi32, #tpu.memory_space<vmem>>
      %dma_wait3A_290 = arith.constant 0 : i32
      %dma_wait3A_291 = arith.constant 0 : i32
      %dma_wait3A_292 = tpu.memref_slice %arg2[%dma_wait3A_290, %dma_wait3A_291] : memref<10000x128xbf16, #tpu.memory_space<hbm>> -> memref<10000x128xbf16, #tpu.memory_space<hbm>>
      tpu.wait_indirect_dma semaphore(%arg29 : memref<!tpu.dma_semaphore, #tpu.memory_space<semaphore_mem>>) src(%dma_wait3A_292 : memref<10000x128xbf16, #tpu.memory_space<hbm>>) dst(%arg16 : memref<80x128xbf16, #tpu.memory_space<vmem>>)
      %dma_wait3A_293 = arith.constant 0 : i32
      %dma_wait3A_294 = arith.constant 0 : i32
      %dma_wait3A_295 = tpu.memref_slice %arg12[%dma_wait3A_293, %dma_wait3A_294] : memref<2x80xi32, #tpu.memory_space<vmem>> -> memref<1x80xi32, #tpu.memory_space<vmem>>
      %dma_wait3A_296 = tpu.memref_squeeze %dma_wait3A_295 : memref<1x80xi32, #tpu.memory_space<vmem>> -> memref<80xi32, #tpu.memory_space<vmem>>
      %dma_wait3A_297 = arith.constant 0 : i32
      %dma_wait3A_298 = arith.constant 0 : i32
      %dma_wait3A_299 = tpu.memref_slice %arg3[%dma_wait3A_297, %dma_wait3A_298] : memref<10000x16xf32, #tpu.memory_space<hbm>> -> memref<10000x16xf32, #tpu.memory_space<hbm>>
      tpu.wait_indirect_dma semaphore(%arg31 : memref<!tpu.dma_semaphore, #tpu.memory_space<semaphore_mem>>) src(%dma_wait3A_299 : memref<10000x16xf32, #tpu.memory_space<hbm>>) dst(%arg20 : memref<80x16xf32, #tpu.memory_space<vmem>>)
      %dma_wait3A_300 = arith.constant 1 : i32
      %dma_wait3A_301 = arith.constant 0 : i32
      %dma_wait3A_302 = tpu.memref_slice %arg12[%dma_wait3A_300, %dma_wait3A_301] : memref<2x80xi32, #tpu.memory_space<vmem>> -> memref<1x80xi32, #tpu.memory_space<vmem>>
      %dma_wait3A_303 = tpu.memref_squeeze %dma_wait3A_302 : memref<1x80xi32, #tpu.memory_space<vmem>> -> memref<80xi32, #tpu.memory_space<vmem>>
      %dma_wait3A_304 = arith.constant 0 : i32
      %dma_wait3A_305 = arith.constant 0 : i32
      %dma_wait3A_306 = tpu.memref_slice %arg4[%dma_wait3A_304, %dma_wait3A_305] : memref<10016x16xf32, #tpu.memory_space<hbm>> -> memref<10016x16xf32, #tpu.memory_space<hbm>>
      tpu.wait_indirect_dma semaphore(%arg33 : memref<!tpu.dma_semaphore, #tpu.memory_space<semaphore_mem>>) src(%dma_wait3A_306 : memref<10016x16xf32, #tpu.memory_space<hbm>>) dst(%arg22 : memref<80x16xf32, #tpu.memory_space<vmem>>)
      %get3A_307 = arith.constant 1 : i32
      %get3A_308 = arith.index_cast %get3A_307 : i32 to index
      %get3A_309 = arith.constant 0 : index
      %get3A_310 = tpu.vector_load %arg12[%get3A_308, %get3A_309] {strides = array<i32>} : memref<2x80xi32, #tpu.memory_space<vmem>>, vector<16xi32>,
      %swap3A_311 = arith.constant 0 : i32
      %swap3A_312 = arith.index_cast %swap3A_311 : i32 to index
      %swap3A_313 = arith.constant 0 : index
      %swap3A_314 = tpu.vector_load %arg14[%swap3A_312, %swap3A_313] {strides = array<i32>} : memref<1x80xi32, #tpu.memory_space<vmem>>, vector<16xi32>,
      tpu.vector_store %arg14[%swap3A_312, %swap3A_313], %get3A_310 {strides = array<i32>} : memref<1x80xi32, #tpu.memory_space<vmem>>, vector<16xi32>,
      %get3A_315 = arith.constant 1 : i32
      %get3A_316 = arith.index_cast %get3A_315 : i32 to index
      %get3A_317 = arith.constant 16 : index
      %get3A_318 = tpu.vector_load %arg12[%get3A_316, %get3A_317] {strides = array<i32>} : memref<2x80xi32, #tpu.memory_space<vmem>>, vector<16xi32>,
      %swap3A_319 = arith.constant 0 : i32
      %swap3A_320 = arith.index_cast %swap3A_319 : i32 to index
      %swap3A_321 = arith.constant 16 : index
      %swap3A_322 = tpu.vector_load %arg14[%swap3A_320, %swap3A_321] {strides = array<i32>} : memref<1x80xi32, #tpu.memory_space<vmem>>, vector<16xi32>,
      tpu.vector_store %arg14[%swap3A_320, %swap3A_321], %get3A_318 {strides = array<i32>} : memref<1x80xi32, #tpu.memory_space<vmem>>, vector<16xi32>,
      %get3A_323 = arith.constant 1 : i32
      %get3A_324 = arith.index_cast %get3A_323 : i32 to index
      %get3A_325 = arith.constant 32 : index
      %get3A_326 = tpu.vector_load %arg12[%get3A_324, %get3A_325] {strides = array<i32>} : memref<2x80xi32, #tpu.memory_space<vmem>>, vector<16xi32>,
      %swap3A_327 = arith.constant 0 : i32
      %swap3A_328 = arith.index_cast %swap3A_327 : i32 to index
      %swap3A_329 = arith.constant 32 : index
      %swap3A_330 = tpu.vector_load %arg14[%swap3A_328, %swap3A_329] {strides = array<i32>} : memref<1x80xi32, #tpu.memory_space<vmem>>, vector<16xi32>,
      tpu.vector_store %arg14[%swap3A_328, %swap3A_329], %get3A_326 {strides = array<i32>} : memref<1x80xi32, #tpu.memory_space<vmem>>, vector<16xi32>,
      %get3A_331 = arith.constant 1 : i32
      %get3A_332 = arith.index_cast %get3A_331 : i32 to index
      %get3A_333 = arith.constant 48 : index
      %get3A_334 = tpu.vector_load %arg12[%get3A_332, %get3A_333] {strides = array<i32>} : memref<2x80xi32, #tpu.memory_space<vmem>>, vector<16xi32>,
      %swap3A_335 = arith.constant 0 : i32
      %swap3A_336 = arith.index_cast %swap3A_335 : i32 to index
      %swap3A_337 = arith.constant 48 : index
      %swap3A_338 = tpu.vector_load %arg14[%swap3A_336, %swap3A_337] {strides = array<i32>} : memref<1x80xi32, #tpu.memory_space<vmem>>, vector<16xi32>,
      tpu.vector_store %arg14[%swap3A_336, %swap3A_337], %get3A_334 {strides = array<i32>} : memref<1x80xi32, #tpu.memory_space<vmem>>, vector<16xi32>,
      %get3A_339 = arith.constant 1 : i32
      %get3A_340 = arith.index_cast %get3A_339 : i32 to index
      %get3A_341 = arith.constant 64 : index
      %get3A_342 = tpu.vector_load %arg12[%get3A_340, %get3A_341] {strides = array<i32>} : memref<2x80xi32, #tpu.memory_space<vmem>>, vector<16xi32>,
      %swap3A_343 = arith.constant 0 : i32
      %swap3A_344 = arith.index_cast %swap3A_343 : i32 to index
      %swap3A_345 = arith.constant 64 : index
      %swap3A_346 = tpu.vector_load %arg14[%swap3A_344, %swap3A_345] {strides = array<i32>} : memref<1x80xi32, #tpu.memory_space<vmem>>, vector<16xi32>,
      tpu.vector_store %arg14[%swap3A_344, %swap3A_345], %get3A_342 {strides = array<i32>} : memref<1x80xi32, #tpu.memory_space<vmem>>, vector<16xi32>,
      %lt3A_347 = arith.constant 62 : i32
      %lt3A_348 = arith.cmpi slt, %scan3A_150, %lt3A_347 : i32
      %convert_element_type3A_349 = arith.extui %lt3A_348 : i1 to i32
      %cond3A_350 = arith.constant 0 : i32
      %cond3A_351 = arith.cmpi ne, %convert_element_type3A_349, %cond3A_350 : i32
      scf.if %cond3A_351 {
        %add3A_371 = arith.constant 3 : i32
        %add3A_372 = arith.addi %mul3A_152, %add3A_371 : i32
        %add3A_373 = arith.addi %mul3A_2, %add3A_372 : i32
        %mul3A_374 = arith.constant 80 : i32
        %mul3A_375 = arith.muli %add3A_373, %mul3A_374 : i32
        %dma_start3A_376 = arith.constant 0 : i32
        %dma_start3A_377 = arith.constant 0 : i32
        %dma_start3A_378 = arith.constant 0 : i32
        %dma_start3A_379 = tpu.memref_slice %arg12[%dma_start3A_377, %dma_start3A_378] : memref<2x80xi32, #tpu.memory_space<vmem>> -> memref<1x80xi32, #tpu.memory_space<vmem>>
        %dma_start3A_380 = tpu.memref_squeeze %dma_start3A_379 : memref<1x80xi32, #tpu.memory_space<vmem>> -> memref<80xi32, #tpu.memory_space<vmem>>
        %dma_start3A_381 = tpu.memref_slice %arg6[%dma_start3A_376, %mul3A_375] : memref<2x322560xi32, #tpu.memory_space<hbm>> -> memref<1x80xi32, #tpu.memory_space<hbm>>
        %dma_start3A_382 = tpu.memref_squeeze %dma_start3A_381 : memref<1x80xi32, #tpu.memory_space<hbm>> -> memref<80xi32, #tpu.memory_space<hbm>>
        %dma_start3A_383 = arith.constant 0 : i32
        %dma_start3A_384 = tpu.memref_slice %arg12[%dma_start3A_377, %dma_start3A_383] : memref<2x80xi32, #tpu.memory_space<vmem>> -> memref<1x80xi32, #tpu.memory_space<vmem>>
        %dma_start3A_385 = tpu.memref_squeeze %dma_start3A_384 : memref<1x80xi32, #tpu.memory_space<vmem>> -> memref<80xi32, #tpu.memory_space<vmem>>
        %dma_start3A_386 = tpu.memref_slice %arg6[%dma_start3A_376, %mul3A_375] : memref<2x322560xi32, #tpu.memory_space<hbm>> -> memref<1x80xi32, #tpu.memory_space<hbm>>
        %dma_start3A_387 = tpu.memref_squeeze %dma_start3A_386 : memref<1x80xi32, #tpu.memory_space<hbm>> -> memref<80xi32, #tpu.memory_space<hbm>>
        tpu.enqueue_dma source(%dma_start3A_387 : memref<80xi32, #tpu.memory_space<hbm>>) target(%dma_start3A_385 : memref<80xi32, #tpu.memory_space<vmem>>) target_semaphore(%arg35 : memref<!tpu.dma_semaphore, #tpu.memory_space<semaphore_mem>>)
        %dma_start3A_388 = arith.constant 1 : i32
        %dma_start3A_389 = arith.constant 1 : i32
        %dma_start3A_390 = arith.constant 0 : i32
        %dma_start3A_391 = tpu.memref_slice %arg12[%dma_start3A_389, %dma_start3A_390] : memref<2x80xi32, #tpu.memory_space<vmem>> -> memref<1x80xi32, #tpu.memory_space<vmem>>
        %dma_start3A_392 = tpu.memref_squeeze %dma_start3A_391 : memref<1x80xi32, #tpu.memory_space<vmem>> -> memref<80xi32, #tpu.memory_space<vmem>>
        %dma_start3A_393 = tpu.memref_slice %arg6[%dma_start3A_388, %mul3A_375] : memref<2x322560xi32, #tpu.memory_space<hbm>> -> memref<1x80xi32, #tpu.memory_space<hbm>>
        %dma_start3A_394 = tpu.memref_squeeze %dma_start3A_393 : memref<1x80xi32, #tpu.memory_space<hbm>> -> memref<80xi32, #tpu.memory_space<hbm>>
        %dma_start3A_395 = arith.constant 0 : i32
        %dma_start3A_396 = tpu.memref_slice %arg12[%dma_start3A_389, %dma_start3A_395] : memref<2x80xi32, #tpu.memory_space<vmem>> -> memref<1x80xi32, #tpu.memory_space<vmem>>
        %dma_start3A_397 = tpu.memref_squeeze %dma_start3A_396 : memref<1x80xi32, #tpu.memory_space<vmem>> -> memref<80xi32, #tpu.memory_space<vmem>>
        %dma_start3A_398 = tpu.memref_slice %arg6[%dma_start3A_388, %mul3A_375] : memref<2x322560xi32, #tpu.memory_space<hbm>> -> memref<1x80xi32, #tpu.memory_space<hbm>>
        %dma_start3A_399 = tpu.memref_squeeze %dma_start3A_398 : memref<1x80xi32, #tpu.memory_space<hbm>> -> memref<80xi32, #tpu.memory_space<hbm>>
        tpu.enqueue_dma source(%dma_start3A_399 : memref<80xi32, #tpu.memory_space<hbm>>) target(%dma_start3A_397 : memref<80xi32, #tpu.memory_space<vmem>>) target_semaphore(%arg35 : memref<!tpu.dma_semaphore, #tpu.memory_space<semaphore_mem>>)
        %add3A_400 = arith.constant 2 : i32
        %add3A_401 = arith.addi %mul3A_152, %add3A_400 : i32
        %add3A_402 = arith.addi %mul3A_2, %add3A_401 : i32
        %mul3A_403 = arith.constant 80 : i32
        %mul3A_404 = arith.muli %add3A_402, %mul3A_403 : i32
        %dma_wait3A_405 = arith.constant 0 : i32
        %dma_wait3A_406 = arith.constant 0 : i32
        %dma_wait3A_407 = arith.constant 0 : i32
        %dma_wait3A_408 = tpu.memref_slice %arg11[%dma_wait3A_406, %dma_wait3A_407] : memref<2x80xi32, #tpu.memory_space<vmem>> -> memref<1x80xi32, #tpu.memory_space<vmem>>
        %dma_wait3A_409 = tpu.memref_squeeze %dma_wait3A_408 : memref<1x80xi32, #tpu.memory_space<vmem>> -> memref<80xi32, #tpu.memory_space<vmem>>
        %dma_wait3A_410 = tpu.memref_slice %arg6[%dma_wait3A_405, %mul3A_404] : memref<2x322560xi32, #tpu.memory_space<hbm>> -> memref<1x80xi32, #tpu.memory_space<hbm>>
        %dma_wait3A_411 = tpu.memref_squeeze %dma_wait3A_410 : memref<1x80xi32, #tpu.memory_space<hbm>> -> memref<80xi32, #tpu.memory_space<hbm>>
        %dma_wait3A_412 = arith.constant 0 : i32
        %dma_wait3A_413 = tpu.memref_slice %arg11[%dma_wait3A_406, %dma_wait3A_412] : memref<2x80xi32, #tpu.memory_space<vmem>> -> memref<1x80xi32, #tpu.memory_space<vmem>>
        %dma_wait3A_414 = tpu.memref_squeeze %dma_wait3A_413 : memref<1x80xi32, #tpu.memory_space<vmem>> -> memref<80xi32, #tpu.memory_space<vmem>>
        %dma_wait3A_415 = tpu.memref_slice %arg6[%dma_wait3A_405, %mul3A_404] : memref<2x322560xi32, #tpu.memory_space<hbm>> -> memref<1x80xi32, #tpu.memory_space<hbm>>
        %dma_wait3A_416 = tpu.memref_squeeze %dma_wait3A_415 : memref<1x80xi32, #tpu.memory_space<hbm>> -> memref<80xi32, #tpu.memory_space<hbm>>
        tpu.wait_dma2 semaphore(%arg34 : memref<!tpu.dma_semaphore, #tpu.memory_space<semaphore_mem>>) src(%dma_wait3A_416 : memref<80xi32, #tpu.memory_space<hbm>>) dst(%dma_wait3A_414 : memref<80xi32, #tpu.memory_space<vmem>>)
        %dma_wait3A_417 = arith.constant 1 : i32
        %dma_wait3A_418 = arith.constant 1 : i32
        %dma_wait3A_419 = arith.constant 0 : i32
        %dma_wait3A_420 = tpu.memref_slice %arg11[%dma_wait3A_418, %dma_wait3A_419] : memref<2x80xi32, #tpu.memory_space<vmem>> -> memref<1x80xi32, #tpu.memory_space<vmem>>
        %dma_wait3A_421 = tpu.memref_squeeze %dma_wait3A_420 : memref<1x80xi32, #tpu.memory_space<vmem>> -> memref<80xi32, #tpu.memory_space<vmem>>
        %dma_wait3A_422 = tpu.memref_slice %arg6[%dma_wait3A_417, %mul3A_404] : memref<2x322560xi32, #tpu.memory_space<hbm>> -> memref<1x80xi32, #tpu.memory_space<hbm>>
        %dma_wait3A_423 = tpu.memref_squeeze %dma_wait3A_422 : memref<1x80xi32, #tpu.memory_space<hbm>> -> memref<80xi32, #tpu.memory_space<hbm>>
        %dma_wait3A_424 = arith.constant 0 : i32
        %dma_wait3A_425 = tpu.memref_slice %arg11[%dma_wait3A_418, %dma_wait3A_424] : memref<2x80xi32, #tpu.memory_space<vmem>> -> memref<1x80xi32, #tpu.memory_space<vmem>>
        %dma_wait3A_426 = tpu.memref_squeeze %dma_wait3A_425 : memref<1x80xi32, #tpu.memory_space<vmem>> -> memref<80xi32, #tpu.memory_space<vmem>>
        %dma_wait3A_427 = tpu.memref_slice %arg6[%dma_wait3A_417, %mul3A_404] : memref<2x322560xi32, #tpu.memory_space<hbm>> -> memref<1x80xi32, #tpu.memory_space<hbm>>
        %dma_wait3A_428 = tpu.memref_squeeze %dma_wait3A_427 : memref<1x80xi32, #tpu.memory_space<hbm>> -> memref<80xi32, #tpu.memory_space<hbm>>
        tpu.wait_dma2 semaphore(%arg34 : memref<!tpu.dma_semaphore, #tpu.memory_space<semaphore_mem>>) src(%dma_wait3A_428 : memref<80xi32, #tpu.memory_space<hbm>>) dst(%dma_wait3A_426 : memref<80xi32, #tpu.memory_space<vmem>>)
        %dma_wait3A_429 = arith.constant 0 : i32
        %dma_wait3A_430 = arith.constant 0 : i32
        %dma_wait3A_431 = tpu.memref_slice %arg13[%dma_wait3A_429, %dma_wait3A_430] : memref<1x80xi32, #tpu.memory_space<vmem>> -> memref<1x80xi32, #tpu.memory_space<vmem>>
        %dma_wait3A_432 = tpu.memref_squeeze %dma_wait3A_431 : memref<1x80xi32, #tpu.memory_space<vmem>> -> memref<80xi32, #tpu.memory_space<vmem>>
        %dma_wait3A_433 = arith.constant 0 : i32
        %dma_wait3A_434 = arith.constant 0 : i32
        %dma_wait3A_435 = tpu.memref_slice %arg27[%dma_wait3A_433, %dma_wait3A_434] : memref<10016x16xf32, #tpu.memory_space<vmem_shared>> -> memref<10016x16xf32, #tpu.memory_space<vmem_shared>>
        tpu.wait_indirect_dma semaphore(%arg36 : memref<!tpu.dma_semaphore, #tpu.memory_space<semaphore_mem>>) src(%arg23 : memref<80x16xf32, #tpu.memory_space<vmem>>) dst(%dma_wait3A_435 : memref<10016x16xf32, #tpu.memory_space<vmem_shared>>)
        %dma_wait3A_436 = arith.constant 0 : i32
        %dma_wait3A_437 = arith.constant 0 : i32
        %dma_wait3A_438 = tpu.memref_slice %arg13[%dma_wait3A_436, %dma_wait3A_437] : memref<1x80xi32, #tpu.memory_space<vmem>> -> memref<1x80xi32, #tpu.memory_space<vmem>>
        %dma_wait3A_439 = tpu.memref_squeeze %dma_wait3A_438 : memref<1x80xi32, #tpu.memory_space<vmem>> -> memref<80xi32, #tpu.memory_space<vmem>>
        %dma_wait3A_440 = arith.constant 0 : i32
        %dma_wait3A_441 = arith.constant 0 : i32
        %dma_wait3A_442 = tpu.memref_slice %arg26[%dma_wait3A_440, %dma_wait3A_441] : memref<10016x128xf32, #tpu.memory_space<vmem_shared>> -> memref<10016x128xf32, #tpu.memory_space<vmem_shared>>
        tpu.wait_indirect_dma semaphore(%arg38 : memref<!tpu.dma_semaphore, #tpu.memory_space<semaphore_mem>>) src(%arg17 : memref<80x128xf32, #tpu.memory_space<vmem>>) dst(%dma_wait3A_442 : memref<10016x128xf32, #tpu.memory_space<vmem_shared>>)
        %dma_start3A_443 = arith.constant 0 : i32
        %dma_start3A_444 = arith.constant 0 : i32
        %dma_start3A_445 = tpu.memref_slice %arg11[%dma_start3A_443, %dma_start3A_444] : memref<2x80xi32, #tpu.memory_space<vmem>> -> memref<1x80xi32, #tpu.memory_space<vmem>>
        %dma_start3A_446 = tpu.memref_squeeze %dma_start3A_445 : memref<1x80xi32, #tpu.memory_space<vmem>> -> memref<80xi32, #tpu.memory_space<vmem>>
        %dma_start3A_447 = arith.constant 0 : i32
        %dma_start3A_448 = arith.constant 0 : i32
        %dma_start3A_449 = tpu.memref_slice %arg2[%dma_start3A_447, %dma_start3A_448] : memref<10000x128xbf16, #tpu.memory_space<hbm>> -> memref<10000x128xbf16, #tpu.memory_space<hbm>>
        tpu.enqueue_indirect_dma source(%dma_start3A_449 : memref<10000x128xbf16, #tpu.memory_space<hbm>>) target(%arg15 : memref<80x128xbf16, #tpu.memory_space<vmem>>) offsets(%dma_start3A_446 : memref<80xi32, #tpu.memory_space<vmem>>) semaphore(%arg28 : memref<!tpu.dma_semaphore, #tpu.memory_space<semaphore_mem>>)
        %dma_start3A_450 = arith.constant 0 : i32
        %dma_start3A_451 = arith.constant 0 : i32
        %dma_start3A_452 = tpu.memref_slice %arg11[%dma_start3A_450, %dma_start3A_451] : memref<2x80xi32, #tpu.memory_space<vmem>> -> memref<1x80xi32, #tpu.memory_space<vmem>>
        %dma_start3A_453 = tpu.memref_squeeze %dma_start3A_452 : memref<1x80xi32, #tpu.memory_space<vmem>> -> memref<80xi32, #tpu.memory_space<vmem>>
        %dma_start3A_454 = arith.constant 0 : i32
        %dma_start3A_455 = arith.constant 0 : i32
        %dma_start3A_456 = tpu.memref_slice %arg3[%dma_start3A_454, %dma_start3A_455] : memref<10000x16xf32, #tpu.memory_space<hbm>> -> memref<10000x16xf32, #tpu.memory_space<hbm>>
        tpu.enqueue_indirect_dma source(%dma_start3A_456 : memref<10000x16xf32, #tpu.memory_space<hbm>>) target(%arg19 : memref<80x16xf32, #tpu.memory_space<vmem>>) offsets(%dma_start3A_453 : memref<80xi32, #tpu.memory_space<vmem>>) semaphore(%arg30 : memref<!tpu.dma_semaphore, #tpu.memory_space<semaphore_mem>>)
        %dma_start3A_457 = arith.constant 1 : i32
        %dma_start3A_458 = arith.constant 0 : i32
        %dma_start3A_459 = tpu.memref_slice %arg11[%dma_start3A_457, %dma_start3A_458] : memref<2x80xi32, #tpu.memory_space<vmem>> -> memref<1x80xi32, #tpu.memory_space<vmem>>
        %dma_start3A_460 = tpu.memref_squeeze %dma_start3A_459 : memref<1x80xi32, #tpu.memory_space<vmem>> -> memref<80xi32, #tpu.memory_space<vmem>>
        %dma_start3A_461 = arith.constant 0 : i32
        %dma_start3A_462 = arith.constant 0 : i32
        %dma_start3A_463 = tpu.memref_slice %arg4[%dma_start3A_461, %dma_start3A_462] : memref<10016x16xf32, #tpu.memory_space<hbm>> -> memref<10016x16xf32, #tpu.memory_space<hbm>>
        tpu.enqueue_indirect_dma source(%dma_start3A_463 : memref<10016x16xf32, #tpu.memory_space<hbm>>) target(%arg21 : memref<80x16xf32, #tpu.memory_space<vmem>>) offsets(%dma_start3A_460 : memref<80xi32, #tpu.memory_space<vmem>>) semaphore(%arg32 : memref<!tpu.dma_semaphore, #tpu.memory_space<semaphore_mem>>)
      } else {
      }
      %get3A_352 = arith.constant 0 : index
      %get3A_353 = tpu.vector_load %arg25[%get3A_352] {strides = array<i32>} : memref<16xf32, #tpu.memory_space<vmem>>, vector<16xf32>,
      %parallel_loop3A_354 = arith.constant 0 : i32
      %parallel_loop3A_355 = arith.constant 80 : i32
      %parallel_loop3A_356 = arith.constant 1 : i32
      scf.for %parallel_loop3A_371 = %parallel_loop3A_354 to %parallel_loop3A_355 step %parallel_loop3A_356  : i32 {
        %parallel_loop3A_372 = arith.index_cast %parallel_loop3A_371 : i32 to index
        %parallel_loop3A_373 = arith.constant 0 : index
        %parallel_loop3A_374 = tpu.vector_load %arg20[%parallel_loop3A_372, %parallel_loop3A_373] {strides = array<i32>} : memref<80x16xf32, #tpu.memory_space<vmem>>, vector<16xf32>,
        %parallel_loop3A_375 = arith.index_cast %parallel_loop3A_371 : i32 to index
        %parallel_loop3A_376 = arith.constant 0 : index
        %parallel_loop3A_377 = tpu.vector_load %arg22[%parallel_loop3A_375, %parallel_loop3A_376] {strides = array<i32>} : memref<80x16xf32, #tpu.memory_space<vmem>>, vector<16xf32>,
        %parallel_loop3A_378 = arith.addf %parallel_loop3A_374, %parallel_loop3A_377 : vector<16xf32>
        %parallel_loop3A_379 = arith.constant 0.000000e+00 : f32
        %parallel_loop3A_380 = vector.broadcast %parallel_loop3A_379 : f32 to vector<16xf32>
        %parallel_loop3A_381 = arith.cmpf ogt, %parallel_loop3A_378, %parallel_loop3A_380 : vector<16xf32>
        %parallel_loop3A_382 = arith.constant 2.000000e-01 : f32
        %parallel_loop3A_383 = vector.broadcast %parallel_loop3A_382 : f32 to vector<16xf32>
        %parallel_loop3A_384 = arith.mulf %parallel_loop3A_383, %parallel_loop3A_378 : vector<16xf32>
        %parallel_loop3A_385 = arith.select %parallel_loop3A_381, %parallel_loop3A_378, %parallel_loop3A_384 : vector<16xi1>, vector<16xf32>
        %parallel_loop3A_386 = arith.subf %parallel_loop3A_385, %get3A_353 : vector<16xf32>
        %parallel_loop3A_387 = math.exp %parallel_loop3A_386 : vector<16xf32>
        %parallel_loop3A_388 = arith.index_cast %parallel_loop3A_371 : i32 to index
        %parallel_loop3A_389 = arith.constant 0 : index
        %parallel_loop3A_390 = tpu.vector_load %arg24[%parallel_loop3A_388, %parallel_loop3A_389] {strides = array<i32>} : memref<80x16xf32, #tpu.memory_space<vmem>>, vector<16xf32>,
        tpu.vector_store %arg24[%parallel_loop3A_388, %parallel_loop3A_389], %parallel_loop3A_387 {strides = array<i32>} : memref<80x16xf32, #tpu.memory_space<vmem>>, vector<16xf32>,
        %parallel_loop3A_391 = arith.index_cast %parallel_loop3A_371 : i32 to index
        %parallel_loop3A_392 = arith.constant 0 : index
        %parallel_loop3A_393 = tpu.vector_load %arg16[%parallel_loop3A_391, %parallel_loop3A_392] {strides = array<i32>} : memref<80x128xbf16, #tpu.memory_space<vmem>>, vector<32xbf16>,
        %parallel_loop3A_394 = tpu.unpack_subelements %parallel_loop3A_393, 0 {pack_format = #tpu.pack_format<interleaved>} : vector<32xbf16> -> vector<16xf32>
        %parallel_loop3A_395 = tpu.unpack_subelements %parallel_loop3A_393, 1 {pack_format = #tpu.pack_format<interleaved>} : vector<32xbf16> -> vector<16xf32>
        %parallel_loop3A_396 = vector.extract_strided_slice %parallel_loop3A_387 {offsets = [0], sizes = [1], strides = [1]} : vector<16xf32> to vector<1xf32>
        %parallel_loop3A_397 = vector.extract %parallel_loop3A_396[0] : f32 from vector<1xf32>
        %parallel_loop3A_398 = vector.broadcast %parallel_loop3A_397 : f32 to vector<16xf32>
        %parallel_loop3A_399 = arith.mulf %parallel_loop3A_394, %parallel_loop3A_398 : vector<16xf32>
        %parallel_loop3A_400 = arith.index_cast %parallel_loop3A_371 : i32 to index
        %parallel_loop3A_401 = arith.constant 0 : index
        %parallel_loop3A_402 = tpu.vector_load %arg18[%parallel_loop3A_400, %parallel_loop3A_401] {strides = array<i32>} : memref<80x128xf32, #tpu.memory_space<vmem>>, vector<16xf32>,
        tpu.vector_store %arg18[%parallel_loop3A_400, %parallel_loop3A_401], %parallel_loop3A_399 {strides = array<i32>} : memref<80x128xf32, #tpu.memory_space<vmem>>, vector<16xf32>,
        %parallel_loop3A_403 = vector.extract_strided_slice %parallel_loop3A_387 {offsets = [1], sizes = [1], strides = [1]} : vector<16xf32> to vector<1xf32>
        %parallel_loop3A_404 = vector.extract %parallel_loop3A_403[0] : f32 from vector<1xf32>
        %parallel_loop3A_405 = vector.broadcast %parallel_loop3A_404 : f32 to vector<16xf32>
        %parallel_loop3A_406 = arith.mulf %parallel_loop3A_395, %parallel_loop3A_405 : vector<16xf32>
        %parallel_loop3A_407 = arith.index_cast %parallel_loop3A_371 : i32 to index
        %parallel_loop3A_408 = arith.constant 16 : index
        %parallel_loop3A_409 = tpu.vector_load %arg18[%parallel_loop3A_407, %parallel_loop3A_408] {strides = array<i32>} : memref<80x128xf32, #tpu.memory_space<vmem>>, vector<16xf32>,
        tpu.vector_store %arg18[%parallel_loop3A_407, %parallel_loop3A_408], %parallel_loop3A_406 {strides = array<i32>} : memref<80x128xf32, #tpu.memory_space<vmem>>, vector<16xf32>,
        %parallel_loop3A_410 = arith.index_cast %parallel_loop3A_371 : i32 to index
        %parallel_loop3A_411 = arith.constant 32 : index
        %parallel_loop3A_412 = tpu.vector_load %arg16[%parallel_loop3A_410, %parallel_loop3A_411] {strides = array<i32>} : memref<80x128xbf16, #tpu.memory_space<vmem>>, vector<32xbf16>,
        %parallel_loop3A_413 = tpu.unpack_subelements %parallel_loop3A_412, 0 {pack_format = #tpu.pack_format<interleaved>} : vector<32xbf16> -> vector<16xf32>
        %parallel_loop3A_414 = tpu.unpack_subelements %parallel_loop3A_412, 1 {pack_format = #tpu.pack_format<interleaved>} : vector<32xbf16> -> vector<16xf32>
        %parallel_loop3A_415 = vector.extract_strided_slice %parallel_loop3A_387 {offsets = [2], sizes = [1], strides = [1]} : vector<16xf32> to vector<1xf32>
        %parallel_loop3A_416 = vector.extract %parallel_loop3A_415[0] : f32 from vector<1xf32>
        %parallel_loop3A_417 = vector.broadcast %parallel_loop3A_416 : f32 to vector<16xf32>
        %parallel_loop3A_418 = arith.mulf %parallel_loop3A_413, %parallel_loop3A_417 : vector<16xf32>
        %parallel_loop3A_419 = arith.index_cast %parallel_loop3A_371 : i32 to index
        %parallel_loop3A_420 = arith.constant 32 : index
        %parallel_loop3A_421 = tpu.vector_load %arg18[%parallel_loop3A_419, %parallel_loop3A_420] {strides = array<i32>} : memref<80x128xf32, #tpu.memory_space<vmem>>, vector<16xf32>,
        tpu.vector_store %arg18[%parallel_loop3A_419, %parallel_loop3A_420], %parallel_loop3A_418 {strides = array<i32>} : memref<80x128xf32, #tpu.memory_space<vmem>>, vector<16xf32>,
        %parallel_loop3A_422 = vector.extract_strided_slice %parallel_loop3A_387 {offsets = [3], sizes = [1], strides = [1]} : vector<16xf32> to vector<1xf32>
        %parallel_loop3A_423 = vector.extract %parallel_loop3A_422[0] : f32 from vector<1xf32>
        %parallel_loop3A_424 = vector.broadcast %parallel_loop3A_423 : f32 to vector<16xf32>
        %parallel_loop3A_425 = arith.mulf %parallel_loop3A_414, %parallel_loop3A_424 : vector<16xf32>
        %parallel_loop3A_426 = arith.index_cast %parallel_loop3A_371 : i32 to index
        %parallel_loop3A_427 = arith.constant 48 : index
        %parallel_loop3A_428 = tpu.vector_load %arg18[%parallel_loop3A_426, %parallel_loop3A_427] {strides = array<i32>} : memref<80x128xf32, #tpu.memory_space<vmem>>, vector<16xf32>,
        tpu.vector_store %arg18[%parallel_loop3A_426, %parallel_loop3A_427], %parallel_loop3A_425 {strides = array<i32>} : memref<80x128xf32, #tpu.memory_space<vmem>>, vector<16xf32>,
        %parallel_loop3A_429 = arith.index_cast %parallel_loop3A_371 : i32 to index
        %parallel_loop3A_430 = arith.constant 64 : index
        %parallel_loop3A_431 = tpu.vector_load %arg16[%parallel_loop3A_429, %parallel_loop3A_430] {strides = array<i32>} : memref<80x128xbf16, #tpu.memory_space<vmem>>, vector<32xbf16>,
        %parallel_loop3A_432 = tpu.unpack_subelements %parallel_loop3A_431, 0 {pack_format = #tpu.pack_format<interleaved>} : vector<32xbf16> -> vector<16xf32>
        %parallel_loop3A_433 = tpu.unpack_subelements %parallel_loop3A_431, 1 {pack_format = #tpu.pack_format<interleaved>} : vector<32xbf16> -> vector<16xf32>
        %parallel_loop3A_434 = vector.extract_strided_slice %parallel_loop3A_387 {offsets = [4], sizes = [1], strides = [1]} : vector<16xf32> to vector<1xf32>
        %parallel_loop3A_435 = vector.extract %parallel_loop3A_434[0] : f32 from vector<1xf32>
        %parallel_loop3A_436 = vector.broadcast %parallel_loop3A_435 : f32 to vector<16xf32>
        %parallel_loop3A_437 = arith.mulf %parallel_loop3A_432, %parallel_loop3A_436 : vector<16xf32>
        %parallel_loop3A_438 = arith.index_cast %parallel_loop3A_371 : i32 to index
        %parallel_loop3A_439 = arith.constant 64 : index
        %parallel_loop3A_440 = tpu.vector_load %arg18[%parallel_loop3A_438, %parallel_loop3A_439] {strides = array<i32>} : memref<80x128xf32, #tpu.memory_space<vmem>>, vector<16xf32>,
        tpu.vector_store %arg18[%parallel_loop3A_438, %parallel_loop3A_439], %parallel_loop3A_437 {strides = array<i32>} : memref<80x128xf32, #tpu.memory_space<vmem>>, vector<16xf32>,
        %parallel_loop3A_441 = vector.extract_strided_slice %parallel_loop3A_387 {offsets = [5], sizes = [1], strides = [1]} : vector<16xf32> to vector<1xf32>
        %parallel_loop3A_442 = vector.extract %parallel_loop3A_441[0] : f32 from vector<1xf32>
        %parallel_loop3A_443 = vector.broadcast %parallel_loop3A_442 : f32 to vector<16xf32>
        %parallel_loop3A_444 = arith.mulf %parallel_loop3A_433, %parallel_loop3A_443 : vector<16xf32>
        %parallel_loop3A_445 = arith.index_cast %parallel_loop3A_371 : i32 to index
        %parallel_loop3A_446 = arith.constant 80 : index
        %parallel_loop3A_447 = tpu.vector_load %arg18[%parallel_loop3A_445, %parallel_loop3A_446] {strides = array<i32>} : memref<80x128xf32, #tpu.memory_space<vmem>>, vector<16xf32>,
        tpu.vector_store %arg18[%parallel_loop3A_445, %parallel_loop3A_446], %parallel_loop3A_444 {strides = array<i32>} : memref<80x128xf32, #tpu.memory_space<vmem>>, vector<16xf32>,
        %parallel_loop3A_448 = arith.index_cast %parallel_loop3A_371 : i32 to index
        %parallel_loop3A_449 = arith.constant 96 : index
        %parallel_loop3A_450 = tpu.vector_load %arg16[%parallel_loop3A_448, %parallel_loop3A_449] {strides = array<i32>} : memref<80x128xbf16, #tpu.memory_space<vmem>>, vector<32xbf16>,
        %parallel_loop3A_451 = tpu.unpack_subelements %parallel_loop3A_450, 0 {pack_format = #tpu.pack_format<interleaved>} : vector<32xbf16> -> vector<16xf32>
        %parallel_loop3A_452 = tpu.unpack_subelements %parallel_loop3A_450, 1 {pack_format = #tpu.pack_format<interleaved>} : vector<32xbf16> -> vector<16xf32>
        %parallel_loop3A_453 = vector.extract_strided_slice %parallel_loop3A_387 {offsets = [6], sizes = [1], strides = [1]} : vector<16xf32> to vector<1xf32>
        %parallel_loop3A_454 = vector.extract %parallel_loop3A_453[0] : f32 from vector<1xf32>
        %parallel_loop3A_455 = vector.broadcast %parallel_loop3A_454 : f32 to vector<16xf32>
        %parallel_loop3A_456 = arith.mulf %parallel_loop3A_451, %parallel_loop3A_455 : vector<16xf32>
        %parallel_loop3A_457 = arith.index_cast %parallel_loop3A_371 : i32 to index
        %parallel_loop3A_458 = arith.constant 96 : index
        %parallel_loop3A_459 = tpu.vector_load %arg18[%parallel_loop3A_457, %parallel_loop3A_458] {strides = array<i32>} : memref<80x128xf32, #tpu.memory_space<vmem>>, vector<16xf32>,
        tpu.vector_store %arg18[%parallel_loop3A_457, %parallel_loop3A_458], %parallel_loop3A_456 {strides = array<i32>} : memref<80x128xf32, #tpu.memory_space<vmem>>, vector<16xf32>,
        %parallel_loop3A_460 = vector.extract_strided_slice %parallel_loop3A_387 {offsets = [7], sizes = [1], strides = [1]} : vector<16xf32> to vector<1xf32>
        %parallel_loop3A_461 = vector.extract %parallel_loop3A_460[0] : f32 from vector<1xf32>
        %parallel_loop3A_462 = vector.broadcast %parallel_loop3A_461 : f32 to vector<16xf32>
        %parallel_loop3A_463 = arith.mulf %parallel_loop3A_452, %parallel_loop3A_462 : vector<16xf32>
        %parallel_loop3A_464 = arith.index_cast %parallel_loop3A_371 : i32 to index
        %parallel_loop3A_465 = arith.constant 112 : index
        %parallel_loop3A_466 = tpu.vector_load %arg18[%parallel_loop3A_464, %parallel_loop3A_465] {strides = array<i32>} : memref<80x128xf32, #tpu.memory_space<vmem>>, vector<16xf32>,
        tpu.vector_store %arg18[%parallel_loop3A_464, %parallel_loop3A_465], %parallel_loop3A_463 {strides = array<i32>} : memref<80x128xf32, #tpu.memory_space<vmem>>, vector<16xf32>,
      } {sc.loop_unroll_factor = 4 : i64, sc.parallel_access}
      %dma_start3A_357 = arith.constant 0 : i32
      %dma_start3A_358 = arith.constant 0 : i32
      %dma_start3A_359 = tpu.memref_slice %arg14[%dma_start3A_357, %dma_start3A_358] : memref<1x80xi32, #tpu.memory_space<vmem>> -> memref<1x80xi32, #tpu.memory_space<vmem>>
      %dma_start3A_360 = tpu.memref_squeeze %dma_start3A_359 : memref<1x80xi32, #tpu.memory_space<vmem>> -> memref<80xi32, #tpu.memory_space<vmem>>
      %dma_start3A_361 = arith.constant 0 : i32
      %dma_start3A_362 = arith.constant 0 : i32
      %dma_start3A_363 = tpu.memref_slice %arg27[%dma_start3A_361, %dma_start3A_362] : memref<10016x16xf32, #tpu.memory_space<vmem_shared>> -> memref<10016x16xf32, #tpu.memory_space<vmem_shared>>
      tpu.enqueue_indirect_dma source(%arg24 : memref<80x16xf32, #tpu.memory_space<vmem>>) target(%dma_start3A_363 : memref<10016x16xf32, #tpu.memory_space<vmem_shared>>) offsets(%dma_start3A_360 : memref<80xi32, #tpu.memory_space<vmem>>) semaphore(%arg37 : memref<!tpu.dma_semaphore, #tpu.memory_space<semaphore_mem>>) {add = true}
      %dma_start3A_364 = arith.constant 0 : i32
      %dma_start3A_365 = arith.constant 0 : i32
      %dma_start3A_366 = tpu.memref_slice %arg14[%dma_start3A_364, %dma_start3A_365] : memref<1x80xi32, #tpu.memory_space<vmem>> -> memref<1x80xi32, #tpu.memory_space<vmem>>
      %dma_start3A_367 = tpu.memref_squeeze %dma_start3A_366 : memref<1x80xi32, #tpu.memory_space<vmem>> -> memref<80xi32, #tpu.memory_space<vmem>>
      %dma_start3A_368 = arith.constant 0 : i32
      %dma_start3A_369 = arith.constant 0 : i32
      %dma_start3A_370 = tpu.memref_slice %arg26[%dma_start3A_368, %dma_start3A_369] : memref<10016x128xf32, #tpu.memory_space<vmem_shared>> -> memref<10016x128xf32, #tpu.memory_space<vmem_shared>>
      tpu.enqueue_indirect_dma source(%arg18 : memref<80x128xf32, #tpu.memory_space<vmem>>) target(%dma_start3A_370 : memref<10016x128xf32, #tpu.memory_space<vmem_shared>>) offsets(%dma_start3A_367 : memref<80xi32, #tpu.memory_space<vmem>>) semaphore(%arg39 : memref<!tpu.dma_semaphore, #tpu.memory_space<semaphore_mem>>) {add = true}
    }
    %scan3A_118 = arith.constant 63 : i32
    %dma_wait3A_119 = arith.constant 0 : i32
    %dma_wait3A_120 = arith.constant 0 : i32
    %dma_wait3A_121 = tpu.memref_slice %arg13[%dma_wait3A_119, %dma_wait3A_120] : memref<1x80xi32, #tpu.memory_space<vmem>> -> memref<1x80xi32, #tpu.memory_space<vmem>>
    %dma_wait3A_122 = tpu.memref_squeeze %dma_wait3A_121 : memref<1x80xi32, #tpu.memory_space<vmem>> -> memref<80xi32, #tpu.memory_space<vmem>>
    %dma_wait3A_123 = arith.constant 0 : i32
    %dma_wait3A_124 = arith.constant 0 : i32
    %dma_wait3A_125 = tpu.memref_slice %arg27[%dma_wait3A_123, %dma_wait3A_124] : memref<10016x16xf32, #tpu.memory_space<vmem_shared>> -> memref<10016x16xf32, #tpu.memory_space<vmem_shared>>
    tpu.wait_indirect_dma semaphore(%arg36 : memref<!tpu.dma_semaphore, #tpu.memory_space<semaphore_mem>>) src(%arg23 : memref<80x16xf32, #tpu.memory_space<vmem>>) dst(%dma_wait3A_125 : memref<10016x16xf32, #tpu.memory_space<vmem_shared>>)
    %dma_wait3A_126 = arith.constant 0 : i32
    %dma_wait3A_127 = arith.constant 0 : i32
    %dma_wait3A_128 = tpu.memref_slice %arg13[%dma_wait3A_126, %dma_wait3A_127] : memref<1x80xi32, #tpu.memory_space<vmem>> -> memref<1x80xi32, #tpu.memory_space<vmem>>
    %dma_wait3A_129 = tpu.memref_squeeze %dma_wait3A_128 : memref<1x80xi32, #tpu.memory_space<vmem>> -> memref<80xi32, #tpu.memory_space<vmem>>
    %dma_wait3A_130 = arith.constant 0 : i32
    %dma_wait3A_131 = arith.constant 0 : i32
    %dma_wait3A_132 = tpu.memref_slice %arg26[%dma_wait3A_130, %dma_wait3A_131] : memref<10016x128xf32, #tpu.memory_space<vmem_shared>> -> memref<10016x128xf32, #tpu.memory_space<vmem_shared>>
    tpu.wait_indirect_dma semaphore(%arg38 : memref<!tpu.dma_semaphore, #tpu.memory_space<semaphore_mem>>) src(%arg17 : memref<80x128xf32, #tpu.memory_space<vmem>>) dst(%dma_wait3A_132 : memref<10016x128xf32, #tpu.memory_space<vmem_shared>>)
    %dma_wait3A_133 = arith.constant 0 : i32
    %dma_wait3A_134 = arith.constant 0 : i32
    %dma_wait3A_135 = tpu.memref_slice %arg14[%dma_wait3A_133, %dma_wait3A_134] : memref<1x80xi32, #tpu.memory_space<vmem>> -> memref<1x80xi32, #tpu.memory_space<vmem>>
    %dma_wait3A_136 = tpu.memref_squeeze %dma_wait3A_135 : memref<1x80xi32, #tpu.memory_space<vmem>> -> memref<80xi32, #tpu.memory_space<vmem>>
    %dma_wait3A_137 = arith.constant 0 : i32
    %dma_wait3A_138 = arith.constant 0 : i32
    %dma_wait3A_139 = tpu.memref_slice %arg27[%dma_wait3A_137, %dma_wait3A_138] : memref<10016x16xf32, #tpu.memory_space<vmem_shared>> -> memref<10016x16xf32, #tpu.memory_space<vmem_shared>>
    tpu.wait_indirect_dma semaphore(%arg37 : memref<!tpu.dma_semaphore, #tpu.memory_space<semaphore_mem>>) src(%arg24 : memref<80x16xf32, #tpu.memory_space<vmem>>) dst(%dma_wait3A_139 : memref<10016x16xf32, #tpu.memory_space<vmem_shared>>)
    %dma_wait3A_140 = arith.constant 0 : i32
    %dma_wait3A_141 = arith.constant 0 : i32
    %dma_wait3A_142 = tpu.memref_slice %arg14[%dma_wait3A_140, %dma_wait3A_141] : memref<1x80xi32, #tpu.memory_space<vmem>> -> memref<1x80xi32, #tpu.memory_space<vmem>>
    %dma_wait3A_143 = tpu.memref_squeeze %dma_wait3A_142 : memref<1x80xi32, #tpu.memory_space<vmem>> -> memref<80xi32, #tpu.memory_space<vmem>>
    %dma_wait3A_144 = arith.constant 0 : i32
    %dma_wait3A_145 = arith.constant 0 : i32
    %dma_wait3A_146 = tpu.memref_slice %arg26[%dma_wait3A_144, %dma_wait3A_145] : memref<10016x128xf32, #tpu.memory_space<vmem_shared>> -> memref<10016x128xf32, #tpu.memory_space<vmem_shared>>
    tpu.wait_indirect_dma semaphore(%arg39 : memref<!tpu.dma_semaphore, #tpu.memory_space<semaphore_mem>>) src(%arg18 : memref<80x128xf32, #tpu.memory_space<vmem>>) dst(%dma_wait3A_146 : memref<10016x128xf32, #tpu.memory_space<vmem_shared>>)
    %barrier3A_147 = arith.constant 0 : index
    tpu.barrier barrier_id(%barrier3A_147)
    %mul3A_148 = arith.constant 626 : i32
    %mul3A_149 = arith.muli %arg1, %mul3A_148 : i32
    "tpu.region"() ({
      %run_scoped3A = tpu.sem_alloc : memref<!tpu.dma_semaphore, #tpu.memory_space<semaphore_mem>>
      %dma_start3A_150 = arith.constant 0 : i32
      %dma_start3A_151 = arith.constant 0 : i32
      %dma_start3A_152 = tpu.memref_slice %arg9[%arg0, %dma_start3A_150, %dma_start3A_151] : memref<2x10016x128xf32, #tpu.memory_space<hbm>> -> memref<1x10016x128xf32, #tpu.memory_space<hbm>>
      %dma_start3A_153 = tpu.memref_squeeze %dma_start3A_152 : memref<1x10016x128xf32, #tpu.memory_space<hbm>> -> memref<10016x128xf32, #tpu.memory_space<hbm>>
      %dma_start3A_154 = arith.constant 0 : i32
      %dma_start3A_155 = tpu.memref_slice %dma_start3A_153[%mul3A_149, %dma_start3A_154] : memref<10016x128xf32, #tpu.memory_space<hbm>> -> memref<626x128xf32, #tpu.memory_space<hbm>>
      %dma_start3A_156 = arith.constant 0 : i32
      %dma_start3A_157 = tpu.memref_slice %arg26[%mul3A_149, %dma_start3A_156] : memref<10016x128xf32, #tpu.memory_space<vmem_shared>> -> memref<626x128xf32, #tpu.memory_space<vmem_shared>>
      tpu.enqueue_dma source(%dma_start3A_157 : memref<626x128xf32, #tpu.memory_space<vmem_shared>>) target(%dma_start3A_155 : memref<626x128xf32, #tpu.memory_space<hbm>>) target_semaphore(%run_scoped3A : memref<!tpu.dma_semaphore, #tpu.memory_space<semaphore_mem>>)
      %dma_wait3A_158 = arith.constant 0 : i32
      %dma_wait3A_159 = arith.constant 0 : i32
      %dma_wait3A_160 = tpu.memref_slice %arg9[%arg0, %dma_wait3A_158, %dma_wait3A_159] : memref<2x10016x128xf32, #tpu.memory_space<hbm>> -> memref<1x10016x128xf32, #tpu.memory_space<hbm>>
      %dma_wait3A_161 = tpu.memref_squeeze %dma_wait3A_160 : memref<1x10016x128xf32, #tpu.memory_space<hbm>> -> memref<10016x128xf32, #tpu.memory_space<hbm>>
      %dma_wait3A_162 = arith.constant 0 : i32
      %dma_wait3A_163 = tpu.memref_slice %dma_wait3A_161[%mul3A_149, %dma_wait3A_162] : memref<10016x128xf32, #tpu.memory_space<hbm>> -> memref<626x128xf32, #tpu.memory_space<hbm>>
      %dma_wait3A_164 = arith.constant 0 : i32
      %dma_wait3A_165 = tpu.memref_slice %arg26[%mul3A_149, %dma_wait3A_164] : memref<10016x128xf32, #tpu.memory_space<vmem_shared>> -> memref<626x128xf32, #tpu.memory_space<vmem_shared>>
      tpu.wait_dma2 semaphore(%run_scoped3A : memref<!tpu.dma_semaphore, #tpu.memory_space<semaphore_mem>>) src(%dma_wait3A_165 : memref<626x128xf32, #tpu.memory_space<vmem_shared>>) dst(%dma_wait3A_163 : memref<626x128xf32, #tpu.memory_space<hbm>>)
      tpu.yield
    }) : () -> ()
    "tpu.region"() ({
      %run_scoped3A = tpu.sem_alloc : memref<!tpu.dma_semaphore, #tpu.memory_space<semaphore_mem>>
      %dma_start3A_150 = arith.constant 0 : i32
      %dma_start3A_151 = arith.constant 0 : i32
      %dma_start3A_152 = tpu.memref_slice %arg10[%arg0, %dma_start3A_150, %dma_start3A_151] : memref<2x10016x16xf32, #tpu.memory_space<hbm>> -> memref<1x10016x16xf32, #tpu.memory_space<hbm>>
      %dma_start3A_153 = tpu.memref_squeeze %dma_start3A_152 : memref<1x10016x16xf32, #tpu.memory_space<hbm>> -> memref<10016x16xf32, #tpu.memory_space<hbm>>
      %dma_start3A_154 = arith.constant 0 : i32
      %dma_start3A_155 = tpu.memref_slice %dma_start3A_153[%mul3A_149, %dma_start3A_154] : memref<10016x16xf32, #tpu.memory_space<hbm>> -> memref<626x16xf32, #tpu.memory_space<hbm>>
      %dma_start3A_156 = arith.constant 0 : i32
      %dma_start3A_157 = tpu.memref_slice %arg27[%mul3A_149, %dma_start3A_156] : memref<10016x16xf32, #tpu.memory_space<vmem_shared>> -> memref<626x16xf32, #tpu.memory_space<vmem_shared>>
      tpu.enqueue_dma source(%dma_start3A_157 : memref<626x16xf32, #tpu.memory_space<vmem_shared>>) target(%dma_start3A_155 : memref<626x16xf32, #tpu.memory_space<hbm>>) target_semaphore(%run_scoped3A : memref<!tpu.dma_semaphore, #tpu.memory_space<semaphore_mem>>)
      %dma_wait3A_158 = arith.constant 0 : i32
      %dma_wait3A_159 = arith.constant 0 : i32
      %dma_wait3A_160 = tpu.memref_slice %arg10[%arg0, %dma_wait3A_158, %dma_wait3A_159] : memref<2x10016x16xf32, #tpu.memory_space<hbm>> -> memref<1x10016x16xf32, #tpu.memory_space<hbm>>
      %dma_wait3A_161 = tpu.memref_squeeze %dma_wait3A_160 : memref<1x10016x16xf32, #tpu.memory_space<hbm>> -> memref<10016x16xf32, #tpu.memory_space<hbm>>
      %dma_wait3A_162 = arith.constant 0 : i32
      %dma_wait3A_163 = tpu.memref_slice %dma_wait3A_161[%mul3A_149, %dma_wait3A_162] : memref<10016x16xf32, #tpu.memory_space<hbm>> -> memref<626x16xf32, #tpu.memory_space<hbm>>
      %dma_wait3A_164 = arith.constant 0 : i32
      %dma_wait3A_165 = tpu.memref_slice %arg27[%mul3A_149, %dma_wait3A_164] : memref<10016x16xf32, #tpu.memory_space<vmem_shared>> -> memref<626x16xf32, #tpu.memory_space<vmem_shared>>
      tpu.wait_dma2 semaphore(%run_scoped3A : memref<!tpu.dma_semaphore, #tpu.memory_space<semaphore_mem>>) src(%dma_wait3A_165 : memref<626x16xf32, #tpu.memory_space<vmem_shared>>) dst(%dma_wait3A_163 : memref<626x16xf32, #tpu.memory_space<hbm>>)
      tpu.yield
    }) : () -> ()
    return
  }
}

module attributes {stable_mosaic.version = 14 : i64} {
  func.func @_prep_body(%arg0: i32, %arg1: memref<1000x128xf32, #tpu.memory_space<vmem>>, %arg2: memref<128x128xf32, #tpu.memory_space<vmem>>, %arg3: memref<128x16xf32, #tpu.memory_space<vmem>>, %arg4: memref<128x16xf32, #tpu.memory_space<vmem>>, %arg5: memref<128x128xf32, #tpu.memory_space<vmem>>, %arg6: memref<1000x128xf32, #tpu.memory_space<vmem>>, %arg7: memref<1000x128xbf16, #tpu.memory_space<vmem>>, %arg8: memref<1000x16xf32, #tpu.memory_space<vmem>>, %arg9: memref<1000x16xf32, #tpu.memory_space<vmem>>, %arg10: memref<8x16xf32, #tpu.memory_space<vmem>>) attributes {dimension_semantics = [#tpu.dimension_semantics<arbitrary>], iteration_bounds = array<i64: 10>, scalar_prefetch = 0 : i64, scratch_operands = 0 : i64, tpu.core_type = #tpu.core_type<tc>, window_params = [{transform_indices = @transform_0, window_bounds = array<i64: 1000, 128>}, {pipeline_mode = #tpu.pipeline_mode<synchronous>, transform_indices = @transform_1, window_bounds = array<i64: 128, 128>}, {pipeline_mode = #tpu.pipeline_mode<synchronous>, transform_indices = @transform_2, window_bounds = array<i64: 128, 16>}, {pipeline_mode = #tpu.pipeline_mode<synchronous>, transform_indices = @transform_3, window_bounds = array<i64: 128, 16>}, {pipeline_mode = #tpu.pipeline_mode<synchronous>, transform_indices = @transform_4, window_bounds = array<i64: 128, 128>}, {transform_indices = @transform_5, window_bounds = array<i64: 1000, 128>}, {transform_indices = @transform_6, window_bounds = array<i64: 1000, 128>}, {transform_indices = @transform_7, window_bounds = array<i64: 1000, 16>}, {transform_indices = @transform_8, window_bounds = array<i64: 1000, 16>}, {pipeline_mode = #tpu.pipeline_mode<synchronous>, transform_indices = @transform_9, window_bounds = array<i64: 8, 16>}]} {
    %get3A = arith.constant 0 : index
    %get3A_0 = arith.constant 0 : index
    %get3A_1 = vector.load %arg1[%get3A, %get3A_0] : memref<1000x128xf32, #tpu.memory_space<vmem>>, vector<1000x128xf32>
    %get3A_2 = arith.constant 0 : index
    %get3A_3 = arith.constant 0 : index
    %get3A_4 = vector.load %arg2[%get3A_2, %get3A_3] : memref<128x128xf32, #tpu.memory_space<vmem>>, vector<128x128xf32>
    %dot_general3A = arith.constant dense<0.000000e+00> : vector<1000x128xf32>
    %dot_general3A_5 = tpu.matmul %get3A_1, %get3A_4, %dot_general3A {dimension_numbers = #tpu.dot_dimension_numbers<[1], [0], [0], [1], [0, 0, 1, 1], [], []>, transpose_lhs_hint = false} : vector<1000x128xf32>, vector<128x128xf32>, vector<1000x128xf32> -> vector<1000x128xf32>
    %swap3A = arith.constant 0 : index
    %swap3A_6 = arith.constant 0 : index
    %swap3A_7 = vector.load %arg6[%swap3A, %swap3A_6] : memref<1000x128xf32, #tpu.memory_space<vmem>>, vector<1000x128xf32>
    tpu.vector_store %arg6[%swap3A, %swap3A_6], %dot_general3A_5 {strides = array<i32>} : memref<1000x128xf32, #tpu.memory_space<vmem>>, vector<1000x128xf32>,
    %get3A_8 = arith.constant 0 : index
    %get3A_9 = arith.constant 0 : index
    %get3A_10 = vector.load %arg5[%get3A_8, %get3A_9] : memref<128x128xf32, #tpu.memory_space<vmem>>, vector<128x128xf32>
    %dot_general3A_11 = arith.constant dense<0.000000e+00> : vector<1000x128xf32>
    %dot_general3A_12 = tpu.matmul %dot_general3A_5, %get3A_10, %dot_general3A_11 {dimension_numbers = #tpu.dot_dimension_numbers<[1], [0], [0], [1], [0, 0, 1, 1], [], []>, transpose_lhs_hint = false} : vector<1000x128xf32>, vector<128x128xf32>, vector<1000x128xf32> -> vector<1000x128xf32>
    %convert_element_type3A = arith.truncf %dot_general3A_12 : vector<1000x128xf32> to vector<1000x128xbf16>
    %swap3A_13 = arith.constant 0 : index
    %swap3A_14 = arith.constant 0 : index
    %swap3A_15 = vector.load %arg7[%swap3A_13, %swap3A_14] : memref<1000x128xbf16, #tpu.memory_space<vmem>>, vector<1000x128xbf16>
    tpu.vector_store %arg7[%swap3A_13, %swap3A_14], %convert_element_type3A {strides = array<i32>} : memref<1000x128xbf16, #tpu.memory_space<vmem>>, vector<1000x128xbf16>,
    %get3A_16 = arith.constant 0 : index
    %get3A_17 = arith.constant 0 : index
    %get3A_18 = vector.load %arg3[%get3A_16, %get3A_17] : memref<128x16xf32, #tpu.memory_space<vmem>>, vector<128x16xf32>
    %dot_general3A_19 = arith.constant dense<0.000000e+00> : vector<1000x16xf32>
    %dot_general3A_20 = tpu.matmul %dot_general3A_5, %get3A_18, %dot_general3A_19 {dimension_numbers = #tpu.dot_dimension_numbers<[1], [0], [0], [1], [0, 0, 1, 1], [], []>, transpose_lhs_hint = false} : vector<1000x128xf32>, vector<128x16xf32>, vector<1000x16xf32> -> vector<1000x16xf32>
    %get3A_21 = arith.constant 0 : index
    %get3A_22 = arith.constant 0 : index
    %get3A_23 = vector.load %arg4[%get3A_21, %get3A_22] : memref<128x16xf32, #tpu.memory_space<vmem>>, vector<128x16xf32>
    %dot_general3A_24 = arith.constant dense<0.000000e+00> : vector<1000x16xf32>
    %dot_general3A_25 = tpu.matmul %dot_general3A_5, %get3A_23, %dot_general3A_24 {dimension_numbers = #tpu.dot_dimension_numbers<[1], [0], [0], [1], [0, 0, 1, 1], [], []>, transpose_lhs_hint = false} : vector<1000x128xf32>, vector<128x16xf32>, vector<1000x16xf32> -> vector<1000x16xf32>
    %swap3A_26 = arith.constant 0 : index
    %swap3A_27 = arith.constant 0 : index
    %swap3A_28 = vector.load %arg8[%swap3A_26, %swap3A_27] : memref<1000x16xf32, #tpu.memory_space<vmem>>, vector<1000x16xf32>
    tpu.vector_store %arg8[%swap3A_26, %swap3A_27], %dot_general3A_20 {strides = array<i32>} : memref<1000x16xf32, #tpu.memory_space<vmem>>, vector<1000x16xf32>,
    %swap3A_29 = arith.constant 0 : index
    %swap3A_30 = arith.constant 0 : index
    %swap3A_31 = vector.load %arg9[%swap3A_29, %swap3A_30] : memref<1000x16xf32, #tpu.memory_space<vmem>>, vector<1000x16xf32>
    tpu.vector_store %arg9[%swap3A_29, %swap3A_30], %dot_general3A_25 {strides = array<i32>} : memref<1000x16xf32, #tpu.memory_space<vmem>>, vector<1000x16xf32>,
    %reduce_max3A = arith.constant dense<0xFF800000> : vector<16xf32>
    %reduce_max3A_32 = vector.multi_reduction <maximumf>, %dot_general3A_20, %reduce_max3A [0] : vector<1000x16xf32> to vector<16xf32>
    %broadcast_in_dim3A = vector.shape_cast %reduce_max3A_32 : vector<16xf32> to vector<1x16xf32>
    %reduce_max3A_33 = arith.constant dense<0xFF800000> : vector<16xf32>
    %reduce_max3A_34 = vector.multi_reduction <maximumf>, %dot_general3A_25, %reduce_max3A_33 [0] : vector<1000x16xf32> to vector<16xf32>
    %broadcast_in_dim3A_35 = vector.shape_cast %reduce_max3A_34 : vector<16xf32> to vector<1x16xf32>
    %eq3A = arith.constant 0 : i32
    %eq3A_36 = arith.cmpi eq, %arg0, %eq3A : i32
    %convert_element_type3A_37 = arith.extui %eq3A_36 : i1 to i32
    %cond3A = arith.constant 0 : i32
    %cond3A_38 = arith.cmpi ne, %convert_element_type3A_37, %cond3A : i32
    scf.if %cond3A_38 {
      %broadcast_in_dim3A_48 = arith.constant 0.000000e+00 : f32
      %broadcast_in_dim3A_49 = vector.broadcast %broadcast_in_dim3A_48 : f32 to vector<8x16xf32>
      %swap3A_50 = arith.constant 0 : index
      %swap3A_51 = arith.constant 0 : index
      %swap3A_52 = vector.load %arg10[%swap3A_50, %swap3A_51] : memref<8x16xf32, #tpu.memory_space<vmem>>, vector<8x16xf32>
      tpu.vector_store %arg10[%swap3A_50, %swap3A_51], %broadcast_in_dim3A_49 {strides = array<i32>} : memref<8x16xf32, #tpu.memory_space<vmem>>, vector<8x16xf32>,
      %swap3A_53 = arith.constant 0 : index
      %swap3A_54 = arith.constant 0 : index
      %swap3A_55 = vector.load %arg10[%swap3A_53, %swap3A_54] : memref<8x16xf32, #tpu.memory_space<vmem>>, vector<1x16xf32>
      tpu.vector_store %arg10[%swap3A_53, %swap3A_54], %broadcast_in_dim3A {strides = array<i32>} : memref<8x16xf32, #tpu.memory_space<vmem>>, vector<1x16xf32>,
      %swap3A_56 = arith.constant 1 : index
      %swap3A_57 = arith.constant 0 : index
      %swap3A_58 = vector.load %arg10[%swap3A_56, %swap3A_57] : memref<8x16xf32, #tpu.memory_space<vmem>>, vector<1x16xf32>
      tpu.vector_store %arg10[%swap3A_56, %swap3A_57], %broadcast_in_dim3A_35 {strides = array<i32>} : memref<8x16xf32, #tpu.memory_space<vmem>>, vector<1x16xf32>,
    } else {
    }
    %gt3A = arith.constant 0 : i32
    %gt3A_39 = arith.cmpi sgt, %arg0, %gt3A : i32
    %convert_element_type3A_40 = arith.extui %gt3A_39 : i1 to i32
    %cond3A_41 = arith.constant 0 : i32
    %cond3A_42 = arith.cmpi ne, %convert_element_type3A_40, %cond3A_41 : i32
    scf.if %cond3A_42 {
      %get3A_48 = arith.constant 0 : index
      %get3A_49 = arith.constant 0 : index
      %get3A_50 = vector.load %arg10[%get3A_48, %get3A_49] : memref<8x16xf32, #tpu.memory_space<vmem>>, vector<1x16xf32>
      %max3A = arith.maximumf %get3A_50, %broadcast_in_dim3A : vector<1x16xf32>
      %swap3A_51 = arith.constant 0 : index
      %swap3A_52 = arith.constant 0 : index
      %swap3A_53 = vector.load %arg10[%swap3A_51, %swap3A_52] : memref<8x16xf32, #tpu.memory_space<vmem>>, vector<1x16xf32>
      tpu.vector_store %arg10[%swap3A_51, %swap3A_52], %max3A {strides = array<i32>} : memref<8x16xf32, #tpu.memory_space<vmem>>, vector<1x16xf32>,
      %get3A_54 = arith.constant 1 : index
      %get3A_55 = arith.constant 0 : index
      %get3A_56 = vector.load %arg10[%get3A_54, %get3A_55] : memref<8x16xf32, #tpu.memory_space<vmem>>, vector<1x16xf32>
      %max3A_57 = arith.maximumf %get3A_56, %broadcast_in_dim3A_35 : vector<1x16xf32>
      %swap3A_58 = arith.constant 1 : index
      %swap3A_59 = arith.constant 0 : index
      %swap3A_60 = vector.load %arg10[%swap3A_58, %swap3A_59] : memref<8x16xf32, #tpu.memory_space<vmem>>, vector<1x16xf32>
      tpu.vector_store %arg10[%swap3A_58, %swap3A_59], %max3A_57 {strides = array<i32>} : memref<8x16xf32, #tpu.memory_space<vmem>>, vector<1x16xf32>,
    } else {
    }
    %eq3A_43 = arith.constant 9 : i32
    %eq3A_44 = arith.cmpi eq, %arg0, %eq3A_43 : i32
    %convert_element_type3A_45 = arith.extui %eq3A_44 : i1 to i32
    %cond3A_46 = arith.constant 0 : i32
    %cond3A_47 = arith.cmpi ne, %convert_element_type3A_45, %cond3A_46 : i32
    scf.if %cond3A_47 {
      %get3A_48 = arith.constant 0 : index
      %get3A_49 = arith.constant 0 : index
      %get3A_50 = vector.load %arg10[%get3A_48, %get3A_49] : memref<8x16xf32, #tpu.memory_space<vmem>>, vector<1x16xf32>
      %get3A_51 = arith.constant 1 : index
      %get3A_52 = arith.constant 0 : index
      %get3A_53 = vector.load %arg10[%get3A_51, %get3A_52] : memref<8x16xf32, #tpu.memory_space<vmem>>, vector<1x16xf32>
      %add3A = arith.addf %get3A_50, %get3A_53 : vector<1x16xf32>
      %max3A = arith.constant 0.000000e+00 : f32
      %max3A_54 = vector.broadcast %max3A : f32 to vector<1x16xf32>
      %max3A_55 = arith.maximumf %add3A, %max3A_54 : vector<1x16xf32>
      %swap3A_56 = arith.constant 2 : index
      %swap3A_57 = arith.constant 0 : index
      %swap3A_58 = vector.load %arg10[%swap3A_56, %swap3A_57] : memref<8x16xf32, #tpu.memory_space<vmem>>, vector<1x16xf32>
      tpu.vector_store %arg10[%swap3A_56, %swap3A_57], %max3A_55 {strides = array<i32>} : memref<8x16xf32, #tpu.memory_space<vmem>>, vector<1x16xf32>,
    } else {
    }
    return
  }
  func.func @transform_0(%arg0: i32) -> (i32, i32) {
    %c0_i32 = arith.constant 0 : i32
    %c0_i32_0 = arith.constant 0 : i32
    return %arg0, %c0_i32 : i32, i32
  }
  func.func @transform_1(%arg0: i32) -> (i32, i32) {
    %c0_i32 = arith.constant 0 : i32
    %c0_i32_0 = arith.constant 0 : i32
    %c0_i32_1 = arith.constant 0 : i32
    return %c0_i32, %c0_i32_0 : i32, i32
  }
  func.func @transform_2(%arg0: i32) -> (i32, i32) {
    %c0_i32 = arith.constant 0 : i32
    %c0_i32_0 = arith.constant 0 : i32
    %c0_i32_1 = arith.constant 0 : i32
    return %c0_i32, %c0_i32_0 : i32, i32
  }
  func.func @transform_3(%arg0: i32) -> (i32, i32) {
    %c0_i32 = arith.constant 0 : i32
    %c0_i32_0 = arith.constant 0 : i32
    %c0_i32_1 = arith.constant 0 : i32
    return %c0_i32, %c0_i32_0 : i32, i32
  }
  func.func @transform_4(%arg0: i32) -> (i32, i32) {
    %c0_i32 = arith.constant 0 : i32
    %c0_i32_0 = arith.constant 0 : i32
    %c0_i32_1 = arith.constant 0 : i32
    return %c0_i32, %c0_i32_0 : i32, i32
  }
  func.func @transform_5(%arg0: i32) -> (i32, i32) {
    %c0_i32 = arith.constant 0 : i32
    %c0_i32_0 = arith.constant 0 : i32
    return %arg0, %c0_i32 : i32, i32
  }
  func.func @transform_6(%arg0: i32) -> (i32, i32) {
    %c0_i32 = arith.constant 0 : i32
    %c0_i32_0 = arith.constant 0 : i32
    return %arg0, %c0_i32 : i32, i32
  }
  func.func @transform_7(%arg0: i32) -> (i32, i32) {
    %c0_i32 = arith.constant 0 : i32
    %c0_i32_0 = arith.constant 0 : i32
    return %arg0, %c0_i32 : i32, i32
  }
  func.func @transform_8(%arg0: i32) -> (i32, i32) {
    %c0_i32 = arith.constant 0 : i32
    %c0_i32_0 = arith.constant 0 : i32
    return %arg0, %c0_i32 : i32, i32
  }
  func.func @transform_9(%arg0: i32) -> (i32, i32) {
    %c0_i32 = arith.constant 0 : i32
    %c0_i32_0 = arith.constant 0 : i32
    %c0_i32_1 = arith.constant 0 : i32
    return %c0_i32, %c0_i32_0 : i32, i32
  }
}

module attributes {stable_mosaic.version = 14 : i64} {
  func.func @_final_body(%arg0: i32, %arg1: memref<2x1000x128xf32, #tpu.memory_space<vmem>>, %arg2: memref<2x1000x16xf32, #tpu.memory_space<vmem>>, %arg3: memref<1000x128xf32, #tpu.memory_space<vmem>>, %arg4: memref<1000x16xf32, #tpu.memory_space<vmem>>, %arg5: memref<1000x16xf32, #tpu.memory_space<vmem>>, %arg6: memref<8x16xf32, #tpu.memory_space<vmem>>, %arg7: memref<16x128xf32, #tpu.memory_space<vmem>>, %arg8: memref<8x128xf32, #tpu.memory_space<vmem>>, %arg9: memref<128x128xf32, #tpu.memory_space<vmem>>, %arg10: memref<8x128xf32, #tpu.memory_space<vmem>>, %arg11: memref<1000x128xf32, #tpu.memory_space<vmem>>) attributes {dimension_semantics = [#tpu.dimension_semantics<arbitrary>], iteration_bounds = array<i64: 10>, scalar_prefetch = 0 : i64, scratch_operands = 0 : i64, tpu.core_type = #tpu.core_type<tc>, window_params = [{transform_indices = @transform_0, window_bounds = array<i64: 2, 1000, 128>}, {transform_indices = @transform_1, window_bounds = array<i64: 2, 1000, 16>}, {transform_indices = @transform_2, window_bounds = array<i64: 1000, 128>}, {transform_indices = @transform_3, window_bounds = array<i64: 1000, 16>}, {transform_indices = @transform_4, window_bounds = array<i64: 1000, 16>}, {pipeline_mode = #tpu.pipeline_mode<synchronous>, transform_indices = @transform_5, window_bounds = array<i64: 8, 16>}, {pipeline_mode = #tpu.pipeline_mode<synchronous>, transform_indices = @transform_6, window_bounds = array<i64: 16, 128>}, {pipeline_mode = #tpu.pipeline_mode<synchronous>, transform_indices = @transform_7, window_bounds = array<i64: 8, 128>}, {pipeline_mode = #tpu.pipeline_mode<synchronous>, transform_indices = @transform_8, window_bounds = array<i64: 128, 128>}, {pipeline_mode = #tpu.pipeline_mode<synchronous>, transform_indices = @transform_9, window_bounds = array<i64: 8, 128>}, {transform_indices = @transform_10, window_bounds = array<i64: 1000, 128>}]} {
    %get3A = arith.constant 0 : index
    %get3A_0 = arith.constant 0 : index
    %get3A_1 = vector.load %arg4[%get3A, %get3A_0] : memref<1000x16xf32, #tpu.memory_space<vmem>>, vector<1000x16xf32>
    %get3A_2 = arith.constant 0 : index
    %get3A_3 = arith.constant 0 : index
    %get3A_4 = vector.load %arg5[%get3A_2, %get3A_3] : memref<1000x16xf32, #tpu.memory_space<vmem>>, vector<1000x16xf32>
    %add3A = arith.addf %get3A_1, %get3A_4 : vector<1000x16xf32>
    %gt3A = arith.constant 0.000000e+00 : f32
    %gt3A_5 = vector.broadcast %gt3A : f32 to vector<1000x16xf32>
    %gt3A_6 = arith.cmpf ogt, %add3A, %gt3A_5 : vector<1000x16xf32>
    %mul3A = arith.constant 2.000000e-01 : f32
    %mul3A_7 = vector.broadcast %mul3A : f32 to vector<1000x16xf32>
    %mul3A_8 = arith.mulf %mul3A_7, %add3A : vector<1000x16xf32>
    %select_n3A = arith.select %gt3A_6, %add3A, %mul3A_8 : vector<1000x16xi1>, vector<1000x16xf32>
    %get3A_9 = arith.constant 2 : index
    %get3A_10 = arith.constant 0 : index
    %get3A_11 = vector.load %arg6[%get3A_9, %get3A_10] : memref<8x16xf32, #tpu.memory_space<vmem>>, vector<1x16xf32>
    %sub3A = vector.broadcast %get3A_11 : vector<1x16xf32> to vector<1000x16xf32>
    %sub3A_12 = arith.subf %select_n3A, %sub3A : vector<1000x16xf32>
    %exp3A = math.exp %sub3A_12 : vector<1000x16xf32>
    %get3A_13 = arith.constant 0 : index
    %get3A_14 = arith.constant 0 : index
    %get3A_15 = arith.constant 0 : index
    %get3A_16 = vector.load %arg1[%get3A_13, %get3A_14, %get3A_15] : memref<2x1000x128xf32, #tpu.memory_space<vmem>>, vector<2x1000x128xf32>
    %get3A_17 = arith.constant 0 : index
    %get3A_18 = arith.constant 0 : index
    %get3A_19 = arith.constant 0 : index
    %get3A_20 = vector.load %arg2[%get3A_17, %get3A_18, %get3A_19] : memref<2x1000x16xf32, #tpu.memory_space<vmem>>, vector<2x1000x16xf32>
    %slice3A = vector.extract_strided_slice %get3A_20 {offsets = [0, 0, 0], sizes = [1, 1000, 16], strides = [1, 1, 1]} : vector<2x1000x16xf32> to vector<1x1000x16xf32>
    %squeeze3A = vector.shape_cast %slice3A : vector<1x1000x16xf32> to vector<1000x16xf32>
    %slice3A_21 = vector.extract_strided_slice %get3A_20 {offsets = [1, 0, 0], sizes = [1, 1000, 16], strides = [1, 1, 1]} : vector<2x1000x16xf32> to vector<1x1000x16xf32>
    %squeeze3A_22 = vector.shape_cast %slice3A_21 : vector<1x1000x16xf32> to vector<1000x16xf32>
    %add3A_23 = arith.addf %squeeze3A, %squeeze3A_22 : vector<1000x16xf32>
    %add3A_24 = arith.addf %add3A_23, %exp3A : vector<1000x16xf32>
    %get3A_25 = arith.constant 0 : index
    %get3A_26 = arith.constant 0 : index
    %get3A_27 = vector.load %arg7[%get3A_25, %get3A_26] : memref<16x128xf32, #tpu.memory_space<vmem>>, vector<16x128xf32>
    %dot_general3A = arith.constant dense<0.000000e+00> : vector<1000x128xf32>
    %dot_general3A_28 = tpu.matmul %exp3A, %get3A_27, %dot_general3A {dimension_numbers = #tpu.dot_dimension_numbers<[1], [0], [0], [1], [0, 0, 1, 1], [], []>, transpose_lhs_hint = false} : vector<1000x16xf32>, vector<16x128xf32>, vector<1000x128xf32> -> vector<1000x128xf32>
    %get3A_29 = arith.constant 0 : index
    %get3A_30 = arith.constant 0 : index
    %get3A_31 = vector.load %arg7[%get3A_29, %get3A_30] : memref<16x128xf32, #tpu.memory_space<vmem>>, vector<16x128xf32>
    %dot_general3A_32 = arith.constant dense<0.000000e+00> : vector<1000x128xf32>
    %dot_general3A_33 = tpu.matmul %add3A_24, %get3A_31, %dot_general3A_32 {dimension_numbers = #tpu.dot_dimension_numbers<[1], [0], [0], [1], [0, 0, 1, 1], [], []>, transpose_lhs_hint = false} : vector<1000x16xf32>, vector<16x128xf32>, vector<1000x128xf32> -> vector<1000x128xf32>
    %slice3A_34 = vector.extract_strided_slice %get3A_16 {offsets = [0, 0, 0], sizes = [1, 1000, 128], strides = [1, 1, 1]} : vector<2x1000x128xf32> to vector<1x1000x128xf32>
    %squeeze3A_35 = vector.shape_cast %slice3A_34 : vector<1x1000x128xf32> to vector<1000x128xf32>
    %slice3A_36 = vector.extract_strided_slice %get3A_16 {offsets = [1, 0, 0], sizes = [1, 1000, 128], strides = [1, 1, 1]} : vector<2x1000x128xf32> to vector<1x1000x128xf32>
    %squeeze3A_37 = vector.shape_cast %slice3A_36 : vector<1x1000x128xf32> to vector<1000x128xf32>
    %add3A_38 = arith.addf %squeeze3A_35, %squeeze3A_37 : vector<1000x128xf32>
    %get3A_39 = arith.constant 0 : index
    %get3A_40 = arith.constant 0 : index
    %get3A_41 = vector.load %arg3[%get3A_39, %get3A_40] : memref<1000x128xf32, #tpu.memory_space<vmem>>, vector<1000x128xf32>
    %mul3A_42 = arith.mulf %dot_general3A_28, %get3A_41 : vector<1000x128xf32>
    %add3A_43 = arith.addf %add3A_38, %mul3A_42 : vector<1000x128xf32>
    %add3A_44 = arith.constant 1.000000e-16 : f32
    %add3A_45 = vector.broadcast %add3A_44 : f32 to vector<1000x128xf32>
    %add3A_46 = arith.addf %dot_general3A_33, %add3A_45 : vector<1000x128xf32>
    %div3A = arith.divf %add3A_43, %add3A_46 : vector<1000x128xf32>
    %get3A_47 = arith.constant 0 : index
    %get3A_48 = arith.constant 0 : index
    %get3A_49 = vector.load %arg8[%get3A_47, %get3A_48] : memref<8x128xf32, #tpu.memory_space<vmem>>, vector<1x128xf32>
    %add3A_50 = vector.broadcast %get3A_49 : vector<1x128xf32> to vector<1000x128xf32>
    %add3A_51 = arith.addf %div3A, %add3A_50 : vector<1000x128xf32>
    %max3A = arith.constant 0.000000e+00 : f32
    %max3A_52 = vector.broadcast %max3A : f32 to vector<1000x128xf32>
    %max3A_53 = arith.maximumf %add3A_51, %max3A_52 : vector<1000x128xf32>
    %get3A_54 = arith.constant 0 : index
    %get3A_55 = arith.constant 0 : index
    %get3A_56 = vector.load %arg9[%get3A_54, %get3A_55] : memref<128x128xf32, #tpu.memory_space<vmem>>, vector<128x128xf32>
    %dot_general3A_57 = arith.constant dense<0.000000e+00> : vector<1000x128xf32>
    %dot_general3A_58 = tpu.matmul %max3A_53, %get3A_56, %dot_general3A_57 {dimension_numbers = #tpu.dot_dimension_numbers<[1], [0], [0], [1], [0, 0, 1, 1], [], []>, transpose_lhs_hint = false} : vector<1000x128xf32>, vector<128x128xf32>, vector<1000x128xf32> -> vector<1000x128xf32>
    %get3A_59 = arith.constant 0 : index
    %get3A_60 = arith.constant 0 : index
    %get3A_61 = vector.load %arg10[%get3A_59, %get3A_60] : memref<8x128xf32, #tpu.memory_space<vmem>>, vector<1x128xf32>
    %add3A_62 = vector.broadcast %get3A_61 : vector<1x128xf32> to vector<1000x128xf32>
    %add3A_63 = arith.addf %dot_general3A_58, %add3A_62 : vector<1000x128xf32>
    %swap3A = arith.constant 0 : index
    %swap3A_64 = arith.constant 0 : index
    %swap3A_65 = vector.load %arg11[%swap3A, %swap3A_64] : memref<1000x128xf32, #tpu.memory_space<vmem>>, vector<1000x128xf32>
    tpu.vector_store %arg11[%swap3A, %swap3A_64], %add3A_63 {strides = array<i32>} : memref<1000x128xf32, #tpu.memory_space<vmem>>, vector<1000x128xf32>,
    return
  }
  func.func @transform_0(%arg0: i32) -> (i32, i32, i32) {
    %c0_i32 = arith.constant 0 : i32
    %c0_i32_0 = arith.constant 0 : i32
    %c0_i32_1 = arith.constant 0 : i32
    return %c0_i32, %arg0, %c0_i32_0 : i32, i32, i32
  }
  func.func @transform_1(%arg0: i32) -> (i32, i32, i32) {
    %c0_i32 = arith.constant 0 : i32
    %c0_i32_0 = arith.constant 0 : i32
    %c0_i32_1 = arith.constant 0 : i32
    return %c0_i32, %arg0, %c0_i32_0 : i32, i32, i32
  }
  func.func @transform_2(%arg0: i32) -> (i32, i32) {
    %c0_i32 = arith.constant 0 : i32
    %c0_i32_0 = arith.constant 0 : i32
    return %arg0, %c0_i32 : i32, i32
  }
  func.func @transform_3(%arg0: i32) -> (i32, i32) {
    %c0_i32 = arith.constant 0 : i32
    %c0_i32_0 = arith.constant 0 : i32
    return %arg0, %c0_i32 : i32, i32
  }
  func.func @transform_4(%arg0: i32) -> (i32, i32) {
    %c0_i32 = arith.constant 0 : i32
    %c0_i32_0 = arith.constant 0 : i32
    return %arg0, %c0_i32 : i32, i32
  }
  func.func @transform_5(%arg0: i32) -> (i32, i32) {
    %c0_i32 = arith.constant 0 : i32
    %c0_i32_0 = arith.constant 0 : i32
    %c0_i32_1 = arith.constant 0 : i32
    return %c0_i32, %c0_i32_0 : i32, i32
  }
  func.func @transform_6(%arg0: i32) -> (i32, i32) {
    %c0_i32 = arith.constant 0 : i32
    %c0_i32_0 = arith.constant 0 : i32
    %c0_i32_1 = arith.constant 0 : i32
    return %c0_i32, %c0_i32_0 : i32, i32
  }
  func.func @transform_7(%arg0: i32) -> (i32, i32) {
    %c0_i32 = arith.constant 0 : i32
    %c0_i32_0 = arith.constant 0 : i32
    %c0_i32_1 = arith.constant 0 : i32
    return %c0_i32, %c0_i32_0 : i32, i32
  }
  func.func @transform_8(%arg0: i32) -> (i32, i32) {
    %c0_i32 = arith.constant 0 : i32
    %c0_i32_0 = arith.constant 0 : i32
    %c0_i32_1 = arith.constant 0 : i32
    return %c0_i32, %c0_i32_0 : i32, i32
  }
  func.func @transform_9(%arg0: i32) -> (i32, i32) {
    %c0_i32 = arith.constant 0 : i32
    %c0_i32_0 = arith.constant 0 : i32
    %c0_i32_1 = arith.constant 0 : i32
    return %c0_i32, %c0_i32_0 : i32, i32
  }
  func.func @transform_10(%arg0: i32) -> (i32, i32) {
    %c0_i32 = arith.constant 0 : i32
    %c0_i32_0 = arith.constant 0 : i32
    return %arg0, %c0_i32 : i32, i32
  }
}

</mosaic_0001>

<sc_bundles>
// kernel: kernel.5.cloned.1.call-start
scs
__scs_entry_jumppad:
0x0: {  	(pc) =	sbr.rel $0x88, $3  }
0x1: {  	(tag) =	ssettag $0x0;
	lr =	simm.s32 $0x1  }
0x2: {  	[smem:$0x3F99] =	sst lr;
	_ =	strace $0xD0000000  }
0x3: {  	_ = 	snop  }
0x4: {  	_ = 	snop  }
0x5: {  	_ = 	snop  }
0x6: {  	_ = 	snop  }
0x7: {  	_ = 	snop  }
__scs_overlays_trampoline_lowered:
0x8: {  	[smem:$0x3FA8] =	sst s0  }
0x9: {  	[smem:$0x3FA9] =	sst s1  }
0xa: {  	[smem:$0x3FAA] =	sst s2  }
0xb: {  	[smem:$0x3FAB] =	sst s3  }
0xc: {  	[smem:$0x3FAC] =	sst s4  }
0xd: {  	[smem:$0x3FAD] =	sst s5  }
0xe: {  	[smem:$0x3FAE] =	sst s6  }
0xf: {  	[smem:$0x3FAF] =	sst s7  }
0x10: {  	[smem:$0x3FB0] =	sst s8  }
0x11: {  	[smem:$0x3FB1] =	sst s9;
	s0 =	simm.s32 @!p0 $0x0  }
0x12: {  	s1 =	sld [smem:$0x3F97];
	s0 =	simm.s32 @p0 $0x1  }
0x13: {  	[smem:$0x3FB2] =	sst s0;
	s0 =	simm.s32 @!p1 $0x0  }
0x14: {  	s2 =	sld [smem:$0x3F96];
	s0 =	simm.s32 @p1 $0x1  }
0x15: {  	[smem:$0x3FB3] =	sst s0;
	s0 =	simm.s32 @!p2 $0x0  }
0x16: {  	s3 =	sld [smem:$0x3FDB];
	s0 =	simm.s32 @p2 $0x1  }
0x17: {  	s4 =	simm.s32 $0x1BF5;
	[smem:$0x3FB5] =	sst s0  }
0x18: {  	s0 =	sld [smem:$0x3F98];
	_ =	swait.ge [sflag:s4], $0x0  }
0x19: {  	s7 =	sld [smem:$0x3F99]  }
0x1a: {  	s8 =	sadd.s32 $0xFFFFE003, lr  }
0x1b: {  	s9 =	sadd.s32 $0xFFFFFEF7, lr;
	s5 =	simm.s32 $0xFFFFFFFF;
	p2 =	slt.u32 s8, $0xFFFFF086  }
0x1c: {  	p1 =	slt.u32 s9, $0xF7A;
	s5 =	simm.s32 @!p2 $0x0  }
0x1d: {  	s5 =	simm.s32 @p1 $0x1;
	p0 =	seq.s32 s7, s2  }
0x1e: {  	s7 =	smul.u32 @!p0 $0xF7A, s2;
	p2 =	seq.s32 @!p0 s5, $0x0  }
0x1f: {  	s9 =	smul.u32 $0xF7A, s1;
	s8 =	simm.s32 @!p0 $0x1BF5;
	p2 =	por !p2, p0  }
0x20: {  	[sflag:s8] =	ssyncset.s32 @!p0 $0xFFFFF086;
	s6 =	sadd.s32 @!p0 s3, s7;
	s7 =	simm.s32 @!p0 $0x108  }
0x21: {  	s3 =	sadd.s32 s3, s9;
	s6 =	sadd.s32 @!p0 $0x88, s6;
	s7 =	simm.s32 @p2 $0x1082  }
0x22: {  	[simem:s7], [sflag:s8] =	dma.local @!p0 [hbm:s6], $0xF7A  }
0x23: {  	s9 =	sor.u32 $0xD0000000, s2;
	s6 =	simm.s32 $0x108;
	_ =	swait.ge @!p0 [sflag:s8], $0x0  }
0x24: {  	s3 =	sadd.s32 $0x88, s3;
	s6 =	simm.s32 @!p1 $0x1082;
	[sflag:s4] =	ssyncset.s32 $0xFFFFF086  }
0x25: {  	[simem:s6], [sflag:s4] =	dma.local [hbm:s3], $0xF7A  }
0x26: {  	[smem:$0x3F99] =	sst s1;
	(tag) =	ssettag s2;
	_ =	strace s9  }
0x27: {  	s1 =	sld [smem:$0x3FA9]  }
0x28: {  	s2 =	sld [smem:$0x3FAA]  }
0x29: {  	s4 =	sld [smem:$0x3FAC]  }
0x2a: {  	p0 =	seq.s32 s5, $0x0;
	s5 =	sld [smem:$0x3FAD]  }
0x2b: {  	s6 =	sld [smem:$0x3FAE]  }
0x2c: {  	s7 =	sld [smem:$0x3FAF]  }
0x2d: {  	s3 =	simm.s32 $0x108;
	s8 =	sld [smem:$0x3FB0]  }
0x2e: {  	s3 =	simm.s32 @!p0 $0x1082;
	s9 =	sld [smem:$0x3FB1]  }
0x2f: {  	lr =	sadd.s32 s0, s3;
	s0 =	sld [smem:$0x3FA8]  }
0x30: {  	s3 =	sld [smem:$0x3FAB]  }
0x31: {  	[smem:$0x3FB4] =	sst s10  }
0x32: {  	s10 =	sld [smem:$0x3FB2];
	_ =	sdelay $0x3  }
0x33: {  	p0 =	seq.s32 s10, $0x1;
	s10 =	sld [smem:$0x3FB4];
	_ =	sdelay $0x3  }
0x34: {  	[smem:$0x3FB4] =	sst s10  }
0x35: {  	s10 =	sld [smem:$0x3FB3];
	_ =	sdelay $0x3  }
0x36: {  	p1 =	seq.s32 s10, $0x1;
	s10 =	sld [smem:$0x3FB4];
	_ =	sdelay $0x3  }
0x37: {  	[smem:$0x3FB4] =	sst s10  }
0x38: {  	s10 =	sld [smem:$0x3FB5]  }
0x39: {  	_ = 	snop;
	(pc) =	sbr.ind lr, $3  }
0x3a: {  	_ = 	snop  }
0x3b: {  	_ = 	snop  }
0x3c: {  	p2 =	seq.s32 s10, $0x1;
	s10 =	sld [smem:$0x3FB4]  }
0x3d: {  	_ =	shalt  }
0x3e: {  	_ =	shalt  }
0x3f: {  	_ =	shalt  }
0x40: {  	_ =	shalt  }
0x41: {  	_ =	shalt  }
0x42: {  	_ =	shalt  }
0x43: {  	_ =	shalt  }
0x44: {  	_ =	shalt  }
0x45: {  	_ =	shalt  }
0x46: {  	_ =	shalt  }
0x47: {  	_ =	shalt  }
0x48: {  	_ =	shalt  }
0x49: {  	_ =	shalt  }
0x4a: {  	_ =	shalt  }
0x4b: {  	_ =	shalt  }
0x4c: {  	_ =	shalt  }
0x4d: {  	_ =	shalt  }
0x4e: {  	_ =	shalt  }
0x4f: {  	_ =	shalt  }
0x50: {  	_ =	shalt  }
0x51: {  	_ =	shalt  }
0x52: {  	_ =	shalt  }
0x53: {  	_ =	shalt  }
0x54: {  	_ =	shalt  }
0x55: {  	_ =	shalt  }
0x56: {  	_ =	shalt  }
0x57: {  	_ =	shalt  }
0x58: {  	_ =	shalt  }
0x59: {  	_ =	shalt  }
0x5a: {  	_ =	shalt  }
0x5b: {  	_ =	shalt  }
0x5c: {  	_ =	shalt  }
0x5d: {  	_ =	shalt  }
0x5e: {  	_ =	shalt  }
0x5f: {  	_ =	shalt  }
0x60: {  	_ =	shalt  }
0x61: {  	_ =	shalt  }
0x62: {  	_ =	shalt  }
0x63: {  	_ =	shalt  }
0x64: {  	_ =	shalt  }
0x65: {  	_ =	shalt  }
0x66: {  	_ =	shalt  }
0x67: {  	_ =	shalt  }
0x68: {  	_ =	shalt  }
0x69: {  	_ =	shalt  }
0x6a: {  	_ =	shalt  }
0x6b: {  	_ =	shalt  }
0x6c: {  	_ =	shalt  }
0x6d: {  	_ =	shalt  }
0x6e: {  	_ =	shalt  }
0x6f: {  	_ =	shalt  }
0x70: {  	_ =	shalt  }
0x71: {  	_ =	shalt  }
0x72: {  	_ =	shalt  }
0x73: {  	_ =	shalt  }
0x74: {  	_ =	shalt  }
0x75: {  	_ =	shalt  }
0x76: {  	_ =	shalt  }
0x77: {  	_ =	shalt  }
0x78: {  	_ =	shalt  }
0x79: {  	_ =	shalt  }
0x7a: {  	_ =	shalt  }
0x7b: {  	_ =	shalt  }
0x7c: {  	_ =	shalt  }
0x7d: {  	_ =	shalt  }
0x7e: {  	_ =	shalt  }
0x7f: {  	_ =	shalt  }
0x80: {  	_ =	shalt  }
0x81: {  	_ =	shalt  }
0x82: {  	_ =	shalt  }
0x83: {  	_ =	shalt  }
0x84: {  	_ =	shalt  }
0x85: {  	_ =	shalt  }
0x86: {  	_ =	shalt  }
0x87: {  	_ =	shalt  }
.Lfunc_end0:
.L_simem_size_0:
called_computation_lowered:
.L_overlay_start_0:
0x88: {  	s2 =	sld [smem:$0x3FD9]  }
0x89: {  	s3 =	sld [smem:$0x3FFE];
	_ =	sdelay $0x1  }
0x8a: {  	s1 =	srdreg.scid  }
0x8b: {  	s0 =	sand.u32 $0x1, s1  }
0x8c: {  	s17 =	sshll.u32 s0, $0xA;
	s2 =	sadd.s32 s3, s2  }
0x8d: {  	s2 =	sadd.s32 s2, s17  }
0x8e: {  	[smem:$0x3FC0] =	sst s2  }
0x8f: {  	_ = 	snop  }
0x90: {  	s2 =	sld [smem:$0x3FD0];
	(tm) =	ssettm $0x1  }
0x91: {  	s18 =	sld [smem:$0x3FFB];
	_ =	sdelay $0x3  }
0x92: {  	_ =	strace s18  }
0x93: {  	s3 =	sld [smem:$0x3FFC];
	_ =	sdelay $0x3  }
0x94: {  	_ =	strace s3  }
0x95: {  	s3 =	sld [smem:$0x3FFD];
	_ =	sdelay $0x3  }
0x96: {  	_ =	strace s3  }
0x97: {  	_ =	strace $0x8FFFFFFF  }
0x98: {  	s19 =	sld [smem:$0x3FDB];
	_ =	sdelay $0x1  }
0x99: {  	s4 =	simm.s32 $_scs_section_size  }
0x9a: {  	s5 =	simm.s32 $_size__tile_overlayer_lowered;
	s6 =	simm.s32 $_tile_overlayer_lowered  }
0x9b: {  	s22 =	simm.s32 $0x1BFF;
	s21 =	sshll.u32 s6, $0x1;
	s3 =	sadd.s32 s4, s19  }
0x9c: {  	s7 =	simm.s32 $0x0;
	s20 =	sshll.u32 s5, $0x1;
	s5 =	sadd.s32 s21, s3  }
0x9d: {  	[timem:s7], [sflag:s22] =	dma.local [hbm:s5], s20  }
0x9e: {  	_ =	swait.ge [sflag:s22], s20  }
0x9f: {  	s4 =	ssub.s32 $0x0, s20;
	[sflag:s22] =	ssyncset.done $0x0  }
0xa0: {  	[sflag:s22] =	ssyncadd.s32 s4;
	_ =	sdelay $0x1  }
0xa1: {  	s23 =	simm.s32 $0x1B8B  }
0xa2: {  	_ =	swait.ge [sflag:s23], $0x1  }
0xa3: {  	[sflag:s23] =	ssyncset.done $0x0  }
0xa4: {  	s25 =	simm.s32 $0x1B8E;
	s24 =	sld [smem:$0x3FFE];
	[sflag:s23] =	ssyncadd.s32 $0xFFFFFFFF  }
0xa5: {  	s26 =	simm.s32 $execute0_lowered;
	[smem:$0x3FD2] =	sst s25  }
0xa6: {  	s5 =	sshll.u32 s26, $0x1;
	_ =	strace $0x80000046;
	[dreg:$0x1] =	wrdreg $0xFFFFFFFF  }
0xa7: {  	s28 =	simm.s32 $_size_execute0_lowered;
	s3 =	sadd.s32 s3, s5;
	[dreg:$0x0] =	wrdreg $0x0  }
0xa8: {  	s5 =	sshll.u32 s28, $0x1;
	[dreg:$0x2] =	wrdreg s3  }
0xa9: {  	[dreg:$0x3] =	wrdreg s5  }
0xaa: {  	[dreg:$0x4] =	wrdreg $0xC0  }
0xab: {  	_ =	task [dreg:s7], $0x5FFFF  }
0xac: {  	[dreg:$0x1] =	wrdreg $0xFFFFFFFF  }
0xad: {  	[dreg:$0x0] =	wrdreg $0x60  }
0xae: {  	[dreg:$0x2] =	wrdreg s24  }
0xaf: {  	[dreg:$0x3] =	wrdreg s2  }
0xb0: {  	[dreg:$0x4] =	wrdreg $0x97F00  }
0xb1: {  	[dreg:$0x5] =	wrdreg $0x1D0F00  }
0xb2: {  	[dreg:$0x6] =	wrdreg $0x9  }
0xb3: {  	_ =	task.clear_ibuf [dreg:s7], $0x7FFFF;
	_ =	strace $0x90000046  }
0xb4: {  	s29 =	simm.s32 $0x9;
	_ =	strace $0x80000048  }
0xb5: {  	_ =	swait.ge [sflag:s29], $0x1  }
0xb6: {  	[sflag:s29] =	ssyncadd.s32 $0xFFFFFFFF  }
0xb7: {  	_ =	strace $0x90000048  }
0xb8: {  	_ =	sfence  }
0xb9: {  	s30 =	sld [smem:$0x0];
	_ =	sdelay $0x2  }
0xba: {  	s31 =	sshll.u32 s1, $0xD;
	s1 =	sshrl.u32 s1, $0x2  }
0xbb: {  	s3 =	sand.u32 $0x4000, s31;
	s1 =	sadd.s32 s1, s30  }
0xbc: {  	s0 =	sor.u32 s3, s0;
	s1 =	sshll.u32 s1, $0x11  }
0xbd: {  	s0 =	sor.u32 s1, s0  }
0xbe: {  	s0 =	sadd.s32 $0x8F2B, s0  }
0xbf: {  	[sflag:s0] =	ssyncadd.remote.s32 $0x1  }
0xc0: {  	_ =	sfence.sel $0xFFFF  }
0xc1: {  	[dreg:$0x0] =	wrdreg $0xFFFFFFFF;
	(pc) =	sbr.abs _section_cstart, $3  }
0xc2: {  	[dreg:$0x1] =	wrdreg $0xFFFFFFFF  }
0xc3: {  	_ =	task.clear_ibuf [dreg:s7], $0x2FFFF;
	_ =	strace $0x9FFFFFFF  }
0xc4: {  	(tm) =	ssettm $0x7FFFFFFF  }
0xc5: {  	_ =	shalt  }
tec
execute0_lowered:
.L_overlay_start_1:
0x0: {  	(tag) =	ssettag $0x1  }
0x1: {  	s0 =	rddreg [dreg:$0x0]  }
0x2: {  	s1 =	rddreg [dreg:$0x1]  }
0x3: {  	s2 =	rddreg [dreg:$0x2]  }
0x4: {  	s4 =	rddreg [dreg:$0x3]  }
0x5: {  	s3 =	simm.s32 $0x0;
	s19 =	stileid.u32;
	s10 =	srdreg.scid  }
0x6: {  	s29 =	simm.s32 $0xA0;
	s30 =	simm.s32 $0xF0;
	s31 =	simm.s32 $0x3  }
0x7: {  	[smem:$0x7FF] =	sst s3;
	s6 =	sadd.s32 $0x29000, s0;
	s28 =	smul.u32 $0x13900, s19  }
0x8: {  	s7 =	sadd.s32 $0x3CC00, s0;
	s8 =	sadd.s32 $0x1E00, s0;
	s5 =	smul.u32 $0x2720, s19  }
0x9: {  	s9 =	sadd.s32 $0x3CA00, s0;
	s10 =	sand.u32 $0x1, s10;
	s20 =	sshll.u32 s19, $0x6  }
0xa: {  	_ =	strace $0x80000047;
	[dreg:$0x5] =	wrdreg s9;
	s14 =	smul.u32 $0x27200, s10  }
0xb: {  	s15 =	sshll.u32 s10, $0x4;
	s16 =	smul.u32 $0x4E40, s10;
	s10 =	ssub.s32 $0x2, s10  }
0xc: {  	s9 =	sshrl.u32 s28, $0x3;
	s12 =	sshrl.u32 s5, $0x3;
	s15 =	sor.u32 s19, s15  }
0xd: {  	s17 =	sshrl.u32 s10, $0x1;
	s3 =	sadd.s32 s28, s2;
	s5 =	sadd.s32 s5, s4  }
0xe: {  	s11 =	sadd.s32 s9, s0;
	s13 =	sadd.s32 s12, s0;
	s14 =	sadd.s32 s14, s0  }
0xf: {  	s18 =	smul.u32 $0x2760, s15;
	s0 =	sadd.s32 s16, s0;
	[dreg:$0x6] =	wrdreg s3  }
0x10: {  	s10 =	ssub.s32 s10, s17;
	s15 =	smul.u32 $0x7E, s15;
	[dreg:$0xa] =	wrdreg s5  }
0x11: {  	s17 =	simm.s32 $0x2;
	s11 =	sadd.s32 $0x41C00, s11;
	s23 =	sadd.s32 $0x6E00, s13  }
0x12: {  	s26 =	sadd.s32 $0x68E00, s14;
	s0 =	sadd.s32 $0xBE00, s0;
	[dreg:$0x7] =	wrdreg s11  }
0x13: {  	s28 =	smax.u32 s10, $0x1;
	s10 =	simm.s32 $0xD;
	[dreg:$0xb] =	wrdreg s23  }
0x14: {  	s14 =	simm.s32 $0x140;
	[dreg:$0xf] =	wrdreg s28;
	s0 =	sadd.s32 s12, s0  }
0x15: {  	s21 =	sshrl.u32 s18, $0x3;
	s11 =	sor.u32 $0x1C0D, s20;
	[dreg:$0x11] =	wrdreg s0  }
0x16: {  	s19 =	sadd.s32 $0x2, s15;
	s22 =	sadd.s32 s1, s21;
	[dreg:$0x8] =	wrdreg s11  }
0x17: {  	s20 =	sadd.s32 $0x3, s15;
	s24 =	sadd.s32 $0x9D80, s22;
	[dreg:$0x9] =	wrdreg s22  }
0x18: {  	s18 =	simm.s32 $0x4;
	s25 =	sadd.s32 $0xA, s22;
	[dreg:$0xc] =	wrdreg s24  }
0x19: {  	s0 =	simm.s32 $0x5;
	s3 =	sadd.s32 $0x9D8A, s22;
	[dreg:$0xd] =	wrdreg s25  }
0x1a: {  	s21 =	simm.s32 $0x6;
	s22 =	simm.s32 $0x190;
	[dreg:$0xe] =	wrdreg s3  }
0x1b: {  	s3 =	sadd.s32 s9, s26;
	s26 =	simm.s32 $0x50;
	s25 =	simm.s32 $0x1  }
0x1c: {  	s9 =	simm.s32 $0x0;
	[dreg:$0x10] =	wrdreg s3;
	s3 =	simm.s32 $0x8  }
.LBB2_1:
0x1d: {  	[dreg:$0x12] =	wrdreg s9  }
0x1e: {  	s5 =	rddreg [dreg:$0x6]  }
0x1f: {  	s13 =	rddreg [dreg:$0x7];
	s12 =	sshrl.u32 s5, $0x3  }
0x20: {  	[dreg:$0x13] =	wrdreg s12  }
0x21: {  	[spmem:s12], [sflag:s11] =	dma.local [hbm:s13], $0x2720  }
0x22: {  	_ =	swait.ge [sflag:s10], $0x2720  }
0x23: {  	s15 =	rddreg [dreg:$0xa]  }
0x24: {  	[sflag:s10] =	ssyncset.done $0x0;
	s23 =	rddreg [dreg:$0xb];
	s16 =	sshrl.u32 s15, $0x3  }
0x25: {  	[sflag:s10] =	ssyncadd.s32 $0xFFFFD8E0;
	[dreg:$0x14] =	wrdreg s16  }
0x26: {  	[spmem:s16], [sflag:s11] =	dma.local [hbm:s23], $0x4E4  }
0x27: {  	_ =	swait.ge [sflag:s10], $0x4E4  }
0x28: {  	s28 =	simm.s32 $0x97E0;
	[sflag:s10] =	ssyncset.done $0x0  }
0x29: {  	s5 =	simm.s32 $0x0;
	s24 =	rddreg [dreg:$0x5];
	[sflag:s10] =	ssyncadd.s32 $0xFFFFFB1C  }
0x2a: {  	[tilespmem:s28], [sflag:$0xD] =	stream.linear.gather [hbm4b:s24+s5], $0x10, $0x38;
	[tilespmem:$0x1F810] =	vst v63  }
0x2b: {  	_ =	swait.ge [sflag:s10], $0x10  }
0x2c: {  	[sflag:s10] =	ssyncset.done $0x0  }
0x2d: {  	[sflag:s10] =	ssyncadd.s32 $0xFFFFFFF0  }
0x2e: {  	[bflag:$0x0] =	sbarrier.arrive $0xFFFF  }
0x2f: {  	s11 =	rddreg [dreg:$0x9]  }
0x30: {  	[tilespmem:s5], [sflag:$0x7] =	stream.linear.gather [hbm4b:s11+s5], $0x50, $0x38;
	[tilespmem:$0x1F810] =	vst v63  }
0x31: {  	s13 =	simm.s32 $0x7;
	s12 =	rddreg [dreg:$0xc]  }
0x32: {  	[tilespmem:s26], [sflag:$0x7] =	stream.linear.gather [hbm4b:s12+s5], $0x50, $0x38;
	[tilespmem:$0x1F810] =	vst v63  }
0x33: {  	_ =	swait.ge [sflag:s13], $0x50  }
0x34: {  	[sflag:s13] =	ssyncset.done $0x0  }
0x35: {  	[sflag:s13] =	ssyncadd.s32 $0xFFFFFFB0  }
0x36: {  	_ =	swait.ge [sflag:s13], $0x50  }
0x37: {  	[sflag:s13] =	ssyncset.done $0x0  }
0x38: {  	s15 =	rddreg [dreg:$0xd];
	[sflag:s13] =	ssyncadd.s32 $0xFFFFFFB0  }
0x39: {  	[tilespmem:s29], [sflag:$0x8] =	stream.linear.gather [hbm4b:s15+s5], $0x50, $0x38;
	[tilespmem:$0x1F810] =	vst v63  }
0x3a: {  	s16 =	rddreg [dreg:$0xe]  }
0x3b: {  	[tilespmem:s30], [sflag:$0x8] =	stream.linear.gather [hbm4b:s16+s5], $0x50, $0x38;
	[tilespmem:$0x1F810] =	vst v63  }
0x3c: {  	s23 =	simm.s32 $0x1E0  }
0x3d: {  	[tilespmem:s23], [sflag:$0x1] =	stream.indirect.gather [hbm4b:s6+s26], $0x40, s5, s26, $0xb8;
	[tilespmem:$0x1F810] =	vst v63  }
0x3e: {  	s24 =	simm.s32 $0x79E0  }
0x3f: {  	[tilespmem:s24], [sflag:$0x3] =	stream.indirect.gather [hbm4b:s7+s26], $0x10, s5, s26, $0xb8;
	[tilespmem:$0x1F810] =	vst v63  }
0x40: {  	s28 =	simm.s32 $0x83E0;
	s5 =	simm.s32 $0x0  }
0x41: {  	[tilespmem:s28], [sflag:$0x5] =	stream.indirect.gather [hbm4b:s8+s26], $0x10, s26, s26, $0xb8;
	[tilespmem:$0x1F810] =	vst v63  }
.LBB2_2:
0x42: {  	_ =	swait.ge [sflag:s25], $0x1400  }
0x43: {  	[sflag:s25] =	ssyncset.done $0x0  }
0x44: {  	[sflag:s25] =	ssyncadd.s32 $0xFFFFEC00  }
0x45: {  	_ =	swait.ge [sflag:s31], $0x500  }
0x46: {  	[sflag:s31] =	ssyncset.done $0x0  }
0x47: {  	[sflag:s31] =	ssyncadd.s32 $0xFFFFFB00  }
0x48: {  	_ =	swait.ge [sflag:s0], $0x500  }
0x49: {  	[sflag:s0] =	ssyncset.done $0x0  }
0x4a: {  	[sflag:s0] =	ssyncadd.s32 $0xFFFFFB00  }
0x4b: {  	v0 =	vld [tilespmem:$0x50]  }
0x4c: {  	v1 =	vld [tilespmem:$0x60]  }
0x4d: {  	v2 =	vld [tilespmem:$0x70]  }
0x4e: {  	v3 =	vld [tilespmem:$0x80]  }
0x4f: {  	s12 =	sshll.u32 s5, $0x1;
	p0 =	seq.s32 s5, $0x3E;
	v4 =	vld [tilespmem:$0x90]  }
0x50: {  	s9 =	sadd.s32 @!p0 s12, s19;
	[tilespmem:$0x140] =	vst v0  }
0x51: {  	s9 =	smul.u32 @!p0 $0x50, s9;
	[tilespmem:$0x150] =	vst v1  }
0x52: {  	[tilespmem:$0x160] =	vst v2  }
0x53: {  	s9 =	sshrl.u32 @!p0 s9, $0x3;
	[tilespmem:$0x170] =	vst v3  }
0x54: {  	s10 =	simm.s32 @!p0 $0x0;
	s9 =	sadd.s32 @!p0 s1, s9;
	[tilespmem:$0x180] =	vst v4  }
0x55: {  	[tilespmem:s10], [sflag:$0x7] =	stream.linear.gather @!p0 [hbm4b:s9+s10], $0x50, $0x38;
	[tilespmem:$0x1F810] =	vst v63  }
0x56: {  	s11 =	simm.s32 @!p0 $0x50;
	s9 =	sadd.s32 @!p0 $0x9D80, s9  }
0x57: {  	[tilespmem:s11], [sflag:$0x7] =	stream.linear.gather @!p0 [hbm4b:s9+s10], $0x50, $0x38;
	[tilespmem:$0x1F810] =	vst v63  }
0x58: {  	_ =	swait.ge [sflag:s3], $0x50  }
0x59: {  	[sflag:s3] =	ssyncset.done $0x0  }
0x5a: {  	[sflag:s3] =	ssyncadd.s32 $0xFFFFFFB0  }
0x5b: {  	_ =	swait.ge [sflag:s3], $0x50  }
0x5c: {  	p1 =	seq.s32 s5, $0x0;
	[sflag:s3] =	ssyncset.done $0x0  }
0x5d: {  	s9 =	simm.s32 @!p1 $0xA;
	[sflag:s3] =	ssyncadd.s32 $0xFFFFFFB0  }
0x5e: {  	_ =	swait.ge @!p1 [sflag:s9], $0x500  }
0x5f: {  	[sflag:s9] =	ssyncset.done @!p1 $0x0  }
0x60: {  	[sflag:s9] =	ssyncadd.s32 @!p1 $0xFFFFFB00;
	s9 =	simm.s32 @!p1 $0xC  }
0x61: {  	_ =	swait.ge @!p1 [sflag:s9], $0x2800  }
0x62: {  	[sflag:s9] =	ssyncset.done @!p1 $0x0  }
0x63: {  	s15 =	simm.s32 $0x15E0;
	[sflag:s9] =	ssyncadd.s32 @!p1 $0xFFFFD800  }
0x64: {  	[tilespmem:s15], [sflag:$0x2] =	stream.indirect.gather [hbm4b:s6+s26], $0x40, s29, s26, $0xb8;
	[tilespmem:$0x1F810] =	vst v63  }
0x65: {  	s16 =	simm.s32 $0x7EE0  }
0x66: {  	[tilespmem:s16], [sflag:$0x4] =	stream.indirect.gather [hbm4b:s7+s26], $0x10, s29, s26, $0xb8;
	[tilespmem:$0x1F810] =	vst v63  }
0x67: {  	s23 =	simm.s32 $0x88E0;
	s24 =	simm.s32 $0x7A00  }
0x68: {  	[tilespmem:s23], [sflag:$0x6] =	stream.indirect.gather [hbm4b:s8+s26], $0x10, s30, s26, $0xb8;
	[tilespmem:$0x1F810] =	vst v63  }
0x69: {  	s11 =	simm.s32 $0x8400;
	v1 =	vld [tilespmem:s24+$0x10]  }
0x6a: {  	v2 =	vld [tilespmem:s11+$0x10]  }
0x6b: {  	v0 =	vld [tilespmem:$0x97E0]  }
0x6c: {  	v3 =	vld [tilespmem:s11+$0xFFFFFFE0]  }
0x6d: {  	v4 =	vld [tilespmem:s24+$0xFFFFFFF0]  }
0x6e: {  	v5 =	vld [tilespmem:s11+$0xFFFFFFF0]  }
0x6f: {  	v6 =	vld [tilespmem:s24+$0x0];
	v1 =	vadd.f32 v2, v1  }
0x70: {  	v2 =	vld [tilespmem:s11+$0x0]  }
0x71: {  	v7 =	vld [tilespmem:s24+$0xFFFFFFE0];
	v8 =	vmul.f32 $2.000000030e-01, v1  }
0x72: {  	vm0 =	vgt.f32 v1, $0.0e+00  }
0x73: {  	v4 =	vadd.f32 v5, v4;
	v1 =	vsel vm0, v1, v8  }
0x74: {  	v1 =	vsub.f32 v1, v0  }
0x75: {  	v5 =	vmul.f32 $2.000000030e-01, v4;
	v2 =	vadd.f32 v2, v6  }
0x76: {  	v3 =	vadd.f32 v3, v7;
	vm6 =	vgt.f32 v4, $0.0e+00;
	v1 =	vmul.f32 $1.442695020e+00, v1  }
0x77: {  	v4 =	vsel vm6, v4, v5;
	v5 =	vmul.f32 $2.000000030e-01, v2  }
0x78: {  	v6 =	vmul.f32 $2.000000030e-01, v3;
	vm7 =	vgt.f32 v2, $0.0e+00;
	(erf) = vpow2.f32 v1  }
0x79: {  	vm1 =	vgt.f32 v3, $0.0e+00;
	v1 =	vsub.f32 v4, v0;
	v2 =	vsel vm7, v2, v5  }
0x7a: {  	v3 =	vsel vm1, v3, v6;
	v2 =	vsub.f32 v2, v0  }
0x7b: {  	v3 =	vsub.f32 v3, v0;
	v1 =	vmul.f32 $1.442695020e+00, v1  }
0x7c: {  	v2 =	vmul.f32 $1.442695020e+00, v2  }
0x7d: {  	v3 =	vmul.f32 $1.442695020e+00, v3;
	(erf) = vpow2.f32 v1  }
0x7e: {  	(erf) = vpow2.f32 v2  }
0x7f: {  	(erf) = vpow2.f32 v3;
	_ =	sdelay $0x1  }
0x80: {  	s13 =	simm.s32 $0x8E00;
	v3 =	vpop (erf)  }
0x81: {  	s15 =	simm.s32 $0x260;
	[tilespmem:s13+$0x10] =	vst v3  }
0x82: {  	v2 =	vld [tilespmem:s15+$0x40]  }
0x83: {  	s16 =	simm.s32 $0x7A40  }
0x84: {  	s23 =	simm.s32 $0x8440;
	v20 =	vld [tilespmem:s16+$0xFFFFFFF0]  }
0x85: {  	v23 =	vld [tilespmem:s23+$0xFFFFFFF0];
	v4 =	vpop (erf)  }
0x86: {  	v5 =	vbroadcast v3, $0x0;
	[tilespmem:s13+$0xFFFFFFF0] =	vst v4;
	v1 =	vpop (erf)  }
0x87: {  	v8 =	vbroadcast v3, $0x1;
	v6 =	vld [tilespmem:s15+$0xFFFFFFC0];
	v9 =	vpop (erf);
	v7 =	vunpack.i.l.bf16.f32 v2  }
0x88: {  	[tilespmem:s13+$0xFFFFFFE0] =	vst v9;
	v2 =	vunpack.i.u.bf16.f32 v2;
	v5 =	vmul.f32 v5, v7  }
0x89: {  	s28 =	simm.s32 $0x2AE0;
	v7 =	vld [tilespmem:s15+$0xFFFFFF80];
	v2 =	vmul.f32 v8, v2  }
0x8a: {  	v20 =	vadd.f32 v23, v20;
	v19 =	vbroadcast v3, $0x6;
	v23 =	vbroadcast v3, $0x5;
	[tilespmem:s28+$0x80] =	vst v5  }
0x8b: {  	v24 =	vbroadcast v4, $0x4;
	v5 =	vbroadcast v4, $0x0;
	[tilespmem:s28+$0x90] =	vst v2  }
0x8c: {  	v17 =	vbroadcast v1, $0x2;
	v2 =	vbroadcast v4, $0x1;
	v8 =	vunpack.i.l.bf16.f32 v6;
	v10 =	vld [tilespmem:s15+$0x50]  }
0x8d: {  	v15 =	vld [tilespmem:s23+$0x10];
	v11 =	vbroadcast v9, $0x0;
	v6 =	vunpack.i.u.bf16.f32 v6;
	v5 =	vmul.f32 v5, v8  }
0x8e: {  	v16 =	vld [tilespmem:s23+$0xFFFFFFE0];
	[tilespmem:s13+$0x0] =	vst v1;
	v8 =	vbroadcast v9, $0x1;
	v2 =	vmul.f32 v2, v6;
	v12 =	vunpack.i.l.bf16.f32 v7  }
0x8f: {  	v28 =	vld [tilespmem:s16+$0xFFFFFFE0];
	v21 =	vbroadcast v1, $0x3;
	v6 =	vunpack.i.u.bf16.f32 v7;
	v7 =	vmul.f32 v11, v12;
	[tilespmem:s28+$0xFFFFFF80] =	vst v5  }
0x90: {  	v5 =	vld [tilespmem:s15+$0x0];
	v6 =	vmul.f32 v8, v6;
	[tilespmem:s28+$0xFFFFFF90] =	vst v2;
	v2 =	vbroadcast v3, $0x2  }
0x91: {  	v13 =	vbroadcast v9, $0x3;
	v8 =	vbroadcast v3, $0x3;
	v12 =	vld [tilespmem:s16+$0x10];
	[tilespmem:s28+$0xFFFFFF00] =	vst v7;
	v7 =	vunpack.i.l.bf16.f32 v10  }
0x92: {  	v18 =	vbroadcast v9, $0x4;
	[tilespmem:s28+$0xFFFFFF10] =	vst v6;
	v6 =	vunpack.i.u.bf16.f32 v10;
	v2 =	vmul.f32 v7, v2  }
0x93: {  	v22 =	vbroadcast v9, $0x5;
	v11 =	vld [tilespmem:s15+$0xFFFFFFD0];
	v6 =	vmul.f32 v6, v8  }
0x94: {  	v16 =	vadd.f32 v16, v28;
	v10 =	vbroadcast v1, $0x1;
	v8 =	vbroadcast v1, $0x0;
	[tilespmem:s28+$0xA0] =	vst v2  }
0x95: {  	v7 =	vld [tilespmem:s15+$0xFFFFFF90];
	v2 =	vbroadcast v9, $0x2;
	v14 =	vunpack.i.l.bf16.f32 v5;
	[tilespmem:s28+$0xB0] =	vst v6;
	v6 =	vbroadcast v4, $0x2  }
0x96: {  	v5 =	vunpack.i.u.bf16.f32 v5;
	v12 =	vadd.f32 v15, v12;
	v15 =	vbroadcast v4, $0x5  }
0x97: {  	v26 =	vld [tilespmem:s16+$0x0];
	vm9 =	vgt.f32 v20, $0.0e+00;
	v8 =	vmul.f32 v8, v14;
	v5 =	vmul.f32 v10, v5  }
0x98: {  	v14 =	vld [tilespmem:s15+$0x60];
	v10 =	vbroadcast v4, $0x3;
	v25 =	vunpack.i.l.bf16.f32 v11;
	v11 =	vunpack.i.u.bf16.f32 v11  }
0x99: {  	v6 =	vmul.f32 v25, v6;
	v25 =	vld [tilespmem:s23+$0x0];
	v29 =	vmul.f32 $2.000000030e-01, v12;
	vm8 =	vgt.f32 v12, $0.0e+00  }
0x9a: {  	v27 =	vunpack.i.u.bf16.f32 v7;
	v7 =	vunpack.i.l.bf16.f32 v7;
	[tilespmem:s28+$0x10] =	vst v5;
	v5 =	vmul.f32 $2.000000030e-01, v16  }
0x9b: {  	v10 =	vmul.f32 v11, v10;
	v2 =	vmul.f32 v7, v2;
	v12 =	vsel vm8, v12, v29  }
0x9c: {  	[tilespmem:s28+$0x0] =	vst v8;
	v7 =	vbroadcast v3, $0x4;
	v29 =	vmul.f32 $2.000000030e-01, v20;
	v12 =	vsub.f32 v12, v0  }
0x9d: {  	[tilespmem:s28+$0xFFFFFFA0] =	vst v6;
	v11 =	vmul.f32 v27, v13;
	v30 =	vunpack.i.l.bf16.f32 v14;
	v14 =	vunpack.i.u.bf16.f32 v14  }
0x9e: {  	[tilespmem:s28+$0xFFFFFF20] =	vst v2;
	v7 =	vmul.f32 v30, v7;
	v25 =	vadd.f32 v25, v26;
	v12 =	vmul.f32 $1.442695020e+00, v12  }
0x9f: {  	vm11 =	vgt.f32 v16, $0.0e+00;
	v13 =	vbroadcast v9, $0x7;
	[tilespmem:s28+$0xFFFFFF30] =	vst v11;
	v6 =	vmul.f32 v14, v23  }
0xa0: {  	v8 =	vsel vm9, v20, v29;
	v20 =	vmul.f32 $2.000000030e-01, v25;
	(erf) = vpow2.f32 v12;
	[tilespmem:s28+$0xC0] =	vst v7  }
0xa1: {  	v5 =	vsel vm11, v16, v5;
	v8 =	vsub.f32 v8, v0;
	v16 =	vld [tilespmem:s15+$0xFFFFFFA0];
	vm10 =	vgt.f32 v25, $0.0e+00;
	[tilespmem:s28+$0xD0] =	vst v6  }
0xa2: {  	v3 =	vbroadcast v3, $0x7;
	[tilespmem:s28+$0xFFFFFFB0] =	vst v10;
	v10 =	vbroadcast v4, $0x7;
	v12 =	vsel vm10, v25, v20;
	v20 =	vld [tilespmem:s15+$0x70]  }
0xa3: {  	v11 =	vld [tilespmem:s15+$0x10];
	v2 =	vbroadcast v1, $0x5;
	v8 =	vmul.f32 $1.442695020e+00, v8;
	v7 =	vsub.f32 v12, v0  }
0xa4: {  	v14 =	vbroadcast v4, $0x6;
	v6 =	vsub.f32 v5, v0;
	v5 =	vbroadcast v1, $0x4  }
0xa5: {  	(erf) = vpow2.f32 v8;
	v7 =	vmul.f32 $1.442695020e+00, v7  }
0xa6: {  	v6 =	vmul.f32 $1.442695020e+00, v6;
	v12 =	vbroadcast v9, $0x6;
	v9 =	vunpack.i.u.bf16.f32 v16  }
0xa7: {  	v22 =	vmul.f32 v9, v22;
	(erf) = vpow2.f32 v7;
	v7 =	vld [tilespmem:s15+$0xFFFFFFE0];
	v4 =	vunpack.i.u.bf16.f32 v20  }
0xa8: {  	(erf) = vpow2.f32 v6;
	v3 =	vmul.f32 v4, v3;
	v4 =	vunpack.i.u.bf16.f32 v11  }
0xa9: {  	s24 =	simm.s32 $0x8E40;
	v6 =	vunpack.i.l.bf16.f32 v11;
	v11 =	vunpack.i.l.bf16.f32 v16;
	v16 =	vbroadcast v1, $0x6;
	v8 =	vpop (erf)  }
0xaa: {  	s9 =	simm.s32 $0x360;
	v6 =	vmul.f32 v6, v17;
	v4 =	vmul.f32 v4, v21;
	[tilespmem:s24+$0x10] =	vst v8  }
0xab: {  	v21 =	vmul.f32 v11, v18;
	v17 =	vbroadcast v8, $0x6;
	v23 =	vld [tilespmem:s9+$0x40]  }
0xac: {  	v26 =	vbroadcast v8, $0x1;
	v33 =	vbroadcast v8, $0x3;
	v11 =	vunpack.i.l.bf16.f32 v7  }
0xad: {  	v40 =	vbroadcast v8, $0x5;
	v7 =	vunpack.i.u.bf16.f32 v7;
	v18 =	vmul.f32 v11, v24  }
0xae: {  	[tilespmem:s28+$0xFFFFFF50] =	vst v22;
	v24 =	vpop (erf);
	v9 =	vmul.f32 v7, v15;
	v15 =	vbroadcast v1, $0x7  }
0xaf: {  	v20 =	vunpack.i.l.bf16.f32 v20;
	v1 =	vbroadcast v8, $0x0;
	[tilespmem:s24+$0xFFFFFFF0] =	vst v24;
	v32 =	vbroadcast v24, $0x2  }
0xb0: {  	[tilespmem:s28+$0x20] =	vst v6;
	v22 =	vbroadcast v24, $0x4;
	v51 =	vbroadcast v24, $0x5;
	v25 =	vld [tilespmem:s9+$0xFFFFFFC0];
	v7 =	vpop (erf);
	v11 =	vunpack.i.l.bf16.f32 v23  }
0xb1: {  	v23 =	vunpack.i.u.bf16.f32 v23;
	v27 =	vpop (erf);
	v1 =	vmul.f32 v1, v11;
	v11 =	vmul.f32 v20, v19;
	[tilespmem:s24+$0x0] =	vst v7  }
0xb2: {  	v20 =	vmul.f32 v26, v23;
	v23 =	vbroadcast v24, $0x0;
	[tilespmem:s24+$0xFFFFFFE0] =	vst v27;
	v28 =	vld [tilespmem:s9+$0x0]  }
0xb3: {  	s23 =	simm.s32 $0x2CE0;
	[tilespmem:s28+$0x30] =	vst v4;
	v26 =	vbroadcast v24, $0x1;
	v6 =	vbroadcast v7, $0x0;
	v19 =	vld [tilespmem:s9+$0xFFFFFF80]  }
0xb4: {  	v4 =	vbroadcast v7, $0x1;
	v63 =	vbroadcast v7, $0x3;
	[tilespmem:s23+$0x80] =	vst v1  }
0xb5: {  	v29 =	vbroadcast v27, $0x1;
	[tilespmem:s23+$0x90] =	vst v20;
	v20 =	vunpack.i.l.bf16.f32 v25;
	v25 =	vunpack.i.u.bf16.f32 v25  }
0xb6: {  	s10 =	simm.s32 $0x8480;
	v30 =	vld [tilespmem:s9+$0x50];
	v20 =	vmul.f32 v23, v20;
	v23 =	vmul.f32 v26, v25  }
0xb7: {  	v38 =	vld [tilespmem:s10+$0xFFFFFFF0];
	s13 =	simm.s32 $0x7A80;
	[tilespmem:s28+$0xF0] =	vst v3;
	v3 =	vbroadcast v27, $0x6;
	v1 =	vbroadcast v27, $0x0  }
0xb8: {  	v34 =	vld [tilespmem:s13+$0x10];
	[tilespmem:s23+$0xFFFFFF90] =	vst v23;
	v23 =	vunpack.i.u.bf16.f32 v28;
	v28 =	vunpack.i.l.bf16.f32 v28;
	v31 =	vunpack.i.l.bf16.f32 v19  }
0xb9: {  	[tilespmem:s23+$0xFFFFFF80] =	vst v20;
	v20 =	vld [tilespmem:s15+$0x20];
	v19 =	vunpack.i.u.bf16.f32 v19;
	v6 =	vmul.f32 v6, v28;
	v1 =	vmul.f32 v1, v31  }
0xba: {  	[tilespmem:s28+$0xFFFFFF40] =	vst v21;
	v28 =	vld [tilespmem:s10+$0x10];
	v19 =	vmul.f32 v29, v19;
	v29 =	vbroadcast v8, $0x2  }
0xbb: {  	v25 =	vbroadcast v27, $0x2;
	v26 =	vbroadcast v27, $0x3;
	v31 =	vld [tilespmem:s9+$0xFFFFFFD0];
	[tilespmem:s23+$0xFFFFFF00] =	vst v1;
	v1 =	vunpack.i.l.bf16.f32 v30  }
0xbc: {  	v36 =	vld [tilespmem:s15+$0xFFFFFFB0];
	v21 =	vmul.f32 v4, v23;
	[tilespmem:s23+$0xFFFFFF10] =	vst v19;
	v19 =	vunpack.i.u.bf16.f32 v30;
	v1 =	vmul.f32 v1, v29  }
0xbd: {  	v47 =	vld [tilespmem:s13+$0xFFFFFFF0];
	v23 =	vbroadcast v24, $0x3;
	[tilespmem:s23+$0x0] =	vst v6;
	v19 =	vmul.f32 v19, v33  }
0xbe: {  	v6 =	vbroadcast v7, $0x4;
	v30 =	vbroadcast v27, $0x4;
	v4 =	vld [tilespmem:s9+$0xFFFFFF90];
	[tilespmem:s23+$0xA0] =	vst v1  }
0xbf: {  	v28 =	vadd.f32 v28, v34;
	v1 =	vunpack.i.u.bf16.f32 v20;
	[tilespmem:s23+$0xB0] =	vst v19;
	v19 =	vunpack.i.l.bf16.f32 v20  }
0xc0: {  	v45 =	vld [tilespmem:s10+$0xFFFFFFE0];
	v20 =	vbroadcast v27, $0x5;
	v37 =	vunpack.i.u.bf16.f32 v31;
	v31 =	vunpack.i.l.bf16.f32 v31  }
0xc1: {  	v50 =	vunpack.i.u.bf16.f32 v36;
	v35 =	vld [tilespmem:s9+$0x60];
	v31 =	vmul.f32 v31, v32;
	v23 =	vmul.f32 v37, v23  }
0xc2: {  	v41 =	vld [tilespmem:s10+$0x0];
	v48 =	vmul.f32 $2.000000030e-01, v28;
	vm12 =	vgt.f32 v28, $0.0e+00;
	v19 =	vmul.f32 v19, v5  }
0xc3: {  	v42 =	vld [tilespmem:s13+$0xFFFFFFE0];
	v43 =	vmul.f32 v1, v2;
	v37 =	vadd.f32 v38, v47;
	v46 =	vunpack.i.l.bf16.f32 v4  }
0xc4: {  	v39 =	vld [tilespmem:s13+$0x0];
	v1 =	vbroadcast v24, $0x6;
	v4 =	vunpack.i.u.bf16.f32 v4;
	v25 =	vmul.f32 v46, v25  }
0xc5: {  	[tilespmem:s23+$0x10] =	vst v21;
	v28 =	vsel vm12, v28, v48;
	v26 =	vmul.f32 v4, v26;
	v4 =	vbroadcast v8, $0x4  }
0xc6: {  	vm13 =	vgt.f32 v37, $0.0e+00;
	v21 =	vmul.f32 $2.000000030e-01, v37;
	[tilespmem:s23+$0xFFFFFFA0] =	vst v31;
	v49 =	vunpack.i.l.bf16.f32 v35  }
0xc7: {  	v2 =	vsub.f32 v28, v0;
	v5 =	vunpack.i.u.bf16.f32 v35;
	[tilespmem:s23+$0xFFFFFF20] =	vst v25;
	v4 =	vmul.f32 v49, v4  }
0xc8: {  	v21 =	vsel vm13, v37, v21;
	v25 =	vadd.f32 v45, v42;
	[tilespmem:s23+$0xFFFFFF30] =	vst v26;
	v40 =	vmul.f32 v5, v40  }
0xc9: {  	v52 =	vmul.f32 $1.442695020e+00, v2;
	[tilespmem:s23+$0xC0] =	vst v4;
	v4 =	vbroadcast v27, $0x7;
	v27 =	vadd.f32 v41, v39  }
0xca: {  	v2 =	vbroadcast v24, $0x7;
	v21 =	vsub.f32 v21, v0;
	v31 =	vld [tilespmem:s9+$0xFFFFFFA0];
	v53 =	vmul.f32 $2.000000030e-01, v25;
	[tilespmem:s23+$0xD0] =	vst v40  }
0xcb: {  	vm15 =	vgt.f32 v25, $0.0e+00;
	(erf) = vpow2.f32 v52;
	v28 =	vld [tilespmem:s9+$0x70];
	v26 =	vmul.f32 $2.000000030e-01, v27  }
0xcc: {  	[tilespmem:s28+$0xFFFFFFD0] =	vst v9;
	v24 =	vld [tilespmem:s9+$0x10];
	v21 =	vmul.f32 $1.442695020e+00, v21;
	v25 =	vsel vm15, v25, v53;
	vm14 =	vgt.f32 v27, $0.0e+00  }
0xcd: {  	v29 =	vbroadcast v7, $0x2;
	[tilespmem:s23+$0xFFFFFFB0] =	vst v23;
	v9 =	vsub.f32 v25, v0;
	v23 =	vsel vm14, v27, v26  }
0xce: {  	[tilespmem:s28+$0xFFFFFFC0] =	vst v18;
	v8 =	vbroadcast v8, $0x7;
	v18 =	vld [tilespmem:s9+$0xFFFFFFE0];
	(erf) = vpow2.f32 v21;
	v23 =	vsub.f32 v23, v0  }
0xcf: {  	[tilespmem:s28+$0xE0] =	vst v11;
	v21 =	vunpack.i.u.bf16.f32 v31;
	v11 =	vunpack.i.l.bf16.f32 v31;
	v9 =	vmul.f32 $1.442695020e+00, v9  }
0xd0: {  	[tilespmem:s28+$0x40] =	vst v19;
	v25 =	vld [tilespmem:s15+$0xFFFFFFF0];
	v20 =	vmul.f32 v21, v20;
	v26 =	vunpack.i.u.bf16.f32 v28;
	v19 =	vmul.f32 $1.442695020e+00, v23  }
0xd1: {  	[tilespmem:s28+$0x50] =	vst v43;
	v8 =	vmul.f32 v26, v8;
	v23 =	vunpack.i.u.bf16.f32 v24;
	v24 =	vunpack.i.l.bf16.f32 v24  }
0xd2: {  	v36 =	vunpack.i.l.bf16.f32 v36;
	[tilespmem:s23+$0xFFFFFF50] =	vst v20;
	v26 =	vld [tilespmem:s15+$0x30];
	(erf) = vpow2.f32 v19;
	v19 =	vmul.f32 v24, v29  }
0xd3: {  	v5 =	vbroadcast v7, $0x5;
	[tilespmem:s23+$0xF0] =	vst v8;
	v8 =	vunpack.i.u.bf16.f32 v18;
	(erf) = vpow2.f32 v9  }
0xd4: {  	s16 =	simm.s32 $0x8E80;
	v18 =	vunpack.i.l.bf16.f32 v18;
	v9 =	vmul.f32 v23, v63;
	v23 =	vmul.f32 v11, v30;
	v11 =	vpop (erf);
	[tilespmem:s23+$0x20] =	vst v19  }
0xd5: {  	v18 =	vmul.f32 v18, v22;
	v21 =	vmul.f32 v8, v51;
	v22 =	vunpack.i.l.bf16.f32 v25;
	[tilespmem:s16+$0x10] =	vst v11  }
0xd6: {  	s11 =	simm.s32 $0x460;
	v8 =	vbroadcast v7, $0x6;
	v7 =	vbroadcast v7, $0x7;
	v19 =	vunpack.i.u.bf16.f32 v25;
	[tilespmem:s23+$0x30] =	vst v9  }
0xd7: {  	v27 =	vmul.f32 v22, v14;
	v25 =	vld [tilespmem:s11+$0x40];
	[tilespmem:s23+$0xFFFFFF40] =	vst v23;
	v23 =	vmul.f32 v36, v12;
	v12 =	vunpack.i.l.bf16.f32 v26  }
0xd8: {  	v14 =	vunpack.i.l.bf16.f32 v28;
	v62 =	vbroadcast v11, $0x3;
	v9 =	vbroadcast v11, $0x6;
	[tilespmem:s23+$0xFFFFFFC0] =	vst v18  }
0xd9: {  	v24 =	vunpack.i.u.bf16.f32 v26;
	v26 =	vmul.f32 v50, v13;
	v18 =	vmul.f32 v19, v10;
	[tilespmem:s23+$0xFFFFFFD0] =	vst v21;
	v13 =	vld [tilespmem:s9+$0x20]  }
0xda: {  	v17 =	vmul.f32 v14, v17;
	v20 =	vmul.f32 v12, v16;
	[tilespmem:s28+$0xFFFFFF60] =	vst v23;
	v12 =	vpop (erf)  }
0xdb: {  	v19 =	vbroadcast v11, $0x0;
	v21 =	vmul.f32 v24, v15;
	v14 =	vld [tilespmem:s9+$0xFFFFFFB0];
	[tilespmem:s16+$0xFFFFFFF0] =	vst v12;
	v10 =	vpop (erf)  }
0xdc: {  	v24 =	vbroadcast v11, $0x1;
	v16 =	vbroadcast v12, $0x0;
	v28 =	vld [tilespmem:s11+$0xFFFFFFC0];
	v22 =	vunpack.i.l.bf16.f32 v25;
	[tilespmem:s16+$0x0] =	vst v10;
	v15 =	vpop (erf)  }
0xdd: {  	v29 =	vbroadcast v12, $0x1;
	v25 =	vunpack.i.u.bf16.f32 v25;
	v54 =	vmul.f32 v19, v22;
	[tilespmem:s16+$0xFFFFFFE0] =	vst v15;
	v31 =	vld [tilespmem:s11+$0x0]  }
0xde: {  	s15 =	simm.s32 $0x2EE0;
	[tilespmem:s28+$0xFFFFFF70] =	vst v26;
	v26 =	vbroadcast v12, $0x2;
	v19 =	vunpack.i.u.bf16.f32 v13;
	v57 =	vmul.f32 v24, v25;
	v55 =	vld [tilespmem:s11+$0xFFFFFF80]  }
0xdf: {  	v22 =	vunpack.i.l.bf16.f32 v13;
	v23 =	vbroadcast v10, $0x0;
	v58 =	vbroadcast v10, $0x1;
	[tilespmem:s15+$0x80] =	vst v54  }
0xe0: {  	v13 =	vunpack.i.u.bf16.f32 v14;
	v30 =	vbroadcast v15, $0x0;
	v56 =	vbroadcast v15, $0x1;
	[tilespmem:s15+$0x90] =	vst v57  }
0xe1: {  	v25 =	vbroadcast v15, $0x2;
	v61 =	vld [tilespmem:s11+$0x50];
	v60 =	vunpack.i.u.bf16.f32 v28;
	v28 =	vunpack.i.l.bf16.f32 v28  }
0xe2: {  	v59 =	vld [tilespmem:s9+$0xFFFFFFF0];
	[tilespmem:s28+$0xFFFFFFE0] =	vst v27;
	v14 =	vunpack.i.l.bf16.f32 v14;
	v24 =	vbroadcast v15, $0x3;
	v16 =	vmul.f32 v16, v28  }
0xe3: {  	[tilespmem:s28+$0xFFFFFFF0] =	vst v18;
	v29 =	vmul.f32 v29, v60;
	v18 =	vunpack.i.l.bf16.f32 v31;
	v33 =	vunpack.i.l.bf16.f32 v55  }
0xe4: {  	[tilespmem:s15+$0xFFFFFF80] =	vst v16;
	v27 =	vunpack.i.u.bf16.f32 v55;
	v23 =	vmul.f32 v23, v18;
	v30 =	vmul.f32 v30, v33  }
0xe5: {  	v28 =	vunpack.i.u.bf16.f32 v31;
	[tilespmem:s15+$0xFFFFFF90] =	vst v29;
	v18 =	vbroadcast v11, $0x2;
	v27 =	vmul.f32 v56, v27  }
0xe6: {  	v29 =	vunpack.i.l.bf16.f32 v61;
	v63 =	vunpack.i.u.bf16.f32 v61;
	[tilespmem:s15+$0xFFFFFF00] =	vst v30;
	v30 =	vmul.f32 v58, v28;
	v28 =	vld [tilespmem:s11+$0xFFFFFFD0]  }
0xe7: {  	v16 =	vunpack.i.u.bf16.f32 v59;
	v32 =	vmul.f32 v63, v62;
	v31 =	vmul.f32 v29, v18;
	[tilespmem:s15+$0xFFFFFF10] =	vst v27  }
0xe8: {  	s13 =	simm.s32 $0x7AC0;
	s24 =	simm.s32 $0x8;
	v18 =	vunpack.i.l.bf16.f32 v59;
	[tilespmem:s15+$0x0] =	vst v23;
	v23 =	vbroadcast v10, $0x2;
	v27 =	vbroadcast v12, $0x3;
	v29 =	vld [tilespmem:s11+$0xFFFFFF90]  }
.LBB2_3:
0xe9: {  	v33 =	vld [tilespmem:s13+$0x10];
	v34 =	vbroadcast v15, $0x4;
	v35 =	vbroadcast v10, $0x3;
	[tilespmem:s15+$0xA0] =	vst v31;
	s10 =	sadd.s32 $0x40, s10  }
0xea: {  	v36 =	vbroadcast v15, $0x5;
	v37 =	vbroadcast v12, $0x4;
	v31 =	vld [tilespmem:s10+$0x10];
	[tilespmem:s15+$0xB0] =	vst v32  }
0xeb: {  	v38 =	vbroadcast v12, $0x5;
	v32 =	vunpack.i.u.bf16.f32 v28;
	v28 =	vunpack.i.l.bf16.f32 v28;
	[tilespmem:s15+$0x10] =	vst v30;
	v30 =	vld [tilespmem:s11+$0x60]  }
0xec: {  	v39 =	vld [tilespmem:s10+$0xFFFFFFE0];
	v26 =	vmul.f32 v28, v26;
	v27 =	vmul.f32 v32, v27;
	[tilespmem:s28+$0x60] =	vst v20  }
0xed: {  	s24 =	sadd.s32 $0x4, s24;
	v32 =	vbroadcast v10, $0x4;
	v20 =	vld [tilespmem:s13+$0xFFFFFFF0];
	v28 =	vunpack.i.u.bf16.f32 v29;
	v29 =	vunpack.i.l.bf16.f32 v29;
	[tilespmem:s28+$0x70] =	vst v21;
	s28 =	smov.u32 s23;
	s23 =	smov.u32 s15  }
0xee: {  	p1 =	slt.u32 s24, $0x4C;
	v21 =	vld [tilespmem:s10+$0xFFFFFFF0];
	v25 =	vmul.f32 v29, v25;
	v24 =	vmul.f32 v28, v24;
	[tilespmem:s15+$0xFFFFFFA0] =	vst v26  }
0xef: {  	v29 =	vbroadcast v11, $0x4;
	v26 =	vld [tilespmem:s13+$0x0];
	v28 =	vadd.f32 v31, v33;
	[tilespmem:s15+$0xFFFFFFB0] =	vst v27;
	v27 =	vbroadcast v10, $0x5  }
0xf0: {  	v22 =	vmul.f32 v22, v6;
	v6 =	vmovc v32;
	v33 =	vbroadcast v11, $0x5;
	v31 =	vld [tilespmem:s10+$0x0];
	[tilespmem:s15+$0xFFFFFF20] =	vst v25;
	v25 =	vunpack.i.l.bf16.f32 v30  }
0xf1: {  	v32 =	vld [tilespmem:s13+$0xFFFFFFE0];
	v40 =	vmul.f32 $2.000000030e-01, v28;
	[tilespmem:s15+$0xFFFFFF30] =	vst v24;
	v24 =	vunpack.i.u.bf16.f32 v30;
	v25 =	vmul.f32 v25, v29  }
0xf2: {  	v19 =	vmul.f32 v19, v5;
	vm0 =	vgt.f32 v28, $0.0e+00;
	v5 =	vmovc v27;
	v29 =	vld [tilespmem:s11+$0x10];
	v24 =	vmul.f32 v24, v33;
	[tilespmem:s28+$0x40] =	vst v22  }
0xf3: {  	v27 =	vbroadcast v15, $0x6;
	v20 =	vadd.f32 v21, v20;
	v21 =	vsel vm0, v28, v40;
	v22 =	vld [tilespmem:s11+$0xFFFFFFA0];
	[tilespmem:s15+$0xC0] =	vst v25  }
0xf4: {  	v15 =	vbroadcast v15, $0x7;
	v28 =	vbroadcast v12, $0x6;
	v21 =	vsub.f32 v21, v0;
	v25 =	vld [tilespmem:s11+$0xFFFFFFE0];
	[tilespmem:s15+$0xD0] =	vst v24  }
0xf5: {  	vm0 =	vgt.f32 v20, $0.0e+00;
	v24 =	vmul.f32 $2.000000030e-01, v20;
	v26 =	vadd.f32 v31, v26;
	v30 =	vld [tilespmem:s11+$0x70];
	[tilespmem:s28+$0x50] =	vst v19  }
0xf6: {  	v12 =	vbroadcast v12, $0x7;
	v19 =	vadd.f32 v39, v32;
	v21 =	vmul.f32 $1.442695020e+00, v21;
	v31 =	vld [tilespmem:s9+$0x30];
	[tilespmem:s28+$0xE0] =	vst v17;
	s9 =	smov.u32 s11  }
0xf7: {  	v17 =	vsel vm0, v20, v24;
	vm0 =	vgt.f32 v26, $0.0e+00;
	v20 =	vmul.f32 $2.000000030e-01, v26  }
0xf8: {  	vm1 =	vgt.f32 v19, $0.0e+00;
	v24 =	vmul.f32 $2.000000030e-01, v19;
	(erf) = vpow2.f32 v21  }
0xf9: {  	v11 =	vbroadcast v11, $0x7;
	v17 =	vsub.f32 v17, v0;
	v20 =	vsel vm0, v26, v20  }
0xfa: {  	v19 =	vsel vm1, v19, v24;
	v20 =	vsub.f32 v20, v0;
	v21 =	vunpack.i.u.bf16.f32 v30  }
0xfb: {  	v17 =	vmul.f32 $1.442695020e+00, v17;
	v19 =	vsub.f32 v19, v0;
	v11 =	vmul.f32 v21, v11  }
0xfc: {  	v24 =	vunpack.i.l.bf16.f32 v29;
	v21 =	vunpack.i.u.bf16.f32 v29;
	v20 =	vmul.f32 $1.442695020e+00, v20  }
0xfd: {  	v19 =	vmul.f32 $1.442695020e+00, v19;
	(erf) = vpow2.f32 v17;
	v17 =	vunpack.i.u.bf16.f32 v22;
	[tilespmem:s15+$0xF0] =	vst v11  }
0xfe: {  	v11 =	vunpack.i.l.bf16.f32 v22;
	(erf) = vpow2.f32 v20;
	v20 =	vmul.f32 v24, v23  }
0xff: {  	v21 =	vmul.f32 v21, v35;
	(erf) = vpow2.f32 v19;
	v19 =	vunpack.i.u.bf16.f32 v25  }
0x100: {  	v22 =	vmul.f32 v11, v34;
	v17 =	vmul.f32 v17, v36;
	v23 =	vunpack.i.l.bf16.f32 v25;
	[tilespmem:s15+$0x20] =	vst v20  }
0x101: {  	s16 =	sadd.s32 $0x40, s16;
	v20 =	vmul.f32 v23, v37;
	v19 =	vmul.f32 v19, v38;
	v11 =	vpop (erf);
	[tilespmem:s15+$0x30] =	vst v21;
	v21 =	vunpack.i.u.bf16.f32 v31  }
0x102: {  	s11 =	sadd.s32 $0x100, s11;
	v24 =	vbroadcast v10, $0x6;
	v10 =	vbroadcast v10, $0x7;
	v25 =	vunpack.i.l.bf16.f32 v31;
	[tilespmem:s16+$0x10] =	vst v11;
	v23 =	vld [tilespmem:s9+$0x20]  }
0x103: {  	v14 =	vmul.f32 v14, v3;
	v3 =	vmovc v27;
	v29 =	vbroadcast v11, $0x6;
	v26 =	vld [tilespmem:s11+$0x40];
	[tilespmem:s15+$0xFFFFFF40] =	vst v22;
	v22 =	vunpack.i.l.bf16.f32 v30  }
0x104: {  	v18 =	vmul.f32 v18, v1;
	v27 =	vmul.f32 v13, v4;
	v4 =	vmovc v15;
	v1 =	vmov v28;
	[tilespmem:s15+$0xFFFFFF50] =	vst v17  }
0x105: {  	v16 =	vmul.f32 v16, v2;
	v2 =	vmovc v12;
	v28 =	vld [tilespmem:s9+$0xFFFFFFB0];
	[tilespmem:s15+$0xFFFFFFC0] =	vst v20;
	v20 =	vmul.f32 v25, v8;
	v8 =	vmov v24  }
0x106: {  	v21 =	vmul.f32 v21, v7;
	v7 =	vmov v10;
	v17 =	vmul.f32 v22, v9;
	v12 =	vpop (erf);
	[tilespmem:s15+$0xFFFFFFD0] =	vst v19  }
0x107: {  	v25 =	vbroadcast v11, $0x0;
	[tilespmem:s16+$0xFFFFFFF0] =	vst v12;
	v30 =	vbroadcast v12, $0x0;
	v10 =	vpop (erf);
	v31 =	vld [tilespmem:s9+$0xFFFFFFF0];
	v19 =	vunpack.i.u.bf16.f32 v23  }
0x108: {  	v22 =	vbroadcast v11, $0x1;
	v33 =	vbroadcast v12, $0x1;
	v32 =	vld [tilespmem:s11+$0xFFFFFFC0];
	[tilespmem:s16+$0x0] =	vst v10;
	v13 =	vunpack.i.l.bf16.f32 v26;
	v15 =	vpop (erf)  }
0x109: {  	v9 =	vmovc v29;
	v24 =	vunpack.i.u.bf16.f32 v26;
	[tilespmem:s16+$0xFFFFFFE0] =	vst v15;
	v34 =	vbroadcast v15, $0x0;
	v35 =	vld [tilespmem:s11+$0x0];
	v13 =	vmul.f32 v25, v13  }
0x10a: {  	s15 =	sadd.s32 $0x200, s15;
	v36 =	vbroadcast v15, $0x1;
	v26 =	vmul.f32 v22, v24;
	v22 =	vunpack.i.l.bf16.f32 v23;
	v29 =	vld [tilespmem:s11+$0xFFFFFF80];
	[tilespmem:s28+$0xFFFFFF60] =	vst v14  }
0x10b: {  	v37 =	vbroadcast v10, $0x1;
	v23 =	vbroadcast v10, $0x0;
	[tilespmem:s15+$0x80] =	vst v13;
	v13 =	vunpack.i.u.bf16.f32 v28  }
0x10c: {  	v25 =	vbroadcast v15, $0x2;
	v24 =	vbroadcast v15, $0x3;
	v14 =	vunpack.i.l.bf16.f32 v28;
	[tilespmem:s15+$0x90] =	vst v26  }
0x10d: {  	v26 =	vbroadcast v12, $0x2;
	v28 =	vunpack.i.u.bf16.f32 v32;
	v32 =	vunpack.i.l.bf16.f32 v32;
	v38 =	vld [tilespmem:s11+$0x50];
	[tilespmem:s28+$0xFFFFFF70] =	vst v27  }
0x10e: {  	v27 =	vmul.f32 v30, v32;
	v30 =	vunpack.i.u.bf16.f32 v35;
	v32 =	vunpack.i.l.bf16.f32 v35;
	[tilespmem:s28+$0xFFFFFFE0] =	vst v18  }
0x10f: {  	v28 =	vmul.f32 v33, v28;
	v18 =	vunpack.i.u.bf16.f32 v29;
	v29 =	vunpack.i.l.bf16.f32 v29;
	[tilespmem:s28+$0xFFFFFFF0] =	vst v16  }
.Ltmp0:
0x110: {  	v16 =	vunpack.i.u.bf16.f32 v31;
	v29 =	vmul.f32 v34, v29;
	v33 =	vmul.f32 v36, v18;
	[tilespmem:s15+$0xFFFFFF80] =	vst v27;
	(pc) =	sbr.rel @p1 .LBB2_3-.Ltmp0, $4  }
0x111: {  	v23 =	vmul.f32 v23, v32;
	v32 =	vbroadcast v11, $0x2;
	v18 =	vunpack.i.l.bf16.f32 v31;
	[tilespmem:s15+$0xFFFFFF90] =	vst v28  }
0x112: {  	v30 =	vmul.f32 v37, v30;
	v34 =	vbroadcast v11, $0x3;
	[tilespmem:s15+$0xFFFFFF00] =	vst v29;
	v28 =	vld [tilespmem:s11+$0xFFFFFFD0];
	v29 =	vunpack.i.l.bf16.f32 v38  }
0x113: {  	v27 =	vbroadcast v12, $0x3;
	[tilespmem:s15+$0xFFFFFF10] =	vst v33;
	v33 =	vunpack.i.u.bf16.f32 v38;
	v31 =	vmul.f32 v29, v32  }
0x114: {  	s13 =	sadd.s32 $0x40, s13;
	v29 =	vld [tilespmem:s11+$0xFFFFFF90];
	[tilespmem:s15+$0x0] =	vst v23;
	v23 =	vbroadcast v10, $0x2;
	v32 =	vmul.f32 v33, v34  }
0x115: {  	[tilespmem:s15+$0xA0] =	vst v31  }
0x116: {  	[tilespmem:s15+$0xB0] =	vst v32  }
0x117: {  	v0 =	vld [tilespmem:s11+$0x60];
	_ =	sdelay $0x3  }
0x118: {  	[tilespmem:s15+$0x10] =	vst v30;
	v31 =	vbroadcast v11, $0x4;
	v30 =	vunpack.i.l.bf16.f32 v29  }
0x119: {  	[tilespmem:s28+$0x60] =	vst v20;
	v20 =	vmul.f32 v30, v25;
	v30 =	vbroadcast v11, $0x5;
	v25 =	vunpack.i.l.bf16.f32 v0  }
0x11a: {  	[tilespmem:s28+$0x70] =	vst v21;
	v0 =	vunpack.i.u.bf16.f32 v0;
	v21 =	vmul.f32 v25, v31  }
0x11b: {  	[tilespmem:s15+$0xFFFFFF20] =	vst v20;
	v20 =	vunpack.i.l.bf16.f32 v28;
	v25 =	vunpack.i.u.bf16.f32 v29;
	v0 =	vmul.f32 v0, v30  }
0x11c: {  	v20 =	vmul.f32 v20, v26;
	v24 =	vmul.f32 v25, v24;
	v25 =	vld [tilespmem:s11+$0x10];
	[tilespmem:s15+$0xC0] =	vst v21  }
0x11d: {  	v21 =	vunpack.i.u.bf16.f32 v28;
	[tilespmem:s15+$0xD0] =	vst v0  }
0x11e: {  	[tilespmem:s15+$0xFFFFFFA0] =	vst v20;
	v0 =	vmul.f32 v21, v27;
	v21 =	vld [tilespmem:s11+$0x70]  }
0x11f: {  	v6 =	vmul.f32 v22, v6;
	[tilespmem:s15+$0xFFFFFF30] =	vst v24  }
0x120: {  	v20 =	vld [tilespmem:s11+$0xFFFFFFA0];
	[tilespmem:s15+$0xFFFFFFB0] =	vst v0;
	v0 =	vmul.f32 v19, v5  }
0x121: {  	v22 =	vbroadcast v15, $0x4;
	[tilespmem:s23+$0x40] =	vst v6;
	v5 =	vbroadcast v10, $0x3;
	v19 =	vunpack.i.l.bf16.f32 v25  }
0x122: {  	v6 =	vld [tilespmem:s11+$0xFFFFFFE0];
	[tilespmem:s23+$0x50] =	vst v0;
	v0 =	vbroadcast v11, $0x7;
	v11 =	vunpack.i.u.bf16.f32 v25;
	v19 =	vmul.f32 v19, v23  }
0x123: {  	[tilespmem:s23+$0xE0] =	vst v17;
	v3 =	vmul.f32 v14, v3;
	v17 =	vunpack.i.u.bf16.f32 v21;
	v5 =	vmul.f32 v11, v5  }
0x124: {  	v11 =	vbroadcast v15, $0x5;
	v0 =	vmul.f32 v17, v0;
	[tilespmem:s15+$0x20] =	vst v19  }
0x125: {  	v17 =	vunpack.i.l.bf16.f32 v20;
	v19 =	vbroadcast v12, $0x4;
	v20 =	vunpack.i.u.bf16.f32 v20;
	[tilespmem:s15+$0x30] =	vst v5  }
0x126: {  	v17 =	vmul.f32 v17, v22;
	[tilespmem:s15+$0xF0] =	vst v0;
	v0 =	vmul.f32 v20, v11;
	v20 =	vld [tilespmem:s11+$0x20]  }
0x127: {  	[tilespmem:s23+$0xFFFFFF60] =	vst v3;
	v5 =	vbroadcast v12, $0x5;
	v11 =	vunpack.i.l.bf16.f32 v6  }
0x128: {  	v6 =	vunpack.i.u.bf16.f32 v6;
	v11 =	vmul.f32 v11, v19;
	[tilespmem:s15+$0xFFFFFF40] =	vst v17  }
0x129: {  	v5 =	vmul.f32 v6, v5;
	[tilespmem:s15+$0xFFFFFF50] =	vst v0;
	v0 =	vld [tilespmem:s9+$0x30]  }
0x12a: {  	v4 =	vmul.f32 v13, v4;
	v6 =	vbroadcast v10, $0x4;
	[tilespmem:s15+$0xFFFFFFC0] =	vst v11  }
0x12b: {  	v1 =	vmul.f32 v18, v1;
	[tilespmem:s15+$0xFFFFFFD0] =	vst v5;
	v5 =	vbroadcast v10, $0x5;
	v11 =	vunpack.i.l.bf16.f32 v20  }
0x12c: {  	[tilespmem:s23+$0xFFFFFF70] =	vst v4;
	v3 =	vld [tilespmem:s11+$0xFFFFFFB0];
	v13 =	vunpack.i.u.bf16.f32 v20;
	v4 =	vmul.f32 v11, v6  }
0x12d: {  	[tilespmem:s23+$0xFFFFFFE0] =	vst v1;
	v1 =	vmul.f32 v13, v5  }
0x12e: {  	v2 =	vmul.f32 v16, v2;
	v6 =	vld [tilespmem:s11+$0xFFFFFFF0];
	v5 =	vunpack.i.l.bf16.f32 v0;
	[tilespmem:s15+$0x40] =	vst v4  }
0x12f: {  	v0 =	vunpack.i.u.bf16.f32 v0;
	v4 =	vmul.f32 v5, v8;
	[tilespmem:s15+$0x50] =	vst v1  }
0x130: {  	[tilespmem:s23+$0xFFFFFFF0] =	vst v2;
	v1 =	vbroadcast v15, $0x6;
	v5 =	vunpack.i.l.bf16.f32 v21;
	v0 =	vmul.f32 v0, v7;
	v2 =	vld [tilespmem:s11+$0x30]  }
0x131: {  	v7 =	vbroadcast v15, $0x7;
	v8 =	vunpack.i.l.bf16.f32 v3;
	v5 =	vmul.f32 v5, v9;
	[tilespmem:s23+$0x60] =	vst v4  }
0x132: {  	v3 =	vunpack.i.u.bf16.f32 v3;
	v4 =	vbroadcast v12, $0x6;
	[tilespmem:s23+$0x70] =	vst v0;
	v0 =	vmul.f32 v8, v1  }
0x133: {  	v1 =	vbroadcast v12, $0x7;
	v3 =	vmul.f32 v3, v7;
	v8 =	vunpack.i.l.bf16.f32 v6;
	[tilespmem:s15+$0xE0] =	vst v5  }
0x134: {  	v5 =	vbroadcast v10, $0x6;
	v6 =	vunpack.i.u.bf16.f32 v6;
	v4 =	vmul.f32 v8, v4;
	[tilespmem:s15+$0xFFFFFF60] =	vst v0  }
0x135: {  	v0 =	vbroadcast v10, $0x7;
	v1 =	vmul.f32 v6, v1;
	[tilespmem:s15+$0xFFFFFF70] =	vst v3;
	v7 =	vunpack.i.l.bf16.f32 v2  }
0x136: {  	v2 =	vunpack.i.u.bf16.f32 v2;
	[tilespmem:s15+$0xFFFFFFE0] =	vst v4;
	v3 =	vmul.f32 v7, v5  }
0x137: {  	[tilespmem:s15+$0xFFFFFFF0] =	vst v1;
	v0 =	vmul.f32 v2, v0  }
0x138: {  	[tilespmem:s15+$0x60] =	vst v3  }
0x139: {  	s10 =	simm.s32 $0x8DE0;
	[tilespmem:s15+$0x70] =	vst v0  }
0x13a: {  	[spmem:s4] =	stream.indirect.scatter.add.f32 [tilespmem:s10], [sflag:$0x9], $0x10, s14, s26, $0xb8;
	[tilespmem:$0x1F810] =	vst v63  }
0x13b: {  	s11 =	simm.s32 $0x29E0  }
0x13c: {  	[spmem:s2] =	stream.indirect.scatter.add.f32 [tilespmem:s11], [sflag:$0xB], $0x80, s14, s26, $0xb8;
	[tilespmem:$0x1F810] =	vst v63  }
0x13d: {  	_ =	swait.ge [sflag:s17], $0x1400  }
0x13e: {  	[sflag:s17] =	ssyncset.done $0x0  }
0x13f: {  	[sflag:s17] =	ssyncadd.s32 $0xFFFFEC00  }
0x140: {  	_ =	swait.ge [sflag:s18], $0x500  }
0x141: {  	[sflag:s18] =	ssyncset.done $0x0  }
0x142: {  	[sflag:s18] =	ssyncadd.s32 $0xFFFFFB00  }
0x143: {  	_ =	swait.ge [sflag:s21], $0x500  }
0x144: {  	[sflag:s21] =	ssyncset.done $0x0  }
0x145: {  	[sflag:s21] =	ssyncadd.s32 $0xFFFFFB00  }
0x146: {  	v0 =	vld [tilespmem:$0xF0]  }
0x147: {  	v1 =	vld [tilespmem:$0x100]  }
0x148: {  	v2 =	vld [tilespmem:$0x110]  }
0x149: {  	v3 =	vld [tilespmem:$0x120]  }
0x14a: {  	v4 =	vld [tilespmem:$0x130]  }
0x14b: {  	s9 =	sadd.s32 @!p0 s12, s20;
	[tilespmem:$0x190] =	vst v0  }
0x14c: {  	s9 =	smul.u32 @!p0 $0x50, s9;
	[tilespmem:$0x1A0] =	vst v1  }
0x14d: {  	[tilespmem:$0x1B0] =	vst v2  }
0x14e: {  	s9 =	sshrl.u32 @!p0 s9, $0x3;
	[tilespmem:$0x1C0] =	vst v3  }
0x14f: {  	s9 =	sadd.s32 @!p0 s1, s9;
	s10 =	simm.s32 @!p0 $0x0;
	s11 =	simm.s32 @!p0 $0xA0;
	[tilespmem:$0x1D0] =	vst v4  }
0x150: {  	[tilespmem:s11], [sflag:$0x8] =	stream.linear.gather @!p0 [hbm4b:s9+s10], $0x50, $0x38;
	[tilespmem:$0x1F810] =	vst v63  }
0x151: {  	s9 =	sadd.s32 @!p0 $0x9D80, s9;
	s11 =	simm.s32 @!p0 $0xF0  }
0x152: {  	[tilespmem:s11], [sflag:$0x8] =	stream.linear.gather @!p0 [hbm4b:s9+s10], $0x50, $0x38;
	[tilespmem:$0x1F810] =	vst v63  }
0x153: {  	s9 =	simm.s32 @!p0 $0x7  }
0x154: {  	_ =	swait.ge @!p0 [sflag:s9], $0x50  }
0x155: {  	[sflag:s9] =	ssyncset.done @!p0 $0x0  }
0x156: {  	[sflag:s9] =	ssyncadd.s32 @!p0 $0xFFFFFFB0  }
0x157: {  	_ =	swait.ge @!p0 [sflag:s9], $0x50  }
0x158: {  	[sflag:s9] =	ssyncset.done @!p0 $0x0  }
0x159: {  	[sflag:s9] =	ssyncadd.s32 @!p0 $0xFFFFFFB0;
	s9 =	simm.s32 @!p0 $0x9  }
0x15a: {  	_ =	swait.ge @!p0 [sflag:s9], $0x500  }
0x15b: {  	[sflag:s9] =	ssyncset.done @!p0 $0x0  }
0x15c: {  	[sflag:s9] =	ssyncadd.s32 @!p0 $0xFFFFFB00;
	s9 =	simm.s32 @!p0 $0xB  }
0x15d: {  	_ =	swait.ge @!p0 [sflag:s9], $0x2800  }
0x15e: {  	[sflag:s9] =	ssyncset.done @!p0 $0x0  }
0x15f: {  	s11 =	simm.s32 @!p0 $0x1E0;
	[sflag:s9] =	ssyncadd.s32 @!p0 $0xFFFFD800;
	s9 =	simm.s32 @!p0 $0x50  }
0x160: {  	[tilespmem:s11], [sflag:$0x1] =	stream.indirect.gather @!p0 [hbm4b:s6+s9], $0x40, s10, s9, $0xb8;
	[tilespmem:$0x1F810] =	vst v63  }
0x161: {  	s11 =	simm.s32 @!p0 $0x79E0  }
0x162: {  	[tilespmem:s11], [sflag:$0x3] =	stream.indirect.gather @!p0 [hbm4b:s7+s9], $0x10, s10, s9, $0xb8;
	[tilespmem:$0x1F810] =	vst v63  }
0x163: {  	s12 =	simm.s32 $0x7F00;
	s10 =	simm.s32 @!p0 $0x83E0  }
0x164: {  	[tilespmem:s10], [sflag:$0x5] =	stream.indirect.gather @!p0 [hbm4b:s8+s9], $0x10, s9, s9, $0xb8;
	[tilespmem:$0x1F810] =	vst v63  }
0x165: {  	s13 =	simm.s32 $0x8900;
	v1 =	vld [tilespmem:s12+$0x10]  }
0x166: {  	v2 =	vld [tilespmem:s13+$0x10]  }
0x167: {  	v0 =	vld [tilespmem:$0x97E0]  }
0x168: {  	v3 =	vld [tilespmem:s13+$0xFFFFFFE0]  }
0x169: {  	v4 =	vld [tilespmem:s12+$0xFFFFFFF0]  }
0x16a: {  	v5 =	vld [tilespmem:s13+$0xFFFFFFF0]  }
0x16b: {  	v6 =	vld [tilespmem:s12+$0x0];
	v1 =	vadd.f32 v2, v1  }
0x16c: {  	v2 =	vld [tilespmem:s13+$0x0]  }
0x16d: {  	v7 =	vld [tilespmem:s12+$0xFFFFFFE0];
	v8 =	vmul.f32 $2.000000030e-01, v1  }
0x16e: {  	vm0 =	vgt.f32 v1, $0.0e+00  }
0x16f: {  	v4 =	vadd.f32 v5, v4;
	v1 =	vsel vm0, v1, v8  }
0x170: {  	v1 =	vsub.f32 v1, v0  }
0x171: {  	v5 =	vmul.f32 $2.000000030e-01, v4;
	v2 =	vadd.f32 v2, v6  }
0x172: {  	v3 =	vadd.f32 v3, v7;
	vm6 =	vgt.f32 v4, $0.0e+00;
	v1 =	vmul.f32 $1.442695020e+00, v1  }
0x173: {  	v4 =	vsel vm6, v4, v5;
	v5 =	vmul.f32 $2.000000030e-01, v2  }
0x174: {  	v6 =	vmul.f32 $2.000000030e-01, v3;
	vm7 =	vgt.f32 v2, $0.0e+00;
	(erf) = vpow2.f32 v1  }
0x175: {  	vm1 =	vgt.f32 v3, $0.0e+00;
	v1 =	vsub.f32 v4, v0;
	v2 =	vsel vm7, v2, v5  }
0x176: {  	v3 =	vsel vm1, v3, v6;
	v2 =	vsub.f32 v2, v0  }
0x177: {  	v3 =	vsub.f32 v3, v0;
	v1 =	vmul.f32 $1.442695020e+00, v1  }
0x178: {  	v2 =	vmul.f32 $1.442695020e+00, v2  }
0x179: {  	v3 =	vmul.f32 $1.442695020e+00, v3;
	(erf) = vpow2.f32 v1  }
0x17a: {  	(erf) = vpow2.f32 v2  }
0x17b: {  	(erf) = vpow2.f32 v3;
	_ =	sdelay $0x1  }
0x17c: {  	s15 =	simm.s32 $0x9300;
	v3 =	vpop (erf)  }
0x17d: {  	s16 =	simm.s32 $0x1660;
	[tilespmem:s15+$0x10] =	vst v3  }
0x17e: {  	v2 =	vld [tilespmem:s16+$0x40]  }
0x17f: {  	s23 =	simm.s32 $0x7F40  }
0x180: {  	s24 =	simm.s32 $0x8940;
	v20 =	vld [tilespmem:s23+$0xFFFFFFF0]  }
0x181: {  	v23 =	vld [tilespmem:s24+$0xFFFFFFF0];
	v4 =	vpop (erf)  }
0x182: {  	v5 =	vbroadcast v3, $0x0;
	[tilespmem:s15+$0xFFFFFFF0] =	vst v4;
	v1 =	vpop (erf)  }
0x183: {  	v8 =	vbroadcast v3, $0x1;
	v6 =	vld [tilespmem:s16+$0xFFFFFFC0];
	v9 =	vpop (erf);
	v7 =	vunpack.i.l.bf16.f32 v2  }
0x184: {  	[tilespmem:s15+$0xFFFFFFE0] =	vst v9;
	v2 =	vunpack.i.u.bf16.f32 v2;
	v5 =	vmul.f32 v5, v7  }
0x185: {  	s12 =	simm.s32 $0x52E0;
	v7 =	vld [tilespmem:s16+$0xFFFFFF80];
	v2 =	vmul.f32 v8, v2  }
0x186: {  	v20 =	vadd.f32 v23, v20;
	v19 =	vbroadcast v3, $0x6;
	v23 =	vbroadcast v3, $0x5;
	[tilespmem:s12+$0x80] =	vst v5  }
0x187: {  	v24 =	vbroadcast v4, $0x4;
	v5 =	vbroadcast v4, $0x0;
	[tilespmem:s12+$0x90] =	vst v2  }
0x188: {  	v17 =	vbroadcast v1, $0x2;
	v2 =	vbroadcast v4, $0x1;
	v8 =	vunpack.i.l.bf16.f32 v6;
	v10 =	vld [tilespmem:s16+$0x50]  }
0x189: {  	v15 =	vld [tilespmem:s24+$0x10];
	v11 =	vbroadcast v9, $0x0;
	v6 =	vunpack.i.u.bf16.f32 v6;
	v5 =	vmul.f32 v5, v8  }
0x18a: {  	v16 =	vld [tilespmem:s24+$0xFFFFFFE0];
	[tilespmem:s15+$0x0] =	vst v1;
	v8 =	vbroadcast v9, $0x1;
	v2 =	vmul.f32 v2, v6;
	v12 =	vunpack.i.l.bf16.f32 v7  }
0x18b: {  	v28 =	vld [tilespmem:s23+$0xFFFFFFE0];
	v21 =	vbroadcast v1, $0x3;
	v6 =	vunpack.i.u.bf16.f32 v7;
	v7 =	vmul.f32 v11, v12;
	[tilespmem:s12+$0xFFFFFF80] =	vst v5  }
0x18c: {  	v5 =	vld [tilespmem:s16+$0x0];
	v6 =	vmul.f32 v8, v6;
	[tilespmem:s12+$0xFFFFFF90] =	vst v2;
	v2 =	vbroadcast v3, $0x2  }
0x18d: {  	v13 =	vbroadcast v9, $0x3;
	v8 =	vbroadcast v3, $0x3;
	v12 =	vld [tilespmem:s23+$0x10];
	[tilespmem:s12+$0xFFFFFF00] =	vst v7;
	v7 =	vunpack.i.l.bf16.f32 v10  }
0x18e: {  	v18 =	vbroadcast v9, $0x4;
	[tilespmem:s12+$0xFFFFFF10] =	vst v6;
	v6 =	vunpack.i.u.bf16.f32 v10;
	v2 =	vmul.f32 v7, v2  }
0x18f: {  	v22 =	vbroadcast v9, $0x5;
	v11 =	vld [tilespmem:s16+$0xFFFFFFD0];
	v6 =	vmul.f32 v6, v8  }
0x190: {  	v16 =	vadd.f32 v16, v28;
	v10 =	vbroadcast v1, $0x1;
	v8 =	vbroadcast v1, $0x0;
	[tilespmem:s12+$0xA0] =	vst v2  }
0x191: {  	v7 =	vld [tilespmem:s16+$0xFFFFFF90];
	v2 =	vbroadcast v9, $0x2;
	v14 =	vunpack.i.l.bf16.f32 v5;
	[tilespmem:s12+$0xB0] =	vst v6;
	v6 =	vbroadcast v4, $0x2  }
0x192: {  	v5 =	vunpack.i.u.bf16.f32 v5;
	v12 =	vadd.f32 v15, v12;
	v15 =	vbroadcast v4, $0x5  }
0x193: {  	v26 =	vld [tilespmem:s23+$0x0];
	vm9 =	vgt.f32 v20, $0.0e+00;
	v8 =	vmul.f32 v8, v14;
	v5 =	vmul.f32 v10, v5  }
0x194: {  	v14 =	vld [tilespmem:s16+$0x60];
	v10 =	vbroadcast v4, $0x3;
	v25 =	vunpack.i.l.bf16.f32 v11;
	v11 =	vunpack.i.u.bf16.f32 v11  }
0x195: {  	v6 =	vmul.f32 v25, v6;
	v25 =	vld [tilespmem:s24+$0x0];
	v29 =	vmul.f32 $2.000000030e-01, v12;
	vm8 =	vgt.f32 v12, $0.0e+00  }
0x196: {  	v27 =	vunpack.i.u.bf16.f32 v7;
	v7 =	vunpack.i.l.bf16.f32 v7;
	[tilespmem:s12+$0x10] =	vst v5;
	v5 =	vmul.f32 $2.000000030e-01, v16  }
0x197: {  	v10 =	vmul.f32 v11, v10;
	v2 =	vmul.f32 v7, v2;
	v12 =	vsel vm8, v12, v29  }
0x198: {  	[tilespmem:s12+$0x0] =	vst v8;
	v7 =	vbroadcast v3, $0x4;
	v29 =	vmul.f32 $2.000000030e-01, v20;
	v12 =	vsub.f32 v12, v0  }
0x199: {  	[tilespmem:s12+$0xFFFFFFA0] =	vst v6;
	v11 =	vmul.f32 v27, v13;
	v30 =	vunpack.i.l.bf16.f32 v14;
	v14 =	vunpack.i.u.bf16.f32 v14  }
0x19a: {  	[tilespmem:s12+$0xFFFFFF20] =	vst v2;
	v7 =	vmul.f32 v30, v7;
	v25 =	vadd.f32 v25, v26;
	v12 =	vmul.f32 $1.442695020e+00, v12  }
0x19b: {  	vm11 =	vgt.f32 v16, $0.0e+00;
	v13 =	vbroadcast v9, $0x7;
	[tilespmem:s12+$0xFFFFFF30] =	vst v11;
	v6 =	vmul.f32 v14, v23  }
0x19c: {  	v8 =	vsel vm9, v20, v29;
	v20 =	vmul.f32 $2.000000030e-01, v25;
	(erf) = vpow2.f32 v12;
	[tilespmem:s12+$0xC0] =	vst v7  }
0x19d: {  	v5 =	vsel vm11, v16, v5;
	v8 =	vsub.f32 v8, v0;
	v16 =	vld [tilespmem:s16+$0xFFFFFFA0];
	vm10 =	vgt.f32 v25, $0.0e+00;
	[tilespmem:s12+$0xD0] =	vst v6  }
0x19e: {  	v3 =	vbroadcast v3, $0x7;
	[tilespmem:s12+$0xFFFFFFB0] =	vst v10;
	v10 =	vbroadcast v4, $0x7;
	v12 =	vsel vm10, v25, v20;
	v20 =	vld [tilespmem:s16+$0x70]  }
0x19f: {  	v11 =	vld [tilespmem:s16+$0x10];
	v2 =	vbroadcast v1, $0x5;
	v8 =	vmul.f32 $1.442695020e+00, v8;
	v7 =	vsub.f32 v12, v0  }
0x1a0: {  	v14 =	vbroadcast v4, $0x6;
	v6 =	vsub.f32 v5, v0;
	v5 =	vbroadcast v1, $0x4  }
0x1a1: {  	(erf) = vpow2.f32 v8;
	v7 =	vmul.f32 $1.442695020e+00, v7  }
0x1a2: {  	v6 =	vmul.f32 $1.442695020e+00, v6;
	v12 =	vbroadcast v9, $0x6;
	v9 =	vunpack.i.u.bf16.f32 v16  }
0x1a3: {  	v22 =	vmul.f32 v9, v22;
	(erf) = vpow2.f32 v7;
	v7 =	vld [tilespmem:s16+$0xFFFFFFE0];
	v4 =	vunpack.i.u.bf16.f32 v20  }
0x1a4: {  	(erf) = vpow2.f32 v6;
	v3 =	vmul.f32 v4, v3;
	v4 =	vunpack.i.u.bf16.f32 v11  }
0x1a5: {  	s28 =	simm.s32 $0x9340;
	v6 =	vunpack.i.l.bf16.f32 v11;
	v11 =	vunpack.i.l.bf16.f32 v16;
	v16 =	vbroadcast v1, $0x6;
	v8 =	vpop (erf)  }
0x1a6: {  	s9 =	simm.s32 $0x1760;
	v6 =	vmul.f32 v6, v17;
	v4 =	vmul.f32 v4, v21;
	[tilespmem:s28+$0x10] =	vst v8  }
0x1a7: {  	v21 =	vmul.f32 v11, v18;
	v17 =	vbroadcast v8, $0x6;
	v23 =	vld [tilespmem:s9+$0x40]  }
0x1a8: {  	v26 =	vbroadcast v8, $0x1;
	v33 =	vbroadcast v8, $0x3;
	v11 =	vunpack.i.l.bf16.f32 v7  }
0x1a9: {  	v40 =	vbroadcast v8, $0x5;
	v7 =	vunpack.i.u.bf16.f32 v7;
	v18 =	vmul.f32 v11, v24  }
0x1aa: {  	[tilespmem:s12+$0xFFFFFF50] =	vst v22;
	v24 =	vpop (erf);
	v9 =	vmul.f32 v7, v15;
	v15 =	vbroadcast v1, $0x7  }
0x1ab: {  	v20 =	vunpack.i.l.bf16.f32 v20;
	v1 =	vbroadcast v8, $0x0;
	[tilespmem:s28+$0xFFFFFFF0] =	vst v24;
	v62 =	vbroadcast v24, $0x2  }
0x1ac: {  	[tilespmem:s12+$0x20] =	vst v6;
	v22 =	vbroadcast v24, $0x4;
	v51 =	vbroadcast v24, $0x5;
	v25 =	vld [tilespmem:s9+$0xFFFFFFC0];
	v7 =	vpop (erf);
	v11 =	vunpack.i.l.bf16.f32 v23  }
0x1ad: {  	v23 =	vunpack.i.u.bf16.f32 v23;
	v27 =	vpop (erf);
	v1 =	vmul.f32 v1, v11;
	v11 =	vmul.f32 v20, v19;
	[tilespmem:s28+$0x0] =	vst v7  }
0x1ae: {  	v20 =	vmul.f32 v26, v23;
	v23 =	vbroadcast v24, $0x0;
	[tilespmem:s28+$0xFFFFFFE0] =	vst v27;
	v28 =	vld [tilespmem:s9+$0x0]  }
0x1af: {  	s23 =	simm.s32 $0x54E0;
	[tilespmem:s12+$0x30] =	vst v4;
	v26 =	vbroadcast v24, $0x1;
	v6 =	vbroadcast v7, $0x0;
	v19 =	vld [tilespmem:s9+$0xFFFFFF80]  }
0x1b0: {  	v4 =	vbroadcast v7, $0x1;
	v63 =	vbroadcast v7, $0x3;
	[tilespmem:s23+$0x80] =	vst v1  }
0x1b1: {  	v29 =	vbroadcast v27, $0x1;
	[tilespmem:s23+$0x90] =	vst v20;
	v20 =	vunpack.i.l.bf16.f32 v25;
	v25 =	vunpack.i.u.bf16.f32 v25  }
0x1b2: {  	s10 =	simm.s32 $0x8980;
	v30 =	vld [tilespmem:s9+$0x50];
	v20 =	vmul.f32 v23, v20;
	v23 =	vmul.f32 v26, v25  }
0x1b3: {  	v38 =	vld [tilespmem:s10+$0xFFFFFFF0];
	s13 =	simm.s32 $0x7F80;
	[tilespmem:s12+$0xF0] =	vst v3;
	v3 =	vbroadcast v27, $0x6;
	v1 =	vbroadcast v27, $0x0  }
0x1b4: {  	v34 =	vld [tilespmem:s13+$0x10];
	[tilespmem:s23+$0xFFFFFF90] =	vst v23;
	v23 =	vunpack.i.u.bf16.f32 v28;
	v28 =	vunpack.i.l.bf16.f32 v28;
	v31 =	vunpack.i.l.bf16.f32 v19  }
0x1b5: {  	[tilespmem:s23+$0xFFFFFF80] =	vst v20;
	v20 =	vld [tilespmem:s16+$0x20];
	v19 =	vunpack.i.u.bf16.f32 v19;
	v6 =	vmul.f32 v6, v28;
	v1 =	vmul.f32 v1, v31  }
0x1b6: {  	[tilespmem:s12+$0xFFFFFF40] =	vst v21;
	v28 =	vld [tilespmem:s10+$0x10];
	v19 =	vmul.f32 v29, v19;
	v29 =	vbroadcast v8, $0x2  }
0x1b7: {  	v25 =	vbroadcast v27, $0x2;
	v26 =	vbroadcast v27, $0x3;
	v31 =	vld [tilespmem:s9+$0xFFFFFFD0];
	[tilespmem:s23+$0xFFFFFF00] =	vst v1;
	v1 =	vunpack.i.l.bf16.f32 v30  }
0x1b8: {  	v36 =	vld [tilespmem:s16+$0xFFFFFFB0];
	v21 =	vmul.f32 v4, v23;
	[tilespmem:s23+$0xFFFFFF10] =	vst v19;
	v19 =	vunpack.i.u.bf16.f32 v30;
	v1 =	vmul.f32 v1, v29  }
0x1b9: {  	v47 =	vld [tilespmem:s13+$0xFFFFFFF0];
	v23 =	vbroadcast v24, $0x3;
	[tilespmem:s23+$0x0] =	vst v6;
	v19 =	vmul.f32 v19, v33  }
0x1ba: {  	v6 =	vbroadcast v7, $0x4;
	v30 =	vbroadcast v27, $0x4;
	v4 =	vld [tilespmem:s9+$0xFFFFFF90];
	[tilespmem:s23+$0xA0] =	vst v1  }
0x1bb: {  	v28 =	vadd.f32 v28, v34;
	v1 =	vunpack.i.u.bf16.f32 v20;
	[tilespmem:s23+$0xB0] =	vst v19;
	v19 =	vunpack.i.l.bf16.f32 v20  }
0x1bc: {  	v45 =	vld [tilespmem:s10+$0xFFFFFFE0];
	v20 =	vbroadcast v27, $0x5;
	v37 =	vunpack.i.u.bf16.f32 v31;
	v31 =	vunpack.i.l.bf16.f32 v31  }
0x1bd: {  	v50 =	vunpack.i.u.bf16.f32 v36;
	v35 =	vld [tilespmem:s9+$0x60];
	v31 =	vmul.f32 v31, v62;
	v23 =	vmul.f32 v37, v23  }
0x1be: {  	v41 =	vld [tilespmem:s10+$0x0];
	v48 =	vmul.f32 $2.000000030e-01, v28;
	vm12 =	vgt.f32 v28, $0.0e+00;
	v19 =	vmul.f32 v19, v5  }
0x1bf: {  	v42 =	vld [tilespmem:s13+$0xFFFFFFE0];
	v43 =	vmul.f32 v1, v2;
	v37 =	vadd.f32 v38, v47;
	v46 =	vunpack.i.l.bf16.f32 v4  }
0x1c0: {  	v39 =	vld [tilespmem:s13+$0x0];
	v1 =	vbroadcast v24, $0x6;
	v4 =	vunpack.i.u.bf16.f32 v4;
	v25 =	vmul.f32 v46, v25  }
0x1c1: {  	[tilespmem:s23+$0x10] =	vst v21;
	v28 =	vsel vm12, v28, v48;
	v26 =	vmul.f32 v4, v26;
	v4 =	vbroadcast v8, $0x4  }
0x1c2: {  	vm13 =	vgt.f32 v37, $0.0e+00;
	v21 =	vmul.f32 $2.000000030e-01, v37;
	[tilespmem:s23+$0xFFFFFFA0] =	vst v31;
	v49 =	vunpack.i.l.bf16.f32 v35  }
0x1c3: {  	v2 =	vsub.f32 v28, v0;
	v5 =	vunpack.i.u.bf16.f32 v35;
	[tilespmem:s23+$0xFFFFFF20] =	vst v25;
	v4 =	vmul.f32 v49, v4  }
0x1c4: {  	v21 =	vsel vm13, v37, v21;
	v25 =	vadd.f32 v45, v42;
	[tilespmem:s23+$0xFFFFFF30] =	vst v26;
	v40 =	vmul.f32 v5, v40  }
0x1c5: {  	v52 =	vmul.f32 $1.442695020e+00, v2;
	[tilespmem:s23+$0xC0] =	vst v4;
	v4 =	vbroadcast v27, $0x7;
	v27 =	vadd.f32 v41, v39  }
0x1c6: {  	v2 =	vbroadcast v24, $0x7;
	v21 =	vsub.f32 v21, v0;
	v31 =	vld [tilespmem:s9+$0xFFFFFFA0];
	v53 =	vmul.f32 $2.000000030e-01, v25;
	[tilespmem:s23+$0xD0] =	vst v40  }
0x1c7: {  	vm15 =	vgt.f32 v25, $0.0e+00;
	(erf) = vpow2.f32 v52;
	v28 =	vld [tilespmem:s9+$0x70];
	v26 =	vmul.f32 $2.000000030e-01, v27  }
0x1c8: {  	[tilespmem:s12+$0xFFFFFFD0] =	vst v9;
	v24 =	vld [tilespmem:s9+$0x10];
	v21 =	vmul.f32 $1.442695020e+00, v21;
	v25 =	vsel vm15, v25, v53;
	vm14 =	vgt.f32 v27, $0.0e+00  }
0x1c9: {  	v29 =	vbroadcast v7, $0x2;
	[tilespmem:s23+$0xFFFFFFB0] =	vst v23;
	v9 =	vsub.f32 v25, v0;
	v23 =	vsel vm14, v27, v26  }
0x1ca: {  	[tilespmem:s12+$0xFFFFFFC0] =	vst v18;
	v8 =	vbroadcast v8, $0x7;
	v18 =	vld [tilespmem:s9+$0xFFFFFFE0];
	(erf) = vpow2.f32 v21;
	v23 =	vsub.f32 v23, v0  }
0x1cb: {  	[tilespmem:s12+$0xE0] =	vst v11;
	v21 =	vunpack.i.u.bf16.f32 v31;
	v11 =	vunpack.i.l.bf16.f32 v31;
	v9 =	vmul.f32 $1.442695020e+00, v9  }
0x1cc: {  	[tilespmem:s12+$0x40] =	vst v19;
	v25 =	vld [tilespmem:s16+$0xFFFFFFF0];
	v20 =	vmul.f32 v21, v20;
	v26 =	vunpack.i.u.bf16.f32 v28;
	v19 =	vmul.f32 $1.442695020e+00, v23  }
0x1cd: {  	[tilespmem:s12+$0x50] =	vst v43;
	v8 =	vmul.f32 v26, v8;
	v23 =	vunpack.i.u.bf16.f32 v24;
	v24 =	vunpack.i.l.bf16.f32 v24  }
0x1ce: {  	v36 =	vunpack.i.l.bf16.f32 v36;
	[tilespmem:s23+$0xFFFFFF50] =	vst v20;
	v26 =	vld [tilespmem:s16+$0x30];
	(erf) = vpow2.f32 v19;
	v19 =	vmul.f32 v24, v29  }
0x1cf: {  	v5 =	vbroadcast v7, $0x5;
	[tilespmem:s23+$0xF0] =	vst v8;
	v8 =	vunpack.i.u.bf16.f32 v18;
	(erf) = vpow2.f32 v9  }
0x1d0: {  	s16 =	simm.s32 $0x9380;
	v18 =	vunpack.i.l.bf16.f32 v18;
	v9 =	vmul.f32 v23, v63;
	v23 =	vmul.f32 v11, v30;
	v11 =	vpop (erf);
	[tilespmem:s23+$0x20] =	vst v19  }
0x1d1: {  	v18 =	vmul.f32 v18, v22;
	v21 =	vmul.f32 v8, v51;
	v22 =	vunpack.i.l.bf16.f32 v25;
	[tilespmem:s16+$0x10] =	vst v11  }
0x1d2: {  	s11 =	simm.s32 $0x1860;
	v8 =	vbroadcast v7, $0x6;
	v7 =	vbroadcast v7, $0x7;
	v19 =	vunpack.i.u.bf16.f32 v25;
	[tilespmem:s23+$0x30] =	vst v9  }
0x1d3: {  	v27 =	vmul.f32 v22, v14;
	v25 =	vld [tilespmem:s11+$0x40];
	[tilespmem:s23+$0xFFFFFF40] =	vst v23;
	v23 =	vmul.f32 v36, v12;
	v12 =	vunpack.i.l.bf16.f32 v26  }
0x1d4: {  	v14 =	vunpack.i.l.bf16.f32 v28;
	v62 =	vbroadcast v11, $0x3;
	v9 =	vbroadcast v11, $0x6;
	[tilespmem:s23+$0xFFFFFFC0] =	vst v18  }
0x1d5: {  	v24 =	vunpack.i.u.bf16.f32 v26;
	v26 =	vmul.f32 v50, v13;
	v18 =	vmul.f32 v19, v10;
	[tilespmem:s23+$0xFFFFFFD0] =	vst v21;
	v13 =	vld [tilespmem:s9+$0x20]  }
0x1d6: {  	v17 =	vmul.f32 v14, v17;
	v20 =	vmul.f32 v12, v16;
	[tilespmem:s12+$0xFFFFFF60] =	vst v23;
	v12 =	vpop (erf)  }
0x1d7: {  	v19 =	vbroadcast v11, $0x0;
	v21 =	vmul.f32 v24, v15;
	v14 =	vld [tilespmem:s9+$0xFFFFFFB0];
	[tilespmem:s16+$0xFFFFFFF0] =	vst v12;
	v10 =	vpop (erf)  }
0x1d8: {  	v24 =	vbroadcast v11, $0x1;
	v16 =	vbroadcast v12, $0x0;
	v28 =	vld [tilespmem:s11+$0xFFFFFFC0];
	v22 =	vunpack.i.l.bf16.f32 v25;
	[tilespmem:s16+$0x0] =	vst v10;
	v15 =	vpop (erf)  }
0x1d9: {  	v29 =	vbroadcast v12, $0x1;
	v25 =	vunpack.i.u.bf16.f32 v25;
	v54 =	vmul.f32 v19, v22;
	[tilespmem:s16+$0xFFFFFFE0] =	vst v15;
	v31 =	vld [tilespmem:s11+$0x0]  }
0x1da: {  	s15 =	simm.s32 $0x56E0;
	[tilespmem:s12+$0xFFFFFF70] =	vst v26;
	v26 =	vbroadcast v12, $0x2;
	v19 =	vunpack.i.u.bf16.f32 v13;
	v57 =	vmul.f32 v24, v25;
	v55 =	vld [tilespmem:s11+$0xFFFFFF80]  }
0x1db: {  	v22 =	vunpack.i.l.bf16.f32 v13;
	v23 =	vbroadcast v10, $0x0;
	v58 =	vbroadcast v10, $0x1;
	[tilespmem:s15+$0x80] =	vst v54  }
0x1dc: {  	v13 =	vunpack.i.u.bf16.f32 v14;
	v30 =	vbroadcast v15, $0x0;
	v56 =	vbroadcast v15, $0x1;
	[tilespmem:s15+$0x90] =	vst v57  }
0x1dd: {  	v25 =	vbroadcast v15, $0x2;
	v61 =	vld [tilespmem:s11+$0x50];
	v60 =	vunpack.i.u.bf16.f32 v28;
	v28 =	vunpack.i.l.bf16.f32 v28  }
0x1de: {  	v59 =	vld [tilespmem:s9+$0xFFFFFFF0];
	[tilespmem:s12+$0xFFFFFFE0] =	vst v27;
	v14 =	vunpack.i.l.bf16.f32 v14;
	v24 =	vbroadcast v15, $0x3;
	v16 =	vmul.f32 v16, v28  }
0x1df: {  	[tilespmem:s12+$0xFFFFFFF0] =	vst v18;
	v29 =	vmul.f32 v29, v60;
	v18 =	vunpack.i.l.bf16.f32 v31;
	v33 =	vunpack.i.l.bf16.f32 v55  }
0x1e0: {  	[tilespmem:s15+$0xFFFFFF80] =	vst v16;
	v27 =	vunpack.i.u.bf16.f32 v55;
	v23 =	vmul.f32 v23, v18;
	v30 =	vmul.f32 v30, v33  }
0x1e1: {  	v28 =	vunpack.i.u.bf16.f32 v31;
	[tilespmem:s15+$0xFFFFFF90] =	vst v29;
	v18 =	vbroadcast v11, $0x2;
	v27 =	vmul.f32 v56, v27  }
0x1e2: {  	v29 =	vunpack.i.l.bf16.f32 v61;
	v63 =	vunpack.i.u.bf16.f32 v61;
	[tilespmem:s15+$0xFFFFFF00] =	vst v30;
	v30 =	vmul.f32 v58, v28;
	v28 =	vld [tilespmem:s11+$0xFFFFFFD0]  }
0x1e3: {  	v16 =	vunpack.i.u.bf16.f32 v59;
	v32 =	vmul.f32 v63, v62;
	v31 =	vmul.f32 v29, v18;
	[tilespmem:s15+$0xFFFFFF10] =	vst v27  }
0x1e4: {  	s13 =	simm.s32 $0x7FC0;
	s24 =	simm.s32 $0x8;
	v18 =	vunpack.i.l.bf16.f32 v59;
	[tilespmem:s15+$0x0] =	vst v23;
	v23 =	vbroadcast v10, $0x2;
	v27 =	vbroadcast v12, $0x3;
	v29 =	vld [tilespmem:s11+$0xFFFFFF90]  }
.LBB2_5:
0x1e5: {  	v33 =	vld [tilespmem:s13+$0x10];
	v34 =	vbroadcast v15, $0x4;
	v35 =	vbroadcast v10, $0x3;
	[tilespmem:s15+$0xA0] =	vst v31;
	s10 =	sadd.s32 $0x40, s10  }
0x1e6: {  	v36 =	vbroadcast v15, $0x5;
	v37 =	vbroadcast v12, $0x4;
	v31 =	vld [tilespmem:s10+$0x10];
	[tilespmem:s15+$0xB0] =	vst v32  }
0x1e7: {  	v38 =	vbroadcast v12, $0x5;
	v32 =	vunpack.i.u.bf16.f32 v28;
	v28 =	vunpack.i.l.bf16.f32 v28;
	[tilespmem:s15+$0x10] =	vst v30;
	v30 =	vld [tilespmem:s11+$0x60]  }
0x1e8: {  	v39 =	vld [tilespmem:s10+$0xFFFFFFE0];
	v26 =	vmul.f32 v28, v26;
	v27 =	vmul.f32 v32, v27;
	[tilespmem:s12+$0x60] =	vst v20  }
0x1e9: {  	s24 =	sadd.s32 $0x4, s24;
	v32 =	vbroadcast v10, $0x4;
	v20 =	vld [tilespmem:s13+$0xFFFFFFF0];
	v28 =	vunpack.i.u.bf16.f32 v29;
	v29 =	vunpack.i.l.bf16.f32 v29;
	[tilespmem:s12+$0x70] =	vst v21;
	s12 =	smov.u32 s23;
	s23 =	smov.u32 s15  }
0x1ea: {  	p0 =	slt.u32 s24, $0x4C;
	v21 =	vld [tilespmem:s10+$0xFFFFFFF0];
	v25 =	vmul.f32 v29, v25;
	v24 =	vmul.f32 v28, v24;
	[tilespmem:s15+$0xFFFFFFA0] =	vst v26  }
0x1eb: {  	v29 =	vbroadcast v11, $0x4;
	v26 =	vld [tilespmem:s13+$0x0];
	v28 =	vadd.f32 v31, v33;
	[tilespmem:s15+$0xFFFFFFB0] =	vst v27;
	v27 =	vbroadcast v10, $0x5  }
0x1ec: {  	v22 =	vmul.f32 v22, v6;
	v6 =	vmovc v32;
	v33 =	vbroadcast v11, $0x5;
	v31 =	vld [tilespmem:s10+$0x0];
	[tilespmem:s15+$0xFFFFFF20] =	vst v25;
	v25 =	vunpack.i.l.bf16.f32 v30  }
0x1ed: {  	v32 =	vld [tilespmem:s13+$0xFFFFFFE0];
	v40 =	vmul.f32 $2.000000030e-01, v28;
	[tilespmem:s15+$0xFFFFFF30] =	vst v24;
	v24 =	vunpack.i.u.bf16.f32 v30;
	v25 =	vmul.f32 v25, v29  }
0x1ee: {  	v19 =	vmul.f32 v19, v5;
	vm0 =	vgt.f32 v28, $0.0e+00;
	v5 =	vmovc v27;
	v29 =	vld [tilespmem:s11+$0x10];
	v24 =	vmul.f32 v24, v33;
	[tilespmem:s12+$0x40] =	vst v22  }
0x1ef: {  	v27 =	vbroadcast v15, $0x6;
	v20 =	vadd.f32 v21, v20;
	v21 =	vsel vm0, v28, v40;
	v22 =	vld [tilespmem:s11+$0xFFFFFFA0];
	[tilespmem:s15+$0xC0] =	vst v25  }
0x1f0: {  	v15 =	vbroadcast v15, $0x7;
	v28 =	vbroadcast v12, $0x6;
	v21 =	vsub.f32 v21, v0;
	v25 =	vld [tilespmem:s11+$0xFFFFFFE0];
	[tilespmem:s15+$0xD0] =	vst v24  }
0x1f1: {  	vm0 =	vgt.f32 v20, $0.0e+00;
	v24 =	vmul.f32 $2.000000030e-01, v20;
	v26 =	vadd.f32 v31, v26;
	v30 =	vld [tilespmem:s11+$0x70];
	[tilespmem:s12+$0x50] =	vst v19  }
0x1f2: {  	v12 =	vbroadcast v12, $0x7;
	v19 =	vadd.f32 v39, v32;
	v21 =	vmul.f32 $1.442695020e+00, v21;
	v31 =	vld [tilespmem:s9+$0x30];
	[tilespmem:s12+$0xE0] =	vst v17;
	s9 =	smov.u32 s11  }
0x1f3: {  	v17 =	vsel vm0, v20, v24;
	vm0 =	vgt.f32 v26, $0.0e+00;
	v20 =	vmul.f32 $2.000000030e-01, v26  }
0x1f4: {  	vm1 =	vgt.f32 v19, $0.0e+00;
	v24 =	vmul.f32 $2.000000030e-01, v19;
	(erf) = vpow2.f32 v21  }
0x1f5: {  	v11 =	vbroadcast v11, $0x7;
	v17 =	vsub.f32 v17, v0;
	v20 =	vsel vm0, v26, v20  }
0x1f6: {  	v19 =	vsel vm1, v19, v24;
	v20 =	vsub.f32 v20, v0;
	v21 =	vunpack.i.u.bf16.f32 v30  }
0x1f7: {  	v17 =	vmul.f32 $1.442695020e+00, v17;
	v19 =	vsub.f32 v19, v0;
	v11 =	vmul.f32 v21, v11  }
0x1f8: {  	v24 =	vunpack.i.l.bf16.f32 v29;
	v21 =	vunpack.i.u.bf16.f32 v29;
	v20 =	vmul.f32 $1.442695020e+00, v20  }
0x1f9: {  	v19 =	vmul.f32 $1.442695020e+00, v19;
	(erf) = vpow2.f32 v17;
	v17 =	vunpack.i.u.bf16.f32 v22;
	[tilespmem:s15+$0xF0] =	vst v11  }
0x1fa: {  	v11 =	vunpack.i.l.bf16.f32 v22;
	(erf) = vpow2.f32 v20;
	v20 =	vmul.f32 v24, v23  }
0x1fb: {  	v21 =	vmul.f32 v21, v35;
	(erf) = vpow2.f32 v19;
	v19 =	vunpack.i.u.bf16.f32 v25  }
0x1fc: {  	v22 =	vmul.f32 v11, v34;
	v17 =	vmul.f32 v17, v36;
	v23 =	vunpack.i.l.bf16.f32 v25;
	[tilespmem:s15+$0x20] =	vst v20  }
0x1fd: {  	s16 =	sadd.s32 $0x40, s16;
	v20 =	vmul.f32 v23, v37;
	v19 =	vmul.f32 v19, v38;
	v11 =	vpop (erf);
	[tilespmem:s15+$0x30] =	vst v21;
	v21 =	vunpack.i.u.bf16.f32 v31  }
0x1fe: {  	s11 =	sadd.s32 $0x100, s11;
	v24 =	vbroadcast v10, $0x6;
	v10 =	vbroadcast v10, $0x7;
	v25 =	vunpack.i.l.bf16.f32 v31;
	[tilespmem:s16+$0x10] =	vst v11;
	v23 =	vld [tilespmem:s9+$0x20]  }
0x1ff: {  	v14 =	vmul.f32 v14, v3;
	v3 =	vmovc v27;
	v29 =	vbroadcast v11, $0x6;
	v26 =	vld [tilespmem:s11+$0x40];
	[tilespmem:s15+$0xFFFFFF40] =	vst v22;
	v22 =	vunpack.i.l.bf16.f32 v30  }
0x200: {  	v18 =	vmul.f32 v18, v1;
	v27 =	vmul.f32 v13, v4;
	v4 =	vmovc v15;
	v1 =	vmov v28;
	[tilespmem:s15+$0xFFFFFF50] =	vst v17  }
0x201: {  	v16 =	vmul.f32 v16, v2;
	v2 =	vmovc v12;
	v28 =	vld [tilespmem:s9+$0xFFFFFFB0];
	[tilespmem:s15+$0xFFFFFFC0] =	vst v20;
	v20 =	vmul.f32 v25, v8;
	v8 =	vmov v24  }
0x202: {  	v21 =	vmul.f32 v21, v7;
	v7 =	vmov v10;
	v17 =	vmul.f32 v22, v9;
	v12 =	vpop (erf);
	[tilespmem:s15+$0xFFFFFFD0] =	vst v19  }
0x203: {  	v25 =	vbroadcast v11, $0x0;
	[tilespmem:s16+$0xFFFFFFF0] =	vst v12;
	v30 =	vbroadcast v12, $0x0;
	v10 =	vpop (erf);
	v31 =	vld [tilespmem:s9+$0xFFFFFFF0];
	v19 =	vunpack.i.u.bf16.f32 v23  }
0x204: {  	v22 =	vbroadcast v11, $0x1;
	v33 =	vbroadcast v12, $0x1;
	v32 =	vld [tilespmem:s11+$0xFFFFFFC0];
	[tilespmem:s16+$0x0] =	vst v10;
	v13 =	vunpack.i.l.bf16.f32 v26;
	v15 =	vpop (erf)  }
0x205: {  	v9 =	vmovc v29;
	v24 =	vunpack.i.u.bf16.f32 v26;
	[tilespmem:s16+$0xFFFFFFE0] =	vst v15;
	v34 =	vbroadcast v15, $0x0;
	v35 =	vld [tilespmem:s11+$0x0];
	v13 =	vmul.f32 v25, v13  }
0x206: {  	s15 =	sadd.s32 $0x200, s15;
	v36 =	vbroadcast v15, $0x1;
	v26 =	vmul.f32 v22, v24;
	v22 =	vunpack.i.l.bf16.f32 v23;
	v29 =	vld [tilespmem:s11+$0xFFFFFF80];
	[tilespmem:s12+$0xFFFFFF60] =	vst v14  }
0x207: {  	v37 =	vbroadcast v10, $0x1;
	v23 =	vbroadcast v10, $0x0;
	[tilespmem:s15+$0x80] =	vst v13;
	v13 =	vunpack.i.u.bf16.f32 v28  }
0x208: {  	v25 =	vbroadcast v15, $0x2;
	v24 =	vbroadcast v15, $0x3;
	v14 =	vunpack.i.l.bf16.f32 v28;
	[tilespmem:s15+$0x90] =	vst v26  }
0x209: {  	v26 =	vbroadcast v12, $0x2;
	v28 =	vunpack.i.u.bf16.f32 v32;
	v32 =	vunpack.i.l.bf16.f32 v32;
	v38 =	vld [tilespmem:s11+$0x50];
	[tilespmem:s12+$0xFFFFFF70] =	vst v27  }
0x20a: {  	v27 =	vmul.f32 v30, v32;
	v30 =	vunpack.i.u.bf16.f32 v35;
	v32 =	vunpack.i.l.bf16.f32 v35;
	[tilespmem:s12+$0xFFFFFFE0] =	vst v18  }
0x20b: {  	v28 =	vmul.f32 v33, v28;
	v18 =	vunpack.i.u.bf16.f32 v29;
	v29 =	vunpack.i.l.bf16.f32 v29;
	[tilespmem:s12+$0xFFFFFFF0] =	vst v16  }
.Ltmp1:
0x20c: {  	v16 =	vunpack.i.u.bf16.f32 v31;
	v29 =	vmul.f32 v34, v29;
	v33 =	vmul.f32 v36, v18;
	[tilespmem:s15+$0xFFFFFF80] =	vst v27;
	(pc) =	sbr.rel @p0 .LBB2_5-.Ltmp1, $4  }
0x20d: {  	v23 =	vmul.f32 v23, v32;
	v32 =	vbroadcast v11, $0x2;
	v18 =	vunpack.i.l.bf16.f32 v31;
	[tilespmem:s15+$0xFFFFFF90] =	vst v28  }
0x20e: {  	v30 =	vmul.f32 v37, v30;
	v34 =	vbroadcast v11, $0x3;
	[tilespmem:s15+$0xFFFFFF00] =	vst v29;
	v28 =	vld [tilespmem:s11+$0xFFFFFFD0];
	v29 =	vunpack.i.l.bf16.f32 v38  }
0x20f: {  	v27 =	vbroadcast v12, $0x3;
	[tilespmem:s15+$0xFFFFFF10] =	vst v33;
	v33 =	vunpack.i.u.bf16.f32 v38;
	v31 =	vmul.f32 v29, v32  }
0x210: {  	s13 =	sadd.s32 $0x40, s13;
	v29 =	vld [tilespmem:s11+$0xFFFFFF90];
	[tilespmem:s15+$0x0] =	vst v23;
	v23 =	vbroadcast v10, $0x2;
	v32 =	vmul.f32 v33, v34  }
0x211: {  	[tilespmem:s15+$0xA0] =	vst v31  }
0x212: {  	[tilespmem:s15+$0x10] =	vst v30  }
0x213: {  	[tilespmem:s12+$0x60] =	vst v20  }
0x214: {  	[tilespmem:s12+$0x70] =	vst v21  }
0x215: {  	v6 =	vmul.f32 v22, v6;
	[tilespmem:s23+$0xE0] =	vst v17  }
0x216: {  	v3 =	vmul.f32 v14, v3;
	[tilespmem:s15+$0xB0] =	vst v32  }
0x217: {  	v4 =	vmul.f32 v13, v4;
	v59 =	vld [tilespmem:s11+$0x10];
	[tilespmem:s23+$0x40] =	vst v6  }
0x218: {  	v1 =	vmul.f32 v18, v1;
	v58 =	vunpack.i.l.bf16.f32 v28;
	[tilespmem:s23+$0xFFFFFF60] =	vst v3  }
0x219: {  	v0 =	vld [tilespmem:s11+$0x60];
	v60 =	vunpack.i.u.bf16.f32 v28;
	[tilespmem:s23+$0xFFFFFF70] =	vst v4;
	v20 =	vmul.f32 v58, v26  }
0x21a: {  	[tilespmem:s23+$0xFFFFFFE0] =	vst v1;
	v61 =	vmul.f32 v60, v27;
	v57 =	vunpack.i.u.bf16.f32 v29  }
0x21b: {  	v52 =	vbroadcast v11, $0x4;
	v51 =	vunpack.i.l.bf16.f32 v29;
	v24 =	vmul.f32 v57, v24;
	[tilespmem:s15+$0xFFFFFFA0] =	vst v20  }
0x21c: {  	v26 =	vbroadcast v10, $0x3;
	v53 =	vmul.f32 v51, v25;
	[tilespmem:s15+$0xFFFFFFB0] =	vst v61;
	v28 =	vunpack.i.l.bf16.f32 v59  }
0x21d: {  	v27 =	vld [tilespmem:s11+$0xFFFFFFE0];
	v30 =	vunpack.i.u.bf16.f32 v59;
	[tilespmem:s15+$0xFFFFFF30] =	vst v24;
	v24 =	vmul.f32 v19, v5;
	v19 =	vmul.f32 v28, v23  }
0x21e: {  	v55 =	vbroadcast v11, $0x5;
	v54 =	vunpack.i.l.bf16.f32 v0;
	[tilespmem:s15+$0xFFFFFF20] =	vst v53;
	v5 =	vmul.f32 v30, v26  }
0x21f: {  	v0 =	vunpack.i.u.bf16.f32 v0;
	v56 =	vmul.f32 v54, v52;
	v63 =	vld [tilespmem:s11+$0xFFFFFFA0];
	[tilespmem:s15+$0x20] =	vst v19  }
0x220: {  	v0 =	vmul.f32 v0, v55;
	[tilespmem:s15+$0x30] =	vst v5  }
0x221: {  	v31 =	vbroadcast v15, $0x4;
	v35 =	vbroadcast v12, $0x4;
	[tilespmem:s15+$0xC0] =	vst v56;
	v39 =	vld [tilespmem:s11+$0x20]  }
0x222: {  	v36 =	vbroadcast v12, $0x5;
	v2 =	vmul.f32 v16, v2;
	[tilespmem:s15+$0xD0] =	vst v0;
	v38 =	vunpack.i.l.bf16.f32 v27  }
0x223: {  	v29 =	vbroadcast v11, $0x7;
	[tilespmem:s23+$0x50] =	vst v24;
	v62 =	vld [tilespmem:s11+$0x70];
	v6 =	vunpack.i.u.bf16.f32 v27;
	v11 =	vmul.f32 v38, v35  }
0x224: {  	v33 =	vbroadcast v15, $0x5;
	[tilespmem:s23+$0xFFFFFFF0] =	vst v2;
	v40 =	vld [tilespmem:s9+$0x30];
	v5 =	vmul.f32 v6, v36;
	v34 =	vunpack.i.l.bf16.f32 v63  }
0x225: {  	v41 =	vbroadcast v10, $0x4;
	v20 =	vunpack.i.u.bf16.f32 v63;
	v17 =	vmul.f32 v34, v31;
	[tilespmem:s15+$0xFFFFFFC0] =	vst v11  }
0x226: {  	v42 =	vbroadcast v10, $0x5;
	v37 =	vmul.f32 v20, v33;
	[tilespmem:s15+$0xFFFFFFD0] =	vst v5;
	v43 =	vunpack.i.l.bf16.f32 v39  }
0x227: {  	v45 =	vunpack.i.u.bf16.f32 v39;
	v49 =	vld [tilespmem:s11+$0xFFFFFFF0];
	[tilespmem:s15+$0xFFFFFF40] =	vst v17;
	v46 =	vmul.f32 v43, v41  }
0x228: {  	v32 =	vunpack.i.u.bf16.f32 v62;
	[tilespmem:s15+$0xFFFFFF50] =	vst v37;
	v47 =	vmul.f32 v45, v42  }
0x229: {  	v48 =	vunpack.i.l.bf16.f32 v40;
	v0 =	vmul.f32 v32, v29;
	v44 =	vld [tilespmem:s11+$0xFFFFFFB0];
	[tilespmem:s15+$0x40] =	vst v46  }
0x22a: {  	v50 =	vmul.f32 v48, v8;
	v52 =	vunpack.i.l.bf16.f32 v62;
	[tilespmem:s15+$0x50] =	vst v47  }
0x22b: {  	v56 =	vbroadcast v12, $0x6;
	v5 =	vmul.f32 v52, v9;
	[tilespmem:s15+$0xF0] =	vst v0;
	v0 =	vunpack.i.u.bf16.f32 v40;
	v53 =	vld [tilespmem:s11+$0x30]  }
0x22c: {  	v58 =	vbroadcast v12, $0x7;
	[tilespmem:s23+$0x60] =	vst v50;
	v0 =	vmul.f32 v0, v7;
	v59 =	vunpack.i.l.bf16.f32 v49  }
0x22d: {  	v51 =	vbroadcast v15, $0x6;
	[tilespmem:s15+$0xE0] =	vst v5;
	v6 =	vunpack.i.u.bf16.f32 v49;
	v4 =	vmul.f32 v59, v56  }
0x22e: {  	v54 =	vbroadcast v15, $0x7;
	v1 =	vmul.f32 v6, v58;
	v55 =	vunpack.i.l.bf16.f32 v44;
	[tilespmem:s23+$0x70] =	vst v0  }
0x22f: {  	v60 =	vbroadcast v10, $0x6;
	v3 =	vunpack.i.u.bf16.f32 v44;
	v57 =	vmul.f32 v55, v51;
	[tilespmem:s15+$0xFFFFFFE0] =	vst v4  }
0x230: {  	v61 =	vbroadcast v10, $0x7;
	v3 =	vmul.f32 v3, v54;
	[tilespmem:s15+$0xFFFFFFF0] =	vst v1;
	v62 =	vunpack.i.l.bf16.f32 v53  }
0x231: {  	s5 =	sadd.s32 $0x1, s5;
	v2 =	vunpack.i.u.bf16.f32 v53;
	[tilespmem:s15+$0xFFFFFF60] =	vst v57;
	v63 =	vmul.f32 v62, v60  }
0x232: {  	p0 =	sne.s32 s5, $0x3F;
	[tilespmem:s15+$0xFFFFFF70] =	vst v3;
	v0 =	vmul.f32 v2, v61  }
.Ltmp2:
0x233: {  	[tilespmem:s15+$0x60] =	vst v63;
	(pc) =	sbr.rel @p0 .LBB2_2-.Ltmp2, $4  }
0x234: {  	s24 =	simm.s32 $0x92E0;
	[tilespmem:s15+$0x70] =	vst v0  }
0x235: {  	[spmem:s4] =	stream.indirect.scatter.add.f32 [tilespmem:s24], [sflag:$0xA], $0x10, s22, s26, $0xb8;
	[tilespmem:$0x1F810] =	vst v63  }
0x236: {  	s28 =	simm.s32 $0x51E0  }
0x237: {  	[spmem:s2] =	stream.indirect.scatter.add.f32 [tilespmem:s28], [sflag:$0xC], $0x80, s22, s26, $0xb8;
	[tilespmem:$0x1F810] =	vst v63  }
0x238: {  	s5 =	simm.s32 $0x9  }
0x239: {  	_ =	swait.ge [sflag:s5], $0x500  }
0x23a: {  	[sflag:s5] =	ssyncset.done $0x0  }
0x23b: {  	s11 =	simm.s32 $0xB;
	[sflag:s5] =	ssyncadd.s32 $0xFFFFFB00  }
0x23c: {  	_ =	swait.ge [sflag:s11], $0x2800  }
0x23d: {  	[sflag:s11] =	ssyncset.done $0x0  }
0x23e: {  	s12 =	simm.s32 $0xA;
	[sflag:s11] =	ssyncadd.s32 $0xFFFFD800  }
0x23f: {  	_ =	swait.ge [sflag:s12], $0x500  }
0x240: {  	[sflag:s12] =	ssyncset.done $0x0  }
0x241: {  	s13 =	simm.s32 $0xC;
	[sflag:s12] =	ssyncadd.s32 $0xFFFFFB00  }
0x242: {  	_ =	swait.ge [sflag:s13], $0x2800  }
0x243: {  	[sflag:s13] =	ssyncset.done $0x0  }
0x244: {  	[sflag:s13] =	ssyncadd.s32 $0xFFFFD800  }
0x245: {  	[bflag:$0x0] =	sbarrier.arrive $0xFFFF  }
0x246: {  	s11 =	rddreg [dreg:$0x8]  }
0x247: {  	s15 =	rddreg [dreg:$0x10]  }
0x248: {  	s10 =	simm.s32 $0xD;
	s9 =	rddreg [dreg:$0x13]  }
0x249: {  	[hbm:s15], [sflag:s11] =	dma.local [spmem:s9], $0x2720  }
0x24a: {  	_ =	swait.ge [sflag:s10], $0x2720  }
0x24b: {  	[sflag:s10] =	ssyncset.done $0x0;
	s16 =	rddreg [dreg:$0x11]  }
0x24c: {  	s23 =	rddreg [dreg:$0x14];
	[sflag:s10] =	ssyncadd.s32 $0xFFFFD8E0  }
0x24d: {  	[hbm:s16], [sflag:s11] =	dma.local [spmem:s23], $0x4E4  }
0x24e: {  	_ =	swait.ge [sflag:s10], $0x4E4  }
0x24f: {  	s24 =	rddreg [dreg:$0x12]  }
0x250: {  	s28 =	rddreg [dreg:$0xf];
	s9 =	sadd.s32 $0x1, s24  }
0x251: {  	p0 =	sne.s32 s9, s28  }
.Ltmp3:
0x252: {  	_ = 	snop;
	(pc) =	sbr.rel @p0 .LBB2_1-.Ltmp3, $3  }
0x253: {  	_ =	sdelay $0x1  }
0x254: {  	[sflag:s10] =	ssyncset.done $0x0  }
0x255: {  	[sflag:s10] =	ssyncadd.s32 $0xFFFFFB1C  }
0x256: {  	_ =	sfence.sel $0x180000  }
0x257: {  	[bflag:$0x0] =	sbarrier.arrive $0xFFFF  }
0x258: {  	_ =	strace $0x90000047  }
0x259: {  	s0 =	stileid.u32;
	[bflag:$0x2] =	sbarrier.arrive $0xFFFF  }
0x25a: {  	p0 =	sne.s32 s0, $0x0;
	s0 =	rddreg [dreg:$0x4]  }
0x25b: {  	s0 =	sadd.s32 @!p0 $0x100000, s0  }
0x25c: {  	[sflag:s0] =	ssyncadd.tile.s32 @!p0 $0x1;
	_ =	shalt  }
.Lfunc_end2:
_tile_overlayer_lowered:
.L_overlay_start_2:
0x25d: {  	(tag) =	ssettag $0x2  }
0x25e: {  	s0 =	rddreg [dreg:$0x0];
	s2 =	stileid.u32  }
0x25f: {  	s1 =	rddreg [dreg:$0x1];
	p0 =	sne.s32 s2, $0x0  }
0x260: {  	s3 =	rddreg [dreg:$0x2];
	[bflag:$0x3] =	sbarrier.arrive $0xFFFF;
	s2 =	simm.s32 @!p0 $0x1C0D  }
0x261: {  	[timem:s3], [sflag:s2] =	dma.local @!p0 [hbm:s0], s1  }
0x262: {  	s0 =	simm.s32 @!p0 $0xD  }
0x263: {  	_ =	swait.ge @!p0 [sflag:s0], s1  }
0x264: {  	s1 =	ssub.s32 @!p0 $0x0, s1;
	[sflag:s0] =	ssyncset.done @!p0 $0x0  }
0x265: {  	[sflag:s0] =	ssyncadd.s32 @!p0 s1  }
0x266: {  	[bflag:$0x3] =	sbarrier.arrive $0xFFFF  }
0x267: {  	_ =	shalt  }

</sc_bundles>
